<compile_context>
chip_gen: v7x
topology: tpu7x:2x2x1
jax: 0.10.2.dev20260603
libtpu: 0.0.44.dev20260713+nightly
codegen_flags: <defaults>
</compile_context>

<pallas_src>
import functools

import jax
import jax.numpy as jnp
from jax import lax
from jax.experimental import pallas as pl
from jax.experimental.pallas import tpu as pltpu
from jax.experimental.pallas import tpu_sc as plsc

B = 16384
VOCAB = 1000000
EMBED_DIM = 32
NUM_CONT = 13

_info = plsc.get_sparse_core_info()
NC, NS, L = _info.num_cores, _info.num_subcores, _info.num_lanes
NW = NC * NS
BPW = B // NW
NGRP = BPW // L

BLK = 65536
H = 4 * BLK
TB = VOCAB - H
_GRID = (TB + BLK - 1) // BLK
_OFF = H // BLK
BLKB = 2048
_ZSTEPS = B // BLKB

CPT = H // NW
CH = 1024
NCH = CPT // CH
NGC = CH // L

_mesh = plsc.VectorSubcoreMesh(core_axis_name="c", subcore_axis_name="s")



@functools.partial(
    pl.kernel,
    mesh=_mesh,
    out_type=jax.ShapeDtypeStruct((H,), jnp.float32),
    scratch_types=[
        pltpu.VMEM((EMBED_DIM, CH), jnp.float32),
        pltpu.VMEM((EMBED_DIM, CH), jnp.float32),
        pltpu.VMEM((CPT,), jnp.float32),
        pltpu.VMEM((2 * L,), jnp.float32),
        pltpu.SemaphoreType.DMA,
        pltpu.SemaphoreType.DMA,
    ],
    compiler_params=pltpu.CompilerParams(
        needs_layout_passes=False, skip_device_barrier=True),
)
def _sc_partial(t_hbm, w_hbm, yf_hbm, buf0, buf1, acc_v, w_v, sem0, sem1):
    wid = lax.axis_index("s") * NC + lax.axis_index("c")
    c0 = wid * CPT
    pltpu.sync_copy(w_hbm, w_v)
    wv = [w_v[pl.ds(k * L, L)] for k in range(2)]
    w = [wv[d // L][d % L] for d in range(EMBED_DIM)]
    bufs = (buf0, buf1)
    sems = (sem0, sem1)

    def start(ch):
        return pltpu.async_copy(
            t_hbm.at[pl.ds(0, EMBED_DIM), pl.ds(c0 + ch * CH, CH)],
            bufs[ch % 2], sems[ch % 2])

    cp = start(0)
    for ch in range(NCH):
        cp.wait()
        if ch + 1 < NCH:
            cp = start(ch + 1)
        buf = bufs[ch % 2]

        def g_body(g, carry, buf=buf, ch=ch):
            col = g * L
            acc = buf[0, pl.ds(col, L)] * w[0]
            for d in range(1, EMBED_DIM):
                acc = acc + buf[d, pl.ds(col, L)] * w[d]
            acc_v[pl.ds(ch * CH + col, L)] = acc
            return carry

        lax.fori_loop(0, NGC, g_body, 0)
    pltpu.sync_copy(acc_v, yf_hbm.at[pl.ds(c0, CPT)])



def _dense_body(t_ref, w_ref, x_ref, wcb_ref, y_ref, z_ref):
    i = pl.program_id(0)
    y_ref[...] = jax.lax.dot_general(
        w_ref[...], t_ref[...], (((0,), (0,)), ((), ())),
        preferred_element_type=jnp.float32)[0]

    @pl.when(i < _ZSTEPS)
    def _():
        z_ref[...] = jax.lax.dot_general(
            x_ref[...], wcb_ref[:NUM_CONT, :], (((1,), (0,)), ((), ())),
            preferred_element_type=jnp.float32)[:, 0] + wcb_ref[NUM_CONT, 0]


_dense = pl.pallas_call(
    _dense_body,
    grid=(_GRID,),
    in_specs=[
        pl.BlockSpec((EMBED_DIM, BLK), lambda i: (0, i + _OFF)),
        pl.BlockSpec((EMBED_DIM, 1), lambda i: (0, 0)),
        pl.BlockSpec((BLKB, NUM_CONT), lambda i: (jnp.minimum(i, _ZSTEPS - 1), 0)),
        pl.BlockSpec((NUM_CONT + 1, 1), lambda i: (0, 0)),
    ],
    out_specs=[
        pl.BlockSpec((BLK,), lambda i: (i,)),
        pl.BlockSpec((BLKB,), lambda i: (jnp.minimum(i, _ZSTEPS - 1),)),
    ],
    out_shape=[
        jax.ShapeDtypeStruct((TB,), jnp.float32),
        jax.ShapeDtypeStruct((B,), jnp.float32),
    ],
)



@functools.partial(
    pl.kernel,
    mesh=_mesh,
    out_type=jax.ShapeDtypeStruct((B,), jnp.float32),
    scratch_types=[
        pltpu.VMEM((BPW,), jnp.int32),
        pltpu.VMEM((BPW,), jnp.int32),
        pltpu.VMEM((BPW,), jnp.int32),
        pltpu.VMEM((BPW,), jnp.float32),
        pltpu.VMEM((BPW,), jnp.float32),
        pltpu.VMEM((BPW,), jnp.float32),
        pltpu.VMEM((BPW,), jnp.float32),
        pltpu.SemaphoreType.DMA,
        pltpu.SemaphoreType.DMA,
    ],
    compiler_params=pltpu.CompilerParams(
        needs_layout_passes=False, skip_device_barrier=True),
)
def _sc_lookup(idx_hbm, yf_hbm, yb_hbm, z_hbm, out_hbm,
               idx_v, idxf_v, idxb_v, yf_v, yb_v, z_v, out_v, semf, semb):
    wid = lax.axis_index("s") * NC + lax.axis_index("c")
    base = wid * BPW
    pltpu.sync_copy(idx_hbm.at[pl.ds(base, BPW)], idx_v)

    def split_body(g, carry):
        row0 = g * L
        iv = idx_v[pl.ds(row0, L)]
        idxf_v[pl.ds(row0, L)] = jnp.where(iv < H, iv, iv & 0x3FFFF)
        idxb_v[pl.ds(row0, L)] = jnp.where(iv >= H, iv - H, iv & 0x3FFFF)
        return carry

    lax.fori_loop(0, NGRP, split_body, 0)
    gf = pltpu.async_copy(yf_hbm.at[idxf_v], yf_v, semf)
    gb = pltpu.async_copy(yb_hbm.at[idxb_v], yb_v, semb)
    pltpu.sync_copy(z_hbm.at[pl.ds(base, BPW)], z_v)
    gf.wait()
    gb.wait()

    def body(g, carry):
        row0 = g * L
        sel = idx_v[pl.ds(row0, L)] < H
        y16 = jnp.where(sel, yf_v[pl.ds(row0, L)], yb_v[pl.ds(row0, L)])
        out_v[pl.ds(row0, L)] = y16 + z_v[pl.ds(row0, L)]
        return carry

    lax.fori_loop(0, NGRP, body, 0)
    pltpu.sync_copy(out_v, out_hbm.at[pl.ds(base, BPW)])


def kernel(x_cat, x_cont, emb_table, fc_w, fc_b):
    table_t = emb_table.T
    w_col = fc_w[:EMBED_DIM]
    w_flat = fc_w[:EMBED_DIM, 0]
    wcb = jnp.concatenate([fc_w[EMBED_DIM:, 0], fc_b]).reshape(NUM_CONT + 1, 1)
    y_front = _sc_partial(table_t, w_flat)
    y_back, z = _dense(table_t, w_col, x_cont, wcb)
    idx = x_cat.reshape(B)
    out = _sc_lookup(idx, y_front, y_back, z)
    return out.reshape(B, 1)

# --- scband reference (transcript-rebuilt; emitter-appended) ---
"""Pipeline reference for scband-huber-regression-model-75591424409666 (READ-ONLY COPY).

The authoritative reference and input builder live on the scoring server;
editing this copy changes nothing except your own understanding.
"""

import jax, jax.numpy as jnp
import numpy as np

B = 16384
VOCAB = 1000000
EMBED_DIM = 32
NUM_CONT = 13

def setup_inputs(seed: int = 0) -> dict:
    key = jax.random.key(seed)
    k1, k2, k3, k4, k5 = jax.random.split(key, 5)
    x_cat = jax.random.randint(k1, (B, 1), 0, VOCAB, dtype=jnp.int64 if jax.config.jax_enable_x64 else jnp.int32).astype(jnp.int32)
    x_cont = jax.random.normal(k2, (B, NUM_CONT), dtype=jnp.float32)
    emb_table = jax.random.normal(k3, (VOCAB, EMBED_DIM), dtype=jnp.float32)
    fc_w = jax.random.normal(k4, (EMBED_DIM + NUM_CONT, 1), dtype=jnp.float32) * (1.0 / np.sqrt(EMBED_DIM + NUM_CONT))
    fc_b = jax.random.normal(k5, (1,), dtype=jnp.float32) * 0.01
    return {"x_cat": x_cat, "x_cont": x_cont, "emb_table": emb_table, "fc_w": fc_w, "fc_b": fc_b}

def reference(x_cat, x_cont, emb_table, fc_w, fc_b):
    # cat_embed = self.embedding(x_cat).squeeze(1)
    cat_embed = jnp.take(emb_table, x_cat, axis=0)  # [B, 1, D]
    cat_embed = jnp.squeeze(cat_embed, axis=1)      # [B, D]
    # x = torch.cat([cat_embed, x_cont], dim=1)
    x = jnp.concatenate([cat_embed, x_cont], axis=1)  # [B, D + num_cont]
    # return self.fc(x)
    out = x @ fc_w + fc_b  # [B, 1]
    return out

if __name__ == "__main__":
    import jax
    _d = setup_inputs()
    print(jax.jit(kernel)(*tuple(_d.values())))

</pallas_src>

<mosaic_0001>
#map = affine_map<(d0, d1) -> (0, 0)>
#map1 = affine_map<(d0, d1) -> (0)>
module attributes {stable_mosaic.version = 14 : i64} {
  func.func @_sc_partial(%arg0: i32, %arg1: i32, %arg2: memref<32x1000000xf32, #tpu.memory_space<hbm>>, %arg3: memref<32xf32, #tpu.memory_space<hbm>>, %arg4: memref<262144xf32, #tpu.memory_space<hbm>>, %arg5: memref<32x1024xf32, #tpu.memory_space<vmem>>, %arg6: memref<32x1024xf32, #tpu.memory_space<vmem>>, %arg7: memref<8192xf32, #tpu.memory_space<vmem>>, %arg8: memref<32xf32, #tpu.memory_space<vmem>>, %arg9: memref<!tpu.dma_semaphore, #tpu.memory_space<semaphore_mem>>, %arg10: memref<!tpu.dma_semaphore, #tpu.memory_space<semaphore_mem>>) attributes {dimension_semantics = [#tpu.dimension_semantics<core_parallel>, #tpu.dimension_semantics<subcore_parallel>], iteration_bounds = array<i64: 2, 16>, scalar_prefetch = 0 : i64, scratch_operands = 6 : i64, tpu.core_type = #tpu.core_type<sc_vector_subcore>, window_params = [{transform_indices = #map}, {transform_indices = #map1}, {transform_indices = #map1}]} {
    %mul3A = arith.constant 2 : i32
    %mul3A_0 = arith.muli %arg1, %mul3A : i32
    %add3A = arith.addi %mul3A_0, %arg0 : i32
    %mul3A_1 = arith.constant 8192 : i32
    %mul3A_2 = arith.muli %add3A, %mul3A_1 : i32
    "tpu.region"() ({
      %run_scoped3A = tpu.sem_alloc : memref<!tpu.dma_semaphore, #tpu.memory_space<semaphore_mem>>
      tpu.enqueue_dma source(%arg3 : memref<32xf32, #tpu.memory_space<hbm>>) target(%arg8 : memref<32xf32, #tpu.memory_space<vmem>>) target_semaphore(%run_scoped3A : memref<!tpu.dma_semaphore, #tpu.memory_space<semaphore_mem>>)
      tpu.wait_dma2 semaphore(%run_scoped3A : memref<!tpu.dma_semaphore, #tpu.memory_space<semaphore_mem>>) src(%arg3 : memref<32xf32, #tpu.memory_space<hbm>>) dst(%arg8 : memref<32xf32, #tpu.memory_space<vmem>>)
      tpu.yield
    }) : () -> ()
    %get3A = arith.constant 0 : index
    %get3A_3 = tpu.vector_load %arg8[%get3A] {strides = array<i32>} : memref<32xf32, #tpu.memory_space<vmem>>, vector<16xf32>,
    %get3A_4 = arith.constant 16 : index
    %get3A_5 = tpu.vector_load %arg8[%get3A_4] {strides = array<i32>} : memref<32xf32, #tpu.memory_space<vmem>>, vector<16xf32>,
    %slice3A = vector.extract_strided_slice %get3A_3 {offsets = [0], sizes = [1], strides = [1]} : vector<16xf32> to vector<1xf32>
    %squeeze3A = vector.extract %slice3A[0] : f32 from vector<1xf32>
    %slice3A_6 = vector.extract_strided_slice %get3A_3 {offsets = [1], sizes = [1], strides = [1]} : vector<16xf32> to vector<1xf32>
    %squeeze3A_7 = vector.extract %slice3A_6[0] : f32 from vector<1xf32>
    %slice3A_8 = vector.extract_strided_slice %get3A_3 {offsets = [2], sizes = [1], strides = [1]} : vector<16xf32> to vector<1xf32>
    %squeeze3A_9 = vector.extract %slice3A_8[0] : f32 from vector<1xf32>
    %slice3A_10 = vector.extract_strided_slice %get3A_3 {offsets = [3], sizes = [1], strides = [1]} : vector<16xf32> to vector<1xf32>
    %squeeze3A_11 = vector.extract %slice3A_10[0] : f32 from vector<1xf32>
    %slice3A_12 = vector.extract_strided_slice %get3A_3 {offsets = [4], sizes = [1], strides = [1]} : vector<16xf32> to vector<1xf32>
    %squeeze3A_13 = vector.extract %slice3A_12[0] : f32 from vector<1xf32>
    %slice3A_14 = vector.extract_strided_slice %get3A_3 {offsets = [5], sizes = [1], strides = [1]} : vector<16xf32> to vector<1xf32>
    %squeeze3A_15 = vector.extract %slice3A_14[0] : f32 from vector<1xf32>
    %slice3A_16 = vector.extract_strided_slice %get3A_3 {offsets = [6], sizes = [1], strides = [1]} : vector<16xf32> to vector<1xf32>
    %squeeze3A_17 = vector.extract %slice3A_16[0] : f32 from vector<1xf32>
    %slice3A_18 = vector.extract_strided_slice %get3A_3 {offsets = [7], sizes = [1], strides = [1]} : vector<16xf32> to vector<1xf32>
    %squeeze3A_19 = vector.extract %slice3A_18[0] : f32 from vector<1xf32>
    %slice3A_20 = vector.extract_strided_slice %get3A_3 {offsets = [8], sizes = [1], strides = [1]} : vector<16xf32> to vector<1xf32>
    %squeeze3A_21 = vector.extract %slice3A_20[0] : f32 from vector<1xf32>
    %slice3A_22 = vector.extract_strided_slice %get3A_3 {offsets = [9], sizes = [1], strides = [1]} : vector<16xf32> to vector<1xf32>
    %squeeze3A_23 = vector.extract %slice3A_22[0] : f32 from vector<1xf32>
    %slice3A_24 = vector.extract_strided_slice %get3A_3 {offsets = [10], sizes = [1], strides = [1]} : vector<16xf32> to vector<1xf32>
    %squeeze3A_25 = vector.extract %slice3A_24[0] : f32 from vector<1xf32>
    %slice3A_26 = vector.extract_strided_slice %get3A_3 {offsets = [11], sizes = [1], strides = [1]} : vector<16xf32> to vector<1xf32>
    %squeeze3A_27 = vector.extract %slice3A_26[0] : f32 from vector<1xf32>
    %slice3A_28 = vector.extract_strided_slice %get3A_3 {offsets = [12], sizes = [1], strides = [1]} : vector<16xf32> to vector<1xf32>
    %squeeze3A_29 = vector.extract %slice3A_28[0] : f32 from vector<1xf32>
    %slice3A_30 = vector.extract_strided_slice %get3A_3 {offsets = [13], sizes = [1], strides = [1]} : vector<16xf32> to vector<1xf32>
    %squeeze3A_31 = vector.extract %slice3A_30[0] : f32 from vector<1xf32>
    %slice3A_32 = vector.extract_strided_slice %get3A_3 {offsets = [14], sizes = [1], strides = [1]} : vector<16xf32> to vector<1xf32>
    %squeeze3A_33 = vector.extract %slice3A_32[0] : f32 from vector<1xf32>
    %slice3A_34 = vector.extract_strided_slice %get3A_3 {offsets = [15], sizes = [1], strides = [1]} : vector<16xf32> to vector<1xf32>
    %squeeze3A_35 = vector.extract %slice3A_34[0] : f32 from vector<1xf32>
    %slice3A_36 = vector.extract_strided_slice %get3A_5 {offsets = [0], sizes = [1], strides = [1]} : vector<16xf32> to vector<1xf32>
    %squeeze3A_37 = vector.extract %slice3A_36[0] : f32 from vector<1xf32>
    %slice3A_38 = vector.extract_strided_slice %get3A_5 {offsets = [1], sizes = [1], strides = [1]} : vector<16xf32> to vector<1xf32>
    %squeeze3A_39 = vector.extract %slice3A_38[0] : f32 from vector<1xf32>
    %slice3A_40 = vector.extract_strided_slice %get3A_5 {offsets = [2], sizes = [1], strides = [1]} : vector<16xf32> to vector<1xf32>
    %squeeze3A_41 = vector.extract %slice3A_40[0] : f32 from vector<1xf32>
    %slice3A_42 = vector.extract_strided_slice %get3A_5 {offsets = [3], sizes = [1], strides = [1]} : vector<16xf32> to vector<1xf32>
    %squeeze3A_43 = vector.extract %slice3A_42[0] : f32 from vector<1xf32>
    %slice3A_44 = vector.extract_strided_slice %get3A_5 {offsets = [4], sizes = [1], strides = [1]} : vector<16xf32> to vector<1xf32>
    %squeeze3A_45 = vector.extract %slice3A_44[0] : f32 from vector<1xf32>
    %slice3A_46 = vector.extract_strided_slice %get3A_5 {offsets = [5], sizes = [1], strides = [1]} : vector<16xf32> to vector<1xf32>
    %squeeze3A_47 = vector.extract %slice3A_46[0] : f32 from vector<1xf32>
    %slice3A_48 = vector.extract_strided_slice %get3A_5 {offsets = [6], sizes = [1], strides = [1]} : vector<16xf32> to vector<1xf32>
    %squeeze3A_49 = vector.extract %slice3A_48[0] : f32 from vector<1xf32>
    %slice3A_50 = vector.extract_strided_slice %get3A_5 {offsets = [7], sizes = [1], strides = [1]} : vector<16xf32> to vector<1xf32>
    %squeeze3A_51 = vector.extract %slice3A_50[0] : f32 from vector<1xf32>
    %slice3A_52 = vector.extract_strided_slice %get3A_5 {offsets = [8], sizes = [1], strides = [1]} : vector<16xf32> to vector<1xf32>
    %squeeze3A_53 = vector.extract %slice3A_52[0] : f32 from vector<1xf32>
    %slice3A_54 = vector.extract_strided_slice %get3A_5 {offsets = [9], sizes = [1], strides = [1]} : vector<16xf32> to vector<1xf32>
    %squeeze3A_55 = vector.extract %slice3A_54[0] : f32 from vector<1xf32>
    %slice3A_56 = vector.extract_strided_slice %get3A_5 {offsets = [10], sizes = [1], strides = [1]} : vector<16xf32> to vector<1xf32>
    %squeeze3A_57 = vector.extract %slice3A_56[0] : f32 from vector<1xf32>
    %slice3A_58 = vector.extract_strided_slice %get3A_5 {offsets = [11], sizes = [1], strides = [1]} : vector<16xf32> to vector<1xf32>
    %squeeze3A_59 = vector.extract %slice3A_58[0] : f32 from vector<1xf32>
    %slice3A_60 = vector.extract_strided_slice %get3A_5 {offsets = [12], sizes = [1], strides = [1]} : vector<16xf32> to vector<1xf32>
    %squeeze3A_61 = vector.extract %slice3A_60[0] : f32 from vector<1xf32>
    %slice3A_62 = vector.extract_strided_slice %get3A_5 {offsets = [13], sizes = [1], strides = [1]} : vector<16xf32> to vector<1xf32>
    %squeeze3A_63 = vector.extract %slice3A_62[0] : f32 from vector<1xf32>
    %slice3A_64 = vector.extract_strided_slice %get3A_5 {offsets = [14], sizes = [1], strides = [1]} : vector<16xf32> to vector<1xf32>
    %squeeze3A_65 = vector.extract %slice3A_64[0] : f32 from vector<1xf32>
    %slice3A_66 = vector.extract_strided_slice %get3A_5 {offsets = [15], sizes = [1], strides = [1]} : vector<16xf32> to vector<1xf32>
    %squeeze3A_67 = vector.extract %slice3A_66[0] : f32 from vector<1xf32>
    %add3A_68 = arith.constant 0 : i32
    %add3A_69 = arith.addi %mul3A_2, %add3A_68 : i32
    %dma_start3A = arith.constant 0 : i32
    %dma_start3A_70 = tpu.memref_slice %arg2[%dma_start3A, %add3A_69] : memref<32x1000000xf32, #tpu.memory_space<hbm>> -> memref<32x1024xf32, #tpu.memory_space<hbm>>
    %dma_start3A_71 = arith.constant 0 : i32
    %dma_start3A_72 = tpu.memref_slice %arg2[%dma_start3A_71, %add3A_69] : memref<32x1000000xf32, #tpu.memory_space<hbm>> -> memref<32x1024xf32, #tpu.memory_space<hbm>>
    tpu.enqueue_dma source(%dma_start3A_72 : memref<32x1024xf32, #tpu.memory_space<hbm>>) target(%arg5 : memref<32x1024xf32, #tpu.memory_space<vmem>>) target_semaphore(%arg9 : memref<!tpu.dma_semaphore, #tpu.memory_space<semaphore_mem>>)
    %dma_wait3A = arith.constant 0 : i32
    %dma_wait3A_73 = tpu.memref_slice %arg2[%dma_wait3A, %add3A_69] : memref<32x1000000xf32, #tpu.memory_space<hbm>> -> memref<32x1024xf32, #tpu.memory_space<hbm>>
    %dma_wait3A_74 = arith.constant 0 : i32
    %dma_wait3A_75 = tpu.memref_slice %arg2[%dma_wait3A_74, %add3A_69] : memref<32x1000000xf32, #tpu.memory_space<hbm>> -> memref<32x1024xf32, #tpu.memory_space<hbm>>
    tpu.wait_dma2 semaphore(%arg9 : memref<!tpu.dma_semaphore, #tpu.memory_space<semaphore_mem>>) src(%dma_wait3A_75 : memref<32x1024xf32, #tpu.memory_space<hbm>>) dst(%arg5 : memref<32x1024xf32, #tpu.memory_space<vmem>>)
    %add3A_76 = arith.constant 1024 : i32
    %add3A_77 = arith.addi %mul3A_2, %add3A_76 : i32
    %dma_start3A_78 = arith.constant 0 : i32
    %dma_start3A_79 = tpu.memref_slice %arg2[%dma_start3A_78, %add3A_77] : memref<32x1000000xf32, #tpu.memory_space<hbm>> -> memref<32x1024xf32, #tpu.memory_space<hbm>>
    %dma_start3A_80 = arith.constant 0 : i32
    %dma_start3A_81 = tpu.memref_slice %arg2[%dma_start3A_80, %add3A_77] : memref<32x1000000xf32, #tpu.memory_space<hbm>> -> memref<32x1024xf32, #tpu.memory_space<hbm>>
    tpu.enqueue_dma source(%dma_start3A_81 : memref<32x1024xf32, #tpu.memory_space<hbm>>) target(%arg6 : memref<32x1024xf32, #tpu.memory_space<vmem>>) target_semaphore(%arg10 : memref<!tpu.dma_semaphore, #tpu.memory_space<semaphore_mem>>)
    %scan3A = arith.constant 0 : i32
    %scan3A_82 = arith.constant 0 : i32
    %scan3A_83 = arith.constant 64 : i32
    %scan3A_84 = arith.addi %scan3A_82, %scan3A_83 : i32
    %scan3A_85 = arith.constant 1 : i32
    scf.for %scan3A_193 = %scan3A_82 to %scan3A_84 step %scan3A_85  : i32 {
      %mul3A_194 = arith.constant 16 : i32
      %mul3A_195 = arith.muli %scan3A_193, %mul3A_194 : i32
      %get3A_196 = arith.constant 0 : i32
      %get3A_197 = arith.index_cast %get3A_196 : i32 to index
      %get3A_198 = arith.index_cast %mul3A_195 : i32 to index
      %get3A_199 = tpu.vector_load %arg5[%get3A_197, %get3A_198] {strides = array<i32>} : memref<32x1024xf32, #tpu.memory_space<vmem>>, vector<16xf32>,
      %mul3A_200 = vector.broadcast %squeeze3A : f32 to vector<16xf32>
      %mul3A_201 = arith.mulf %get3A_199, %mul3A_200 : vector<16xf32>
      %get3A_202 = arith.constant 1 : i32
      %get3A_203 = arith.index_cast %get3A_202 : i32 to index
      %get3A_204 = arith.index_cast %mul3A_195 : i32 to index
      %get3A_205 = tpu.vector_load %arg5[%get3A_203, %get3A_204] {strides = array<i32>} : memref<32x1024xf32, #tpu.memory_space<vmem>>, vector<16xf32>,
      %mul3A_206 = vector.broadcast %squeeze3A_7 : f32 to vector<16xf32>
      %mul3A_207 = arith.mulf %get3A_205, %mul3A_206 : vector<16xf32>
      %add3A_208 = arith.addf %mul3A_201, %mul3A_207 : vector<16xf32>
      %get3A_209 = arith.constant 2 : i32
      %get3A_210 = arith.index_cast %get3A_209 : i32 to index
      %get3A_211 = arith.index_cast %mul3A_195 : i32 to index
      %get3A_212 = tpu.vector_load %arg5[%get3A_210, %get3A_211] {strides = array<i32>} : memref<32x1024xf32, #tpu.memory_space<vmem>>, vector<16xf32>,
      %mul3A_213 = vector.broadcast %squeeze3A_9 : f32 to vector<16xf32>
      %mul3A_214 = arith.mulf %get3A_212, %mul3A_213 : vector<16xf32>
      %add3A_215 = arith.addf %add3A_208, %mul3A_214 : vector<16xf32>
      %get3A_216 = arith.constant 3 : i32
      %get3A_217 = arith.index_cast %get3A_216 : i32 to index
      %get3A_218 = arith.index_cast %mul3A_195 : i32 to index
      %get3A_219 = tpu.vector_load %arg5[%get3A_217, %get3A_218] {strides = array<i32>} : memref<32x1024xf32, #tpu.memory_space<vmem>>, vector<16xf32>,
      %mul3A_220 = vector.broadcast %squeeze3A_11 : f32 to vector<16xf32>
      %mul3A_221 = arith.mulf %get3A_219, %mul3A_220 : vector<16xf32>
      %add3A_222 = arith.addf %add3A_215, %mul3A_221 : vector<16xf32>
      %get3A_223 = arith.constant 4 : i32
      %get3A_224 = arith.index_cast %get3A_223 : i32 to index
      %get3A_225 = arith.index_cast %mul3A_195 : i32 to index
      %get3A_226 = tpu.vector_load %arg5[%get3A_224, %get3A_225] {strides = array<i32>} : memref<32x1024xf32, #tpu.memory_space<vmem>>, vector<16xf32>,
      %mul3A_227 = vector.broadcast %squeeze3A_13 : f32 to vector<16xf32>
      %mul3A_228 = arith.mulf %get3A_226, %mul3A_227 : vector<16xf32>
      %add3A_229 = arith.addf %add3A_222, %mul3A_228 : vector<16xf32>
      %get3A_230 = arith.constant 5 : i32
      %get3A_231 = arith.index_cast %get3A_230 : i32 to index
      %get3A_232 = arith.index_cast %mul3A_195 : i32 to index
      %get3A_233 = tpu.vector_load %arg5[%get3A_231, %get3A_232] {strides = array<i32>} : memref<32x1024xf32, #tpu.memory_space<vmem>>, vector<16xf32>,
      %mul3A_234 = vector.broadcast %squeeze3A_15 : f32 to vector<16xf32>
      %mul3A_235 = arith.mulf %get3A_233, %mul3A_234 : vector<16xf32>
      %add3A_236 = arith.addf %add3A_229, %mul3A_235 : vector<16xf32>
      %get3A_237 = arith.constant 6 : i32
      %get3A_238 = arith.index_cast %get3A_237 : i32 to index
      %get3A_239 = arith.index_cast %mul3A_195 : i32 to index
      %get3A_240 = tpu.vector_load %arg5[%get3A_238, %get3A_239] {strides = array<i32>} : memref<32x1024xf32, #tpu.memory_space<vmem>>, vector<16xf32>,
      %mul3A_241 = vector.broadcast %squeeze3A_17 : f32 to vector<16xf32>
      %mul3A_242 = arith.mulf %get3A_240, %mul3A_241 : vector<16xf32>
      %add3A_243 = arith.addf %add3A_236, %mul3A_242 : vector<16xf32>
      %get3A_244 = arith.constant 7 : i32
      %get3A_245 = arith.index_cast %get3A_244 : i32 to index
      %get3A_246 = arith.index_cast %mul3A_195 : i32 to index
      %get3A_247 = tpu.vector_load %arg5[%get3A_245, %get3A_246] {strides = array<i32>} : memref<32x1024xf32, #tpu.memory_space<vmem>>, vector<16xf32>,
      %mul3A_248 = vector.broadcast %squeeze3A_19 : f32 to vector<16xf32>
      %mul3A_249 = arith.mulf %get3A_247, %mul3A_248 : vector<16xf32>
      %add3A_250 = arith.addf %add3A_243, %mul3A_249 : vector<16xf32>
      %get3A_251 = arith.constant 8 : i32
      %get3A_252 = arith.index_cast %get3A_251 : i32 to index
      %get3A_253 = arith.index_cast %mul3A_195 : i32 to index
      %get3A_254 = tpu.vector_load %arg5[%get3A_252, %get3A_253] {strides = array<i32>} : memref<32x1024xf32, #tpu.memory_space<vmem>>, vector<16xf32>,
      %mul3A_255 = vector.broadcast %squeeze3A_21 : f32 to vector<16xf32>
      %mul3A_256 = arith.mulf %get3A_254, %mul3A_255 : vector<16xf32>
      %add3A_257 = arith.addf %add3A_250, %mul3A_256 : vector<16xf32>
      %get3A_258 = arith.constant 9 : i32
      %get3A_259 = arith.index_cast %get3A_258 : i32 to index
      %get3A_260 = arith.index_cast %mul3A_195 : i32 to index
      %get3A_261 = tpu.vector_load %arg5[%get3A_259, %get3A_260] {strides = array<i32>} : memref<32x1024xf32, #tpu.memory_space<vmem>>, vector<16xf32>,
      %mul3A_262 = vector.broadcast %squeeze3A_23 : f32 to vector<16xf32>
      %mul3A_263 = arith.mulf %get3A_261, %mul3A_262 : vector<16xf32>
      %add3A_264 = arith.addf %add3A_257, %mul3A_263 : vector<16xf32>
      %get3A_265 = arith.constant 10 : i32
      %get3A_266 = arith.index_cast %get3A_265 : i32 to index
      %get3A_267 = arith.index_cast %mul3A_195 : i32 to index
      %get3A_268 = tpu.vector_load %arg5[%get3A_266, %get3A_267] {strides = array<i32>} : memref<32x1024xf32, #tpu.memory_space<vmem>>, vector<16xf32>,
      %mul3A_269 = vector.broadcast %squeeze3A_25 : f32 to vector<16xf32>
      %mul3A_270 = arith.mulf %get3A_268, %mul3A_269 : vector<16xf32>
      %add3A_271 = arith.addf %add3A_264, %mul3A_270 : vector<16xf32>
      %get3A_272 = arith.constant 11 : i32
      %get3A_273 = arith.index_cast %get3A_272 : i32 to index
      %get3A_274 = arith.index_cast %mul3A_195 : i32 to index
      %get3A_275 = tpu.vector_load %arg5[%get3A_273, %get3A_274] {strides = array<i32>} : memref<32x1024xf32, #tpu.memory_space<vmem>>, vector<16xf32>,
      %mul3A_276 = vector.broadcast %squeeze3A_27 : f32 to vector<16xf32>
      %mul3A_277 = arith.mulf %get3A_275, %mul3A_276 : vector<16xf32>
      %add3A_278 = arith.addf %add3A_271, %mul3A_277 : vector<16xf32>
      %get3A_279 = arith.constant 12 : i32
      %get3A_280 = arith.index_cast %get3A_279 : i32 to index
      %get3A_281 = arith.index_cast %mul3A_195 : i32 to index
      %get3A_282 = tpu.vector_load %arg5[%get3A_280, %get3A_281] {strides = array<i32>} : memref<32x1024xf32, #tpu.memory_space<vmem>>, vector<16xf32>,
      %mul3A_283 = vector.broadcast %squeeze3A_29 : f32 to vector<16xf32>
      %mul3A_284 = arith.mulf %get3A_282, %mul3A_283 : vector<16xf32>
      %add3A_285 = arith.addf %add3A_278, %mul3A_284 : vector<16xf32>
      %get3A_286 = arith.constant 13 : i32
      %get3A_287 = arith.index_cast %get3A_286 : i32 to index
      %get3A_288 = arith.index_cast %mul3A_195 : i32 to index
      %get3A_289 = tpu.vector_load %arg5[%get3A_287, %get3A_288] {strides = array<i32>} : memref<32x1024xf32, #tpu.memory_space<vmem>>, vector<16xf32>,
      %mul3A_290 = vector.broadcast %squeeze3A_31 : f32 to vector<16xf32>
      %mul3A_291 = arith.mulf %get3A_289, %mul3A_290 : vector<16xf32>
      %add3A_292 = arith.addf %add3A_285, %mul3A_291 : vector<16xf32>
      %get3A_293 = arith.constant 14 : i32
      %get3A_294 = arith.index_cast %get3A_293 : i32 to index
      %get3A_295 = arith.index_cast %mul3A_195 : i32 to index
      %get3A_296 = tpu.vector_load %arg5[%get3A_294, %get3A_295] {strides = array<i32>} : memref<32x1024xf32, #tpu.memory_space<vmem>>, vector<16xf32>,
      %mul3A_297 = vector.broadcast %squeeze3A_33 : f32 to vector<16xf32>
      %mul3A_298 = arith.mulf %get3A_296, %mul3A_297 : vector<16xf32>
      %add3A_299 = arith.addf %add3A_292, %mul3A_298 : vector<16xf32>
      %get3A_300 = arith.constant 15 : i32
      %get3A_301 = arith.index_cast %get3A_300 : i32 to index
      %get3A_302 = arith.index_cast %mul3A_195 : i32 to index
      %get3A_303 = tpu.vector_load %arg5[%get3A_301, %get3A_302] {strides = array<i32>} : memref<32x1024xf32, #tpu.memory_space<vmem>>, vector<16xf32>,
      %mul3A_304 = vector.broadcast %squeeze3A_35 : f32 to vector<16xf32>
      %mul3A_305 = arith.mulf %get3A_303, %mul3A_304 : vector<16xf32>
      %add3A_306 = arith.addf %add3A_299, %mul3A_305 : vector<16xf32>
      %get3A_307 = arith.constant 16 : i32
      %get3A_308 = arith.index_cast %get3A_307 : i32 to index
      %get3A_309 = arith.index_cast %mul3A_195 : i32 to index
      %get3A_310 = tpu.vector_load %arg5[%get3A_308, %get3A_309] {strides = array<i32>} : memref<32x1024xf32, #tpu.memory_space<vmem>>, vector<16xf32>,
      %mul3A_311 = vector.broadcast %squeeze3A_37 : f32 to vector<16xf32>
      %mul3A_312 = arith.mulf %get3A_310, %mul3A_311 : vector<16xf32>
      %add3A_313 = arith.addf %add3A_306, %mul3A_312 : vector<16xf32>
      %get3A_314 = arith.constant 17 : i32
      %get3A_315 = arith.index_cast %get3A_314 : i32 to index
      %get3A_316 = arith.index_cast %mul3A_195 : i32 to index
      %get3A_317 = tpu.vector_load %arg5[%get3A_315, %get3A_316] {strides = array<i32>} : memref<32x1024xf32, #tpu.memory_space<vmem>>, vector<16xf32>,
      %mul3A_318 = vector.broadcast %squeeze3A_39 : f32 to vector<16xf32>
      %mul3A_319 = arith.mulf %get3A_317, %mul3A_318 : vector<16xf32>
      %add3A_320 = arith.addf %add3A_313, %mul3A_319 : vector<16xf32>
      %get3A_321 = arith.constant 18 : i32
      %get3A_322 = arith.index_cast %get3A_321 : i32 to index
      %get3A_323 = arith.index_cast %mul3A_195 : i32 to index
      %get3A_324 = tpu.vector_load %arg5[%get3A_322, %get3A_323] {strides = array<i32>} : memref<32x1024xf32, #tpu.memory_space<vmem>>, vector<16xf32>,
      %mul3A_325 = vector.broadcast %squeeze3A_41 : f32 to vector<16xf32>
      %mul3A_326 = arith.mulf %get3A_324, %mul3A_325 : vector<16xf32>
      %add3A_327 = arith.addf %add3A_320, %mul3A_326 : vector<16xf32>
      %get3A_328 = arith.constant 19 : i32
      %get3A_329 = arith.index_cast %get3A_328 : i32 to index
      %get3A_330 = arith.index_cast %mul3A_195 : i32 to index
      %get3A_331 = tpu.vector_load %arg5[%get3A_329, %get3A_330] {strides = array<i32>} : memref<32x1024xf32, #tpu.memory_space<vmem>>, vector<16xf32>,
      %mul3A_332 = vector.broadcast %squeeze3A_43 : f32 to vector<16xf32>
      %mul3A_333 = arith.mulf %get3A_331, %mul3A_332 : vector<16xf32>
      %add3A_334 = arith.addf %add3A_327, %mul3A_333 : vector<16xf32>
      %get3A_335 = arith.constant 20 : i32
      %get3A_336 = arith.index_cast %get3A_335 : i32 to index
      %get3A_337 = arith.index_cast %mul3A_195 : i32 to index
      %get3A_338 = tpu.vector_load %arg5[%get3A_336, %get3A_337] {strides = array<i32>} : memref<32x1024xf32, #tpu.memory_space<vmem>>, vector<16xf32>,
      %mul3A_339 = vector.broadcast %squeeze3A_45 : f32 to vector<16xf32>
      %mul3A_340 = arith.mulf %get3A_338, %mul3A_339 : vector<16xf32>
      %add3A_341 = arith.addf %add3A_334, %mul3A_340 : vector<16xf32>
      %get3A_342 = arith.constant 21 : i32
      %get3A_343 = arith.index_cast %get3A_342 : i32 to index
      %get3A_344 = arith.index_cast %mul3A_195 : i32 to index
      %get3A_345 = tpu.vector_load %arg5[%get3A_343, %get3A_344] {strides = array<i32>} : memref<32x1024xf32, #tpu.memory_space<vmem>>, vector<16xf32>,
      %mul3A_346 = vector.broadcast %squeeze3A_47 : f32 to vector<16xf32>
      %mul3A_347 = arith.mulf %get3A_345, %mul3A_346 : vector<16xf32>
      %add3A_348 = arith.addf %add3A_341, %mul3A_347 : vector<16xf32>
      %get3A_349 = arith.constant 22 : i32
      %get3A_350 = arith.index_cast %get3A_349 : i32 to index
      %get3A_351 = arith.index_cast %mul3A_195 : i32 to index
      %get3A_352 = tpu.vector_load %arg5[%get3A_350, %get3A_351] {strides = array<i32>} : memref<32x1024xf32, #tpu.memory_space<vmem>>, vector<16xf32>,
      %mul3A_353 = vector.broadcast %squeeze3A_49 : f32 to vector<16xf32>
      %mul3A_354 = arith.mulf %get3A_352, %mul3A_353 : vector<16xf32>
      %add3A_355 = arith.addf %add3A_348, %mul3A_354 : vector<16xf32>
      %get3A_356 = arith.constant 23 : i32
      %get3A_357 = arith.index_cast %get3A_356 : i32 to index
      %get3A_358 = arith.index_cast %mul3A_195 : i32 to index
      %get3A_359 = tpu.vector_load %arg5[%get3A_357, %get3A_358] {strides = array<i32>} : memref<32x1024xf32, #tpu.memory_space<vmem>>, vector<16xf32>,
      %mul3A_360 = vector.broadcast %squeeze3A_51 : f32 to vector<16xf32>
      %mul3A_361 = arith.mulf %get3A_359, %mul3A_360 : vector<16xf32>
      %add3A_362 = arith.addf %add3A_355, %mul3A_361 : vector<16xf32>
      %get3A_363 = arith.constant 24 : i32
      %get3A_364 = arith.index_cast %get3A_363 : i32 to index
      %get3A_365 = arith.index_cast %mul3A_195 : i32 to index
      %get3A_366 = tpu.vector_load %arg5[%get3A_364, %get3A_365] {strides = array<i32>} : memref<32x1024xf32, #tpu.memory_space<vmem>>, vector<16xf32>,
      %mul3A_367 = vector.broadcast %squeeze3A_53 : f32 to vector<16xf32>
      %mul3A_368 = arith.mulf %get3A_366, %mul3A_367 : vector<16xf32>
      %add3A_369 = arith.addf %add3A_362, %mul3A_368 : vector<16xf32>
      %get3A_370 = arith.constant 25 : i32
      %get3A_371 = arith.index_cast %get3A_370 : i32 to index
      %get3A_372 = arith.index_cast %mul3A_195 : i32 to index
      %get3A_373 = tpu.vector_load %arg5[%get3A_371, %get3A_372] {strides = array<i32>} : memref<32x1024xf32, #tpu.memory_space<vmem>>, vector<16xf32>,
      %mul3A_374 = vector.broadcast %squeeze3A_55 : f32 to vector<16xf32>
      %mul3A_375 = arith.mulf %get3A_373, %mul3A_374 : vector<16xf32>
      %add3A_376 = arith.addf %add3A_369, %mul3A_375 : vector<16xf32>
      %get3A_377 = arith.constant 26 : i32
      %get3A_378 = arith.index_cast %get3A_377 : i32 to index
      %get3A_379 = arith.index_cast %mul3A_195 : i32 to index
      %get3A_380 = tpu.vector_load %arg5[%get3A_378, %get3A_379] {strides = array<i32>} : memref<32x1024xf32, #tpu.memory_space<vmem>>, vector<16xf32>,
      %mul3A_381 = vector.broadcast %squeeze3A_57 : f32 to vector<16xf32>
      %mul3A_382 = arith.mulf %get3A_380, %mul3A_381 : vector<16xf32>
      %add3A_383 = arith.addf %add3A_376, %mul3A_382 : vector<16xf32>
      %get3A_384 = arith.constant 27 : i32
      %get3A_385 = arith.index_cast %get3A_384 : i32 to index
      %get3A_386 = arith.index_cast %mul3A_195 : i32 to index
      %get3A_387 = tpu.vector_load %arg5[%get3A_385, %get3A_386] {strides = array<i32>} : memref<32x1024xf32, #tpu.memory_space<vmem>>, vector<16xf32>,
      %mul3A_388 = vector.broadcast %squeeze3A_59 : f32 to vector<16xf32>
      %mul3A_389 = arith.mulf %get3A_387, %mul3A_388 : vector<16xf32>
      %add3A_390 = arith.addf %add3A_383, %mul3A_389 : vector<16xf32>
      %get3A_391 = arith.constant 28 : i32
      %get3A_392 = arith.index_cast %get3A_391 : i32 to index
      %get3A_393 = arith.index_cast %mul3A_195 : i32 to index
      %get3A_394 = tpu.vector_load %arg5[%get3A_392, %get3A_393] {strides = array<i32>} : memref<32x1024xf32, #tpu.memory_space<vmem>>, vector<16xf32>,
      %mul3A_395 = vector.broadcast %squeeze3A_61 : f32 to vector<16xf32>
      %mul3A_396 = arith.mulf %get3A_394, %mul3A_395 : vector<16xf32>
      %add3A_397 = arith.addf %add3A_390, %mul3A_396 : vector<16xf32>
      %get3A_398 = arith.constant 29 : i32
      %get3A_399 = arith.index_cast %get3A_398 : i32 to index
      %get3A_400 = arith.index_cast %mul3A_195 : i32 to index
      %get3A_401 = tpu.vector_load %arg5[%get3A_399, %get3A_400] {strides = array<i32>} : memref<32x1024xf32, #tpu.memory_space<vmem>>, vector<16xf32>,
      %mul3A_402 = vector.broadcast %squeeze3A_63 : f32 to vector<16xf32>
      %mul3A_403 = arith.mulf %get3A_401, %mul3A_402 : vector<16xf32>
      %add3A_404 = arith.addf %add3A_397, %mul3A_403 : vector<16xf32>
      %get3A_405 = arith.constant 30 : i32
      %get3A_406 = arith.index_cast %get3A_405 : i32 to index
      %get3A_407 = arith.index_cast %mul3A_195 : i32 to index
      %get3A_408 = tpu.vector_load %arg5[%get3A_406, %get3A_407] {strides = array<i32>} : memref<32x1024xf32, #tpu.memory_space<vmem>>, vector<16xf32>,
      %mul3A_409 = vector.broadcast %squeeze3A_65 : f32 to vector<16xf32>
      %mul3A_410 = arith.mulf %get3A_408, %mul3A_409 : vector<16xf32>
      %add3A_411 = arith.addf %add3A_404, %mul3A_410 : vector<16xf32>
      %get3A_412 = arith.constant 31 : i32
      %get3A_413 = arith.index_cast %get3A_412 : i32 to index
      %get3A_414 = arith.index_cast %mul3A_195 : i32 to index
      %get3A_415 = tpu.vector_load %arg5[%get3A_413, %get3A_414] {strides = array<i32>} : memref<32x1024xf32, #tpu.memory_space<vmem>>, vector<16xf32>,
      %mul3A_416 = vector.broadcast %squeeze3A_67 : f32 to vector<16xf32>
      %mul3A_417 = arith.mulf %get3A_415, %mul3A_416 : vector<16xf32>
      %add3A_418 = arith.addf %add3A_411, %mul3A_417 : vector<16xf32>
      %add3A_419 = arith.constant 0 : i32
      %add3A_420 = arith.addi %add3A_419, %mul3A_195 : i32
      %swap3A = arith.index_cast %add3A_420 : i32 to index
      %swap3A_421 = tpu.vector_load %arg7[%swap3A] {strides = array<i32>} : memref<8192xf32, #tpu.memory_space<vmem>>, vector<16xf32>,
      tpu.vector_store %arg7[%swap3A], %add3A_418 {strides = array<i32>} : memref<8192xf32, #tpu.memory_space<vmem>>, vector<16xf32>,
    }
    %scan3A_86 = arith.constant 64 : i32
    %dma_wait3A_87 = arith.constant 0 : i32
    %dma_wait3A_88 = tpu.memref_slice %arg2[%dma_wait3A_87, %add3A_77] : memref<32x1000000xf32, #tpu.memory_space<hbm>> -> memref<32x1024xf32, #tpu.memory_space<hbm>>
    %dma_wait3A_89 = arith.constant 0 : i32
    %dma_wait3A_90 = tpu.memref_slice %arg2[%dma_wait3A_89, %add3A_77] : memref<32x1000000xf32, #tpu.memory_space<hbm>> -> memref<32x1024xf32, #tpu.memory_space<hbm>>
    tpu.wait_dma2 semaphore(%arg10 : memref<!tpu.dma_semaphore, #tpu.memory_space<semaphore_mem>>) src(%dma_wait3A_90 : memref<32x1024xf32, #tpu.memory_space<hbm>>) dst(%arg6 : memref<32x1024xf32, #tpu.memory_space<vmem>>)
    %add3A_91 = arith.constant 2048 : i32
    %add3A_92 = arith.addi %mul3A_2, %add3A_91 : i32
    %dma_start3A_93 = arith.constant 0 : i32
    %dma_start3A_94 = tpu.memref_slice %arg2[%dma_start3A_93, %add3A_92] : memref<32x1000000xf32, #tpu.memory_space<hbm>> -> memref<32x1024xf32, #tpu.memory_space<hbm>>
    %dma_start3A_95 = arith.constant 0 : i32
    %dma_start3A_96 = tpu.memref_slice %arg2[%dma_start3A_95, %add3A_92] : memref<32x1000000xf32, #tpu.memory_space<hbm>> -> memref<32x1024xf32, #tpu.memory_space<hbm>>
    tpu.enqueue_dma source(%dma_start3A_96 : memref<32x1024xf32, #tpu.memory_space<hbm>>) target(%arg5 : memref<32x1024xf32, #tpu.memory_space<vmem>>) target_semaphore(%arg9 : memref<!tpu.dma_semaphore, #tpu.memory_space<semaphore_mem>>)
    %scan3A_97 = arith.constant 0 : i32
    %scan3A_98 = arith.constant 0 : i32
    %scan3A_99 = arith.constant 64 : i32
    %scan3A_100 = arith.addi %scan3A_98, %scan3A_99 : i32
    %scan3A_101 = arith.constant 1 : i32
    scf.for %scan3A_193 = %scan3A_98 to %scan3A_100 step %scan3A_101  : i32 {
      %mul3A_194 = arith.constant 16 : i32
      %mul3A_195 = arith.muli %scan3A_193, %mul3A_194 : i32
      %get3A_196 = arith.constant 0 : i32
      %get3A_197 = arith.index_cast %get3A_196 : i32 to index
      %get3A_198 = arith.index_cast %mul3A_195 : i32 to index
      %get3A_199 = tpu.vector_load %arg6[%get3A_197, %get3A_198] {strides = array<i32>} : memref<32x1024xf32, #tpu.memory_space<vmem>>, vector<16xf32>,
      %mul3A_200 = vector.broadcast %squeeze3A : f32 to vector<16xf32>
      %mul3A_201 = arith.mulf %get3A_199, %mul3A_200 : vector<16xf32>
      %get3A_202 = arith.constant 1 : i32
      %get3A_203 = arith.index_cast %get3A_202 : i32 to index
      %get3A_204 = arith.index_cast %mul3A_195 : i32 to index
      %get3A_205 = tpu.vector_load %arg6[%get3A_203, %get3A_204] {strides = array<i32>} : memref<32x1024xf32, #tpu.memory_space<vmem>>, vector<16xf32>,
      %mul3A_206 = vector.broadcast %squeeze3A_7 : f32 to vector<16xf32>
      %mul3A_207 = arith.mulf %get3A_205, %mul3A_206 : vector<16xf32>
      %add3A_208 = arith.addf %mul3A_201, %mul3A_207 : vector<16xf32>
      %get3A_209 = arith.constant 2 : i32
      %get3A_210 = arith.index_cast %get3A_209 : i32 to index
      %get3A_211 = arith.index_cast %mul3A_195 : i32 to index
      %get3A_212 = tpu.vector_load %arg6[%get3A_210, %get3A_211] {strides = array<i32>} : memref<32x1024xf32, #tpu.memory_space<vmem>>, vector<16xf32>,
      %mul3A_213 = vector.broadcast %squeeze3A_9 : f32 to vector<16xf32>
      %mul3A_214 = arith.mulf %get3A_212, %mul3A_213 : vector<16xf32>
      %add3A_215 = arith.addf %add3A_208, %mul3A_214 : vector<16xf32>
      %get3A_216 = arith.constant 3 : i32
      %get3A_217 = arith.index_cast %get3A_216 : i32 to index
      %get3A_218 = arith.index_cast %mul3A_195 : i32 to index
      %get3A_219 = tpu.vector_load %arg6[%get3A_217, %get3A_218] {strides = array<i32>} : memref<32x1024xf32, #tpu.memory_space<vmem>>, vector<16xf32>,
      %mul3A_220 = vector.broadcast %squeeze3A_11 : f32 to vector<16xf32>
      %mul3A_221 = arith.mulf %get3A_219, %mul3A_220 : vector<16xf32>
      %add3A_222 = arith.addf %add3A_215, %mul3A_221 : vector<16xf32>
      %get3A_223 = arith.constant 4 : i32
      %get3A_224 = arith.index_cast %get3A_223 : i32 to index
      %get3A_225 = arith.index_cast %mul3A_195 : i32 to index
      %get3A_226 = tpu.vector_load %arg6[%get3A_224, %get3A_225] {strides = array<i32>} : memref<32x1024xf32, #tpu.memory_space<vmem>>, vector<16xf32>,
      %mul3A_227 = vector.broadcast %squeeze3A_13 : f32 to vector<16xf32>
      %mul3A_228 = arith.mulf %get3A_226, %mul3A_227 : vector<16xf32>
      %add3A_229 = arith.addf %add3A_222, %mul3A_228 : vector<16xf32>
      %get3A_230 = arith.constant 5 : i32
      %get3A_231 = arith.index_cast %get3A_230 : i32 to index
      %get3A_232 = arith.index_cast %mul3A_195 : i32 to index
      %get3A_233 = tpu.vector_load %arg6[%get3A_231, %get3A_232] {strides = array<i32>} : memref<32x1024xf32, #tpu.memory_space<vmem>>, vector<16xf32>,
      %mul3A_234 = vector.broadcast %squeeze3A_15 : f32 to vector<16xf32>
      %mul3A_235 = arith.mulf %get3A_233, %mul3A_234 : vector<16xf32>
      %add3A_236 = arith.addf %add3A_229, %mul3A_235 : vector<16xf32>
      %get3A_237 = arith.constant 6 : i32
      %get3A_238 = arith.index_cast %get3A_237 : i32 to index
      %get3A_239 = arith.index_cast %mul3A_195 : i32 to index
      %get3A_240 = tpu.vector_load %arg6[%get3A_238, %get3A_239] {strides = array<i32>} : memref<32x1024xf32, #tpu.memory_space<vmem>>, vector<16xf32>,
      %mul3A_241 = vector.broadcast %squeeze3A_17 : f32 to vector<16xf32>
      %mul3A_242 = arith.mulf %get3A_240, %mul3A_241 : vector<16xf32>
      %add3A_243 = arith.addf %add3A_236, %mul3A_242 : vector<16xf32>
      %get3A_244 = arith.constant 7 : i32
      %get3A_245 = arith.index_cast %get3A_244 : i32 to index
      %get3A_246 = arith.index_cast %mul3A_195 : i32 to index
      %get3A_247 = tpu.vector_load %arg6[%get3A_245, %get3A_246] {strides = array<i32>} : memref<32x1024xf32, #tpu.memory_space<vmem>>, vector<16xf32>,
      %mul3A_248 = vector.broadcast %squeeze3A_19 : f32 to vector<16xf32>
      %mul3A_249 = arith.mulf %get3A_247, %mul3A_248 : vector<16xf32>
      %add3A_250 = arith.addf %add3A_243, %mul3A_249 : vector<16xf32>
      %get3A_251 = arith.constant 8 : i32
      %get3A_252 = arith.index_cast %get3A_251 : i32 to index
      %get3A_253 = arith.index_cast %mul3A_195 : i32 to index
      %get3A_254 = tpu.vector_load %arg6[%get3A_252, %get3A_253] {strides = array<i32>} : memref<32x1024xf32, #tpu.memory_space<vmem>>, vector<16xf32>,
      %mul3A_255 = vector.broadcast %squeeze3A_21 : f32 to vector<16xf32>
      %mul3A_256 = arith.mulf %get3A_254, %mul3A_255 : vector<16xf32>
      %add3A_257 = arith.addf %add3A_250, %mul3A_256 : vector<16xf32>
      %get3A_258 = arith.constant 9 : i32
      %get3A_259 = arith.index_cast %get3A_258 : i32 to index
      %get3A_260 = arith.index_cast %mul3A_195 : i32 to index
      %get3A_261 = tpu.vector_load %arg6[%get3A_259, %get3A_260] {strides = array<i32>} : memref<32x1024xf32, #tpu.memory_space<vmem>>, vector<16xf32>,
      %mul3A_262 = vector.broadcast %squeeze3A_23 : f32 to vector<16xf32>
      %mul3A_263 = arith.mulf %get3A_261, %mul3A_262 : vector<16xf32>
      %add3A_264 = arith.addf %add3A_257, %mul3A_263 : vector<16xf32>
      %get3A_265 = arith.constant 10 : i32
      %get3A_266 = arith.index_cast %get3A_265 : i32 to index
      %get3A_267 = arith.index_cast %mul3A_195 : i32 to index
      %get3A_268 = tpu.vector_load %arg6[%get3A_266, %get3A_267] {strides = array<i32>} : memref<32x1024xf32, #tpu.memory_space<vmem>>, vector<16xf32>,
      %mul3A_269 = vector.broadcast %squeeze3A_25 : f32 to vector<16xf32>
      %mul3A_270 = arith.mulf %get3A_268, %mul3A_269 : vector<16xf32>
      %add3A_271 = arith.addf %add3A_264, %mul3A_270 : vector<16xf32>
      %get3A_272 = arith.constant 11 : i32
      %get3A_273 = arith.index_cast %get3A_272 : i32 to index
      %get3A_274 = arith.index_cast %mul3A_195 : i32 to index
      %get3A_275 = tpu.vector_load %arg6[%get3A_273, %get3A_274] {strides = array<i32>} : memref<32x1024xf32, #tpu.memory_space<vmem>>, vector<16xf32>,
      %mul3A_276 = vector.broadcast %squeeze3A_27 : f32 to vector<16xf32>
      %mul3A_277 = arith.mulf %get3A_275, %mul3A_276 : vector<16xf32>
      %add3A_278 = arith.addf %add3A_271, %mul3A_277 : vector<16xf32>
      %get3A_279 = arith.constant 12 : i32
      %get3A_280 = arith.index_cast %get3A_279 : i32 to index
      %get3A_281 = arith.index_cast %mul3A_195 : i32 to index
      %get3A_282 = tpu.vector_load %arg6[%get3A_280, %get3A_281] {strides = array<i32>} : memref<32x1024xf32, #tpu.memory_space<vmem>>, vector<16xf32>,
      %mul3A_283 = vector.broadcast %squeeze3A_29 : f32 to vector<16xf32>
      %mul3A_284 = arith.mulf %get3A_282, %mul3A_283 : vector<16xf32>
      %add3A_285 = arith.addf %add3A_278, %mul3A_284 : vector<16xf32>
      %get3A_286 = arith.constant 13 : i32
      %get3A_287 = arith.index_cast %get3A_286 : i32 to index
      %get3A_288 = arith.index_cast %mul3A_195 : i32 to index
      %get3A_289 = tpu.vector_load %arg6[%get3A_287, %get3A_288] {strides = array<i32>} : memref<32x1024xf32, #tpu.memory_space<vmem>>, vector<16xf32>,
      %mul3A_290 = vector.broadcast %squeeze3A_31 : f32 to vector<16xf32>
      %mul3A_291 = arith.mulf %get3A_289, %mul3A_290 : vector<16xf32>
      %add3A_292 = arith.addf %add3A_285, %mul3A_291 : vector<16xf32>
      %get3A_293 = arith.constant 14 : i32
      %get3A_294 = arith.index_cast %get3A_293 : i32 to index
      %get3A_295 = arith.index_cast %mul3A_195 : i32 to index
      %get3A_296 = tpu.vector_load %arg6[%get3A_294, %get3A_295] {strides = array<i32>} : memref<32x1024xf32, #tpu.memory_space<vmem>>, vector<16xf32>,
      %mul3A_297 = vector.broadcast %squeeze3A_33 : f32 to vector<16xf32>
      %mul3A_298 = arith.mulf %get3A_296, %mul3A_297 : vector<16xf32>
      %add3A_299 = arith.addf %add3A_292, %mul3A_298 : vector<16xf32>
      %get3A_300 = arith.constant 15 : i32
      %get3A_301 = arith.index_cast %get3A_300 : i32 to index
      %get3A_302 = arith.index_cast %mul3A_195 : i32 to index
      %get3A_303 = tpu.vector_load %arg6[%get3A_301, %get3A_302] {strides = array<i32>} : memref<32x1024xf32, #tpu.memory_space<vmem>>, vector<16xf32>,
      %mul3A_304 = vector.broadcast %squeeze3A_35 : f32 to vector<16xf32>
      %mul3A_305 = arith.mulf %get3A_303, %mul3A_304 : vector<16xf32>
      %add3A_306 = arith.addf %add3A_299, %mul3A_305 : vector<16xf32>
      %get3A_307 = arith.constant 16 : i32
      %get3A_308 = arith.index_cast %get3A_307 : i32 to index
      %get3A_309 = arith.index_cast %mul3A_195 : i32 to index
      %get3A_310 = tpu.vector_load %arg6[%get3A_308, %get3A_309] {strides = array<i32>} : memref<32x1024xf32, #tpu.memory_space<vmem>>, vector<16xf32>,
      %mul3A_311 = vector.broadcast %squeeze3A_37 : f32 to vector<16xf32>
      %mul3A_312 = arith.mulf %get3A_310, %mul3A_311 : vector<16xf32>
      %add3A_313 = arith.addf %add3A_306, %mul3A_312 : vector<16xf32>
      %get3A_314 = arith.constant 17 : i32
      %get3A_315 = arith.index_cast %get3A_314 : i32 to index
      %get3A_316 = arith.index_cast %mul3A_195 : i32 to index
      %get3A_317 = tpu.vector_load %arg6[%get3A_315, %get3A_316] {strides = array<i32>} : memref<32x1024xf32, #tpu.memory_space<vmem>>, vector<16xf32>,
      %mul3A_318 = vector.broadcast %squeeze3A_39 : f32 to vector<16xf32>
      %mul3A_319 = arith.mulf %get3A_317, %mul3A_318 : vector<16xf32>
      %add3A_320 = arith.addf %add3A_313, %mul3A_319 : vector<16xf32>
      %get3A_321 = arith.constant 18 : i32
      %get3A_322 = arith.index_cast %get3A_321 : i32 to index
      %get3A_323 = arith.index_cast %mul3A_195 : i32 to index
      %get3A_324 = tpu.vector_load %arg6[%get3A_322, %get3A_323] {strides = array<i32>} : memref<32x1024xf32, #tpu.memory_space<vmem>>, vector<16xf32>,
      %mul3A_325 = vector.broadcast %squeeze3A_41 : f32 to vector<16xf32>
      %mul3A_326 = arith.mulf %get3A_324, %mul3A_325 : vector<16xf32>
      %add3A_327 = arith.addf %add3A_320, %mul3A_326 : vector<16xf32>
      %get3A_328 = arith.constant 19 : i32
      %get3A_329 = arith.index_cast %get3A_328 : i32 to index
      %get3A_330 = arith.index_cast %mul3A_195 : i32 to index
      %get3A_331 = tpu.vector_load %arg6[%get3A_329, %get3A_330] {strides = array<i32>} : memref<32x1024xf32, #tpu.memory_space<vmem>>, vector<16xf32>,
      %mul3A_332 = vector.broadcast %squeeze3A_43 : f32 to vector<16xf32>
      %mul3A_333 = arith.mulf %get3A_331, %mul3A_332 : vector<16xf32>
      %add3A_334 = arith.addf %add3A_327, %mul3A_333 : vector<16xf32>
      %get3A_335 = arith.constant 20 : i32
      %get3A_336 = arith.index_cast %get3A_335 : i32 to index
      %get3A_337 = arith.index_cast %mul3A_195 : i32 to index
      %get3A_338 = tpu.vector_load %arg6[%get3A_336, %get3A_337] {strides = array<i32>} : memref<32x1024xf32, #tpu.memory_space<vmem>>, vector<16xf32>,
      %mul3A_339 = vector.broadcast %squeeze3A_45 : f32 to vector<16xf32>
      %mul3A_340 = arith.mulf %get3A_338, %mul3A_339 : vector<16xf32>
      %add3A_341 = arith.addf %add3A_334, %mul3A_340 : vector<16xf32>
      %get3A_342 = arith.constant 21 : i32
      %get3A_343 = arith.index_cast %get3A_342 : i32 to index
      %get3A_344 = arith.index_cast %mul3A_195 : i32 to index
      %get3A_345 = tpu.vector_load %arg6[%get3A_343, %get3A_344] {strides = array<i32>} : memref<32x1024xf32, #tpu.memory_space<vmem>>, vector<16xf32>,
      %mul3A_346 = vector.broadcast %squeeze3A_47 : f32 to vector<16xf32>
      %mul3A_347 = arith.mulf %get3A_345, %mul3A_346 : vector<16xf32>
      %add3A_348 = arith.addf %add3A_341, %mul3A_347 : vector<16xf32>
      %get3A_349 = arith.constant 22 : i32
      %get3A_350 = arith.index_cast %get3A_349 : i32 to index
      %get3A_351 = arith.index_cast %mul3A_195 : i32 to index
      %get3A_352 = tpu.vector_load %arg6[%get3A_350, %get3A_351] {strides = array<i32>} : memref<32x1024xf32, #tpu.memory_space<vmem>>, vector<16xf32>,
      %mul3A_353 = vector.broadcast %squeeze3A_49 : f32 to vector<16xf32>
      %mul3A_354 = arith.mulf %get3A_352, %mul3A_353 : vector<16xf32>
      %add3A_355 = arith.addf %add3A_348, %mul3A_354 : vector<16xf32>
      %get3A_356 = arith.constant 23 : i32
      %get3A_357 = arith.index_cast %get3A_356 : i32 to index
      %get3A_358 = arith.index_cast %mul3A_195 : i32 to index
      %get3A_359 = tpu.vector_load %arg6[%get3A_357, %get3A_358] {strides = array<i32>} : memref<32x1024xf32, #tpu.memory_space<vmem>>, vector<16xf32>,
      %mul3A_360 = vector.broadcast %squeeze3A_51 : f32 to vector<16xf32>
      %mul3A_361 = arith.mulf %get3A_359, %mul3A_360 : vector<16xf32>
      %add3A_362 = arith.addf %add3A_355, %mul3A_361 : vector<16xf32>
      %get3A_363 = arith.constant 24 : i32
      %get3A_364 = arith.index_cast %get3A_363 : i32 to index
      %get3A_365 = arith.index_cast %mul3A_195 : i32 to index
      %get3A_366 = tpu.vector_load %arg6[%get3A_364, %get3A_365] {strides = array<i32>} : memref<32x1024xf32, #tpu.memory_space<vmem>>, vector<16xf32>,
      %mul3A_367 = vector.broadcast %squeeze3A_53 : f32 to vector<16xf32>
      %mul3A_368 = arith.mulf %get3A_366, %mul3A_367 : vector<16xf32>
      %add3A_369 = arith.addf %add3A_362, %mul3A_368 : vector<16xf32>
      %get3A_370 = arith.constant 25 : i32
      %get3A_371 = arith.index_cast %get3A_370 : i32 to index
      %get3A_372 = arith.index_cast %mul3A_195 : i32 to index
      %get3A_373 = tpu.vector_load %arg6[%get3A_371, %get3A_372] {strides = array<i32>} : memref<32x1024xf32, #tpu.memory_space<vmem>>, vector<16xf32>,
      %mul3A_374 = vector.broadcast %squeeze3A_55 : f32 to vector<16xf32>
      %mul3A_375 = arith.mulf %get3A_373, %mul3A_374 : vector<16xf32>
      %add3A_376 = arith.addf %add3A_369, %mul3A_375 : vector<16xf32>
      %get3A_377 = arith.constant 26 : i32
      %get3A_378 = arith.index_cast %get3A_377 : i32 to index
      %get3A_379 = arith.index_cast %mul3A_195 : i32 to index
      %get3A_380 = tpu.vector_load %arg6[%get3A_378, %get3A_379] {strides = array<i32>} : memref<32x1024xf32, #tpu.memory_space<vmem>>, vector<16xf32>,
      %mul3A_381 = vector.broadcast %squeeze3A_57 : f32 to vector<16xf32>
      %mul3A_382 = arith.mulf %get3A_380, %mul3A_381 : vector<16xf32>
      %add3A_383 = arith.addf %add3A_376, %mul3A_382 : vector<16xf32>
      %get3A_384 = arith.constant 27 : i32
      %get3A_385 = arith.index_cast %get3A_384 : i32 to index
      %get3A_386 = arith.index_cast %mul3A_195 : i32 to index
      %get3A_387 = tpu.vector_load %arg6[%get3A_385, %get3A_386] {strides = array<i32>} : memref<32x1024xf32, #tpu.memory_space<vmem>>, vector<16xf32>,
      %mul3A_388 = vector.broadcast %squeeze3A_59 : f32 to vector<16xf32>
      %mul3A_389 = arith.mulf %get3A_387, %mul3A_388 : vector<16xf32>
      %add3A_390 = arith.addf %add3A_383, %mul3A_389 : vector<16xf32>
      %get3A_391 = arith.constant 28 : i32
      %get3A_392 = arith.index_cast %get3A_391 : i32 to index
      %get3A_393 = arith.index_cast %mul3A_195 : i32 to index
      %get3A_394 = tpu.vector_load %arg6[%get3A_392, %get3A_393] {strides = array<i32>} : memref<32x1024xf32, #tpu.memory_space<vmem>>, vector<16xf32>,
      %mul3A_395 = vector.broadcast %squeeze3A_61 : f32 to vector<16xf32>
      %mul3A_396 = arith.mulf %get3A_394, %mul3A_395 : vector<16xf32>
      %add3A_397 = arith.addf %add3A_390, %mul3A_396 : vector<16xf32>
      %get3A_398 = arith.constant 29 : i32
      %get3A_399 = arith.index_cast %get3A_398 : i32 to index
      %get3A_400 = arith.index_cast %mul3A_195 : i32 to index
      %get3A_401 = tpu.vector_load %arg6[%get3A_399, %get3A_400] {strides = array<i32>} : memref<32x1024xf32, #tpu.memory_space<vmem>>, vector<16xf32>,
      %mul3A_402 = vector.broadcast %squeeze3A_63 : f32 to vector<16xf32>
      %mul3A_403 = arith.mulf %get3A_401, %mul3A_402 : vector<16xf32>
      %add3A_404 = arith.addf %add3A_397, %mul3A_403 : vector<16xf32>
      %get3A_405 = arith.constant 30 : i32
      %get3A_406 = arith.index_cast %get3A_405 : i32 to index
      %get3A_407 = arith.index_cast %mul3A_195 : i32 to index
      %get3A_408 = tpu.vector_load %arg6[%get3A_406, %get3A_407] {strides = array<i32>} : memref<32x1024xf32, #tpu.memory_space<vmem>>, vector<16xf32>,
      %mul3A_409 = vector.broadcast %squeeze3A_65 : f32 to vector<16xf32>
      %mul3A_410 = arith.mulf %get3A_408, %mul3A_409 : vector<16xf32>
      %add3A_411 = arith.addf %add3A_404, %mul3A_410 : vector<16xf32>
      %get3A_412 = arith.constant 31 : i32
      %get3A_413 = arith.index_cast %get3A_412 : i32 to index
      %get3A_414 = arith.index_cast %mul3A_195 : i32 to index
      %get3A_415 = tpu.vector_load %arg6[%get3A_413, %get3A_414] {strides = array<i32>} : memref<32x1024xf32, #tpu.memory_space<vmem>>, vector<16xf32>,
      %mul3A_416 = vector.broadcast %squeeze3A_67 : f32 to vector<16xf32>
      %mul3A_417 = arith.mulf %get3A_415, %mul3A_416 : vector<16xf32>
      %add3A_418 = arith.addf %add3A_411, %mul3A_417 : vector<16xf32>
      %add3A_419 = arith.constant 1024 : i32
      %add3A_420 = arith.addi %add3A_419, %mul3A_195 : i32
      %swap3A = arith.index_cast %add3A_420 : i32 to index
      %swap3A_421 = tpu.vector_load %arg7[%swap3A] {strides = array<i32>} : memref<8192xf32, #tpu.memory_space<vmem>>, vector<16xf32>,
      tpu.vector_store %arg7[%swap3A], %add3A_418 {strides = array<i32>} : memref<8192xf32, #tpu.memory_space<vmem>>, vector<16xf32>,
    }
    %scan3A_102 = arith.constant 64 : i32
    %dma_wait3A_103 = arith.constant 0 : i32
    %dma_wait3A_104 = tpu.memref_slice %arg2[%dma_wait3A_103, %add3A_92] : memref<32x1000000xf32, #tpu.memory_space<hbm>> -> memref<32x1024xf32, #tpu.memory_space<hbm>>
    %dma_wait3A_105 = arith.constant 0 : i32
    %dma_wait3A_106 = tpu.memref_slice %arg2[%dma_wait3A_105, %add3A_92] : memref<32x1000000xf32, #tpu.memory_space<hbm>> -> memref<32x1024xf32, #tpu.memory_space<hbm>>
    tpu.wait_dma2 semaphore(%arg9 : memref<!tpu.dma_semaphore, #tpu.memory_space<semaphore_mem>>) src(%dma_wait3A_106 : memref<32x1024xf32, #tpu.memory_space<hbm>>) dst(%arg5 : memref<32x1024xf32, #tpu.memory_space<vmem>>)
    %add3A_107 = arith.constant 3072 : i32
    %add3A_108 = arith.addi %mul3A_2, %add3A_107 : i32
    %dma_start3A_109 = arith.constant 0 : i32
    %dma_start3A_110 = tpu.memref_slice %arg2[%dma_start3A_109, %add3A_108] : memref<32x1000000xf32, #tpu.memory_space<hbm>> -> memref<32x1024xf32, #tpu.memory_space<hbm>>
    %dma_start3A_111 = arith.constant 0 : i32
    %dma_start3A_112 = tpu.memref_slice %arg2[%dma_start3A_111, %add3A_108] : memref<32x1000000xf32, #tpu.memory_space<hbm>> -> memref<32x1024xf32, #tpu.memory_space<hbm>>
    tpu.enqueue_dma source(%dma_start3A_112 : memref<32x1024xf32, #tpu.memory_space<hbm>>) target(%arg6 : memref<32x1024xf32, #tpu.memory_space<vmem>>) target_semaphore(%arg10 : memref<!tpu.dma_semaphore, #tpu.memory_space<semaphore_mem>>)
    %scan3A_113 = arith.constant 0 : i32
    %scan3A_114 = arith.constant 0 : i32
    %scan3A_115 = arith.constant 64 : i32
    %scan3A_116 = arith.addi %scan3A_114, %scan3A_115 : i32
    %scan3A_117 = arith.constant 1 : i32
    scf.for %scan3A_193 = %scan3A_114 to %scan3A_116 step %scan3A_117  : i32 {
      %mul3A_194 = arith.constant 16 : i32
      %mul3A_195 = arith.muli %scan3A_193, %mul3A_194 : i32
      %get3A_196 = arith.constant 0 : i32
      %get3A_197 = arith.index_cast %get3A_196 : i32 to index
      %get3A_198 = arith.index_cast %mul3A_195 : i32 to index
      %get3A_199 = tpu.vector_load %arg5[%get3A_197, %get3A_198] {strides = array<i32>} : memref<32x1024xf32, #tpu.memory_space<vmem>>, vector<16xf32>,
      %mul3A_200 = vector.broadcast %squeeze3A : f32 to vector<16xf32>
      %mul3A_201 = arith.mulf %get3A_199, %mul3A_200 : vector<16xf32>
      %get3A_202 = arith.constant 1 : i32
      %get3A_203 = arith.index_cast %get3A_202 : i32 to index
      %get3A_204 = arith.index_cast %mul3A_195 : i32 to index
      %get3A_205 = tpu.vector_load %arg5[%get3A_203, %get3A_204] {strides = array<i32>} : memref<32x1024xf32, #tpu.memory_space<vmem>>, vector<16xf32>,
      %mul3A_206 = vector.broadcast %squeeze3A_7 : f32 to vector<16xf32>
      %mul3A_207 = arith.mulf %get3A_205, %mul3A_206 : vector<16xf32>
      %add3A_208 = arith.addf %mul3A_201, %mul3A_207 : vector<16xf32>
      %get3A_209 = arith.constant 2 : i32
      %get3A_210 = arith.index_cast %get3A_209 : i32 to index
      %get3A_211 = arith.index_cast %mul3A_195 : i32 to index
      %get3A_212 = tpu.vector_load %arg5[%get3A_210, %get3A_211] {strides = array<i32>} : memref<32x1024xf32, #tpu.memory_space<vmem>>, vector<16xf32>,
      %mul3A_213 = vector.broadcast %squeeze3A_9 : f32 to vector<16xf32>
      %mul3A_214 = arith.mulf %get3A_212, %mul3A_213 : vector<16xf32>
      %add3A_215 = arith.addf %add3A_208, %mul3A_214 : vector<16xf32>
      %get3A_216 = arith.constant 3 : i32
      %get3A_217 = arith.index_cast %get3A_216 : i32 to index
      %get3A_218 = arith.index_cast %mul3A_195 : i32 to index
      %get3A_219 = tpu.vector_load %arg5[%get3A_217, %get3A_218] {strides = array<i32>} : memref<32x1024xf32, #tpu.memory_space<vmem>>, vector<16xf32>,
      %mul3A_220 = vector.broadcast %squeeze3A_11 : f32 to vector<16xf32>
      %mul3A_221 = arith.mulf %get3A_219, %mul3A_220 : vector<16xf32>
      %add3A_222 = arith.addf %add3A_215, %mul3A_221 : vector<16xf32>
      %get3A_223 = arith.constant 4 : i32
      %get3A_224 = arith.index_cast %get3A_223 : i32 to index
      %get3A_225 = arith.index_cast %mul3A_195 : i32 to index
      %get3A_226 = tpu.vector_load %arg5[%get3A_224, %get3A_225] {strides = array<i32>} : memref<32x1024xf32, #tpu.memory_space<vmem>>, vector<16xf32>,
      %mul3A_227 = vector.broadcast %squeeze3A_13 : f32 to vector<16xf32>
      %mul3A_228 = arith.mulf %get3A_226, %mul3A_227 : vector<16xf32>
      %add3A_229 = arith.addf %add3A_222, %mul3A_228 : vector<16xf32>
      %get3A_230 = arith.constant 5 : i32
      %get3A_231 = arith.index_cast %get3A_230 : i32 to index
      %get3A_232 = arith.index_cast %mul3A_195 : i32 to index
      %get3A_233 = tpu.vector_load %arg5[%get3A_231, %get3A_232] {strides = array<i32>} : memref<32x1024xf32, #tpu.memory_space<vmem>>, vector<16xf32>,
      %mul3A_234 = vector.broadcast %squeeze3A_15 : f32 to vector<16xf32>
      %mul3A_235 = arith.mulf %get3A_233, %mul3A_234 : vector<16xf32>
      %add3A_236 = arith.addf %add3A_229, %mul3A_235 : vector<16xf32>
      %get3A_237 = arith.constant 6 : i32
      %get3A_238 = arith.index_cast %get3A_237 : i32 to index
      %get3A_239 = arith.index_cast %mul3A_195 : i32 to index
      %get3A_240 = tpu.vector_load %arg5[%get3A_238, %get3A_239] {strides = array<i32>} : memref<32x1024xf32, #tpu.memory_space<vmem>>, vector<16xf32>,
      %mul3A_241 = vector.broadcast %squeeze3A_17 : f32 to vector<16xf32>
      %mul3A_242 = arith.mulf %get3A_240, %mul3A_241 : vector<16xf32>
      %add3A_243 = arith.addf %add3A_236, %mul3A_242 : vector<16xf32>
      %get3A_244 = arith.constant 7 : i32
      %get3A_245 = arith.index_cast %get3A_244 : i32 to index
      %get3A_246 = arith.index_cast %mul3A_195 : i32 to index
      %get3A_247 = tpu.vector_load %arg5[%get3A_245, %get3A_246] {strides = array<i32>} : memref<32x1024xf32, #tpu.memory_space<vmem>>, vector<16xf32>,
      %mul3A_248 = vector.broadcast %squeeze3A_19 : f32 to vector<16xf32>
      %mul3A_249 = arith.mulf %get3A_247, %mul3A_248 : vector<16xf32>
      %add3A_250 = arith.addf %add3A_243, %mul3A_249 : vector<16xf32>
      %get3A_251 = arith.constant 8 : i32
      %get3A_252 = arith.index_cast %get3A_251 : i32 to index
      %get3A_253 = arith.index_cast %mul3A_195 : i32 to index
      %get3A_254 = tpu.vector_load %arg5[%get3A_252, %get3A_253] {strides = array<i32>} : memref<32x1024xf32, #tpu.memory_space<vmem>>, vector<16xf32>,
      %mul3A_255 = vector.broadcast %squeeze3A_21 : f32 to vector<16xf32>
      %mul3A_256 = arith.mulf %get3A_254, %mul3A_255 : vector<16xf32>
      %add3A_257 = arith.addf %add3A_250, %mul3A_256 : vector<16xf32>
      %get3A_258 = arith.constant 9 : i32
      %get3A_259 = arith.index_cast %get3A_258 : i32 to index
      %get3A_260 = arith.index_cast %mul3A_195 : i32 to index
      %get3A_261 = tpu.vector_load %arg5[%get3A_259, %get3A_260] {strides = array<i32>} : memref<32x1024xf32, #tpu.memory_space<vmem>>, vector<16xf32>,
      %mul3A_262 = vector.broadcast %squeeze3A_23 : f32 to vector<16xf32>
      %mul3A_263 = arith.mulf %get3A_261, %mul3A_262 : vector<16xf32>
      %add3A_264 = arith.addf %add3A_257, %mul3A_263 : vector<16xf32>
      %get3A_265 = arith.constant 10 : i32
      %get3A_266 = arith.index_cast %get3A_265 : i32 to index
      %get3A_267 = arith.index_cast %mul3A_195 : i32 to index
      %get3A_268 = tpu.vector_load %arg5[%get3A_266, %get3A_267] {strides = array<i32>} : memref<32x1024xf32, #tpu.memory_space<vmem>>, vector<16xf32>,
      %mul3A_269 = vector.broadcast %squeeze3A_25 : f32 to vector<16xf32>
      %mul3A_270 = arith.mulf %get3A_268, %mul3A_269 : vector<16xf32>
      %add3A_271 = arith.addf %add3A_264, %mul3A_270 : vector<16xf32>
      %get3A_272 = arith.constant 11 : i32
      %get3A_273 = arith.index_cast %get3A_272 : i32 to index
      %get3A_274 = arith.index_cast %mul3A_195 : i32 to index
      %get3A_275 = tpu.vector_load %arg5[%get3A_273, %get3A_274] {strides = array<i32>} : memref<32x1024xf32, #tpu.memory_space<vmem>>, vector<16xf32>,
      %mul3A_276 = vector.broadcast %squeeze3A_27 : f32 to vector<16xf32>
      %mul3A_277 = arith.mulf %get3A_275, %mul3A_276 : vector<16xf32>
      %add3A_278 = arith.addf %add3A_271, %mul3A_277 : vector<16xf32>
      %get3A_279 = arith.constant 12 : i32
      %get3A_280 = arith.index_cast %get3A_279 : i32 to index
      %get3A_281 = arith.index_cast %mul3A_195 : i32 to index
      %get3A_282 = tpu.vector_load %arg5[%get3A_280, %get3A_281] {strides = array<i32>} : memref<32x1024xf32, #tpu.memory_space<vmem>>, vector<16xf32>,
      %mul3A_283 = vector.broadcast %squeeze3A_29 : f32 to vector<16xf32>
      %mul3A_284 = arith.mulf %get3A_282, %mul3A_283 : vector<16xf32>
      %add3A_285 = arith.addf %add3A_278, %mul3A_284 : vector<16xf32>
      %get3A_286 = arith.constant 13 : i32
      %get3A_287 = arith.index_cast %get3A_286 : i32 to index
      %get3A_288 = arith.index_cast %mul3A_195 : i32 to index
      %get3A_289 = tpu.vector_load %arg5[%get3A_287, %get3A_288] {strides = array<i32>} : memref<32x1024xf32, #tpu.memory_space<vmem>>, vector<16xf32>,
      %mul3A_290 = vector.broadcast %squeeze3A_31 : f32 to vector<16xf32>
      %mul3A_291 = arith.mulf %get3A_289, %mul3A_290 : vector<16xf32>
      %add3A_292 = arith.addf %add3A_285, %mul3A_291 : vector<16xf32>
      %get3A_293 = arith.constant 14 : i32
      %get3A_294 = arith.index_cast %get3A_293 : i32 to index
      %get3A_295 = arith.index_cast %mul3A_195 : i32 to index
      %get3A_296 = tpu.vector_load %arg5[%get3A_294, %get3A_295] {strides = array<i32>} : memref<32x1024xf32, #tpu.memory_space<vmem>>, vector<16xf32>,
      %mul3A_297 = vector.broadcast %squeeze3A_33 : f32 to vector<16xf32>
      %mul3A_298 = arith.mulf %get3A_296, %mul3A_297 : vector<16xf32>
      %add3A_299 = arith.addf %add3A_292, %mul3A_298 : vector<16xf32>
      %get3A_300 = arith.constant 15 : i32
      %get3A_301 = arith.index_cast %get3A_300 : i32 to index
      %get3A_302 = arith.index_cast %mul3A_195 : i32 to index
      %get3A_303 = tpu.vector_load %arg5[%get3A_301, %get3A_302] {strides = array<i32>} : memref<32x1024xf32, #tpu.memory_space<vmem>>, vector<16xf32>,
      %mul3A_304 = vector.broadcast %squeeze3A_35 : f32 to vector<16xf32>
      %mul3A_305 = arith.mulf %get3A_303, %mul3A_304 : vector<16xf32>
      %add3A_306 = arith.addf %add3A_299, %mul3A_305 : vector<16xf32>
      %get3A_307 = arith.constant 16 : i32
      %get3A_308 = arith.index_cast %get3A_307 : i32 to index
      %get3A_309 = arith.index_cast %mul3A_195 : i32 to index
      %get3A_310 = tpu.vector_load %arg5[%get3A_308, %get3A_309] {strides = array<i32>} : memref<32x1024xf32, #tpu.memory_space<vmem>>, vector<16xf32>,
      %mul3A_311 = vector.broadcast %squeeze3A_37 : f32 to vector<16xf32>
      %mul3A_312 = arith.mulf %get3A_310, %mul3A_311 : vector<16xf32>
      %add3A_313 = arith.addf %add3A_306, %mul3A_312 : vector<16xf32>
      %get3A_314 = arith.constant 17 : i32
      %get3A_315 = arith.index_cast %get3A_314 : i32 to index
      %get3A_316 = arith.index_cast %mul3A_195 : i32 to index
      %get3A_317 = tpu.vector_load %arg5[%get3A_315, %get3A_316] {strides = array<i32>} : memref<32x1024xf32, #tpu.memory_space<vmem>>, vector<16xf32>,
      %mul3A_318 = vector.broadcast %squeeze3A_39 : f32 to vector<16xf32>
      %mul3A_319 = arith.mulf %get3A_317, %mul3A_318 : vector<16xf32>
      %add3A_320 = arith.addf %add3A_313, %mul3A_319 : vector<16xf32>
      %get3A_321 = arith.constant 18 : i32
      %get3A_322 = arith.index_cast %get3A_321 : i32 to index
      %get3A_323 = arith.index_cast %mul3A_195 : i32 to index
      %get3A_324 = tpu.vector_load %arg5[%get3A_322, %get3A_323] {strides = array<i32>} : memref<32x1024xf32, #tpu.memory_space<vmem>>, vector<16xf32>,
      %mul3A_325 = vector.broadcast %squeeze3A_41 : f32 to vector<16xf32>
      %mul3A_326 = arith.mulf %get3A_324, %mul3A_325 : vector<16xf32>
      %add3A_327 = arith.addf %add3A_320, %mul3A_326 : vector<16xf32>
      %get3A_328 = arith.constant 19 : i32
      %get3A_329 = arith.index_cast %get3A_328 : i32 to index
      %get3A_330 = arith.index_cast %mul3A_195 : i32 to index
      %get3A_331 = tpu.vector_load %arg5[%get3A_329, %get3A_330] {strides = array<i32>} : memref<32x1024xf32, #tpu.memory_space<vmem>>, vector<16xf32>,
      %mul3A_332 = vector.broadcast %squeeze3A_43 : f32 to vector<16xf32>
      %mul3A_333 = arith.mulf %get3A_331, %mul3A_332 : vector<16xf32>
      %add3A_334 = arith.addf %add3A_327, %mul3A_333 : vector<16xf32>
      %get3A_335 = arith.constant 20 : i32
      %get3A_336 = arith.index_cast %get3A_335 : i32 to index
      %get3A_337 = arith.index_cast %mul3A_195 : i32 to index
      %get3A_338 = tpu.vector_load %arg5[%get3A_336, %get3A_337] {strides = array<i32>} : memref<32x1024xf32, #tpu.memory_space<vmem>>, vector<16xf32>,
      %mul3A_339 = vector.broadcast %squeeze3A_45 : f32 to vector<16xf32>
      %mul3A_340 = arith.mulf %get3A_338, %mul3A_339 : vector<16xf32>
      %add3A_341 = arith.addf %add3A_334, %mul3A_340 : vector<16xf32>
      %get3A_342 = arith.constant 21 : i32
      %get3A_343 = arith.index_cast %get3A_342 : i32 to index
      %get3A_344 = arith.index_cast %mul3A_195 : i32 to index
      %get3A_345 = tpu.vector_load %arg5[%get3A_343, %get3A_344] {strides = array<i32>} : memref<32x1024xf32, #tpu.memory_space<vmem>>, vector<16xf32>,
      %mul3A_346 = vector.broadcast %squeeze3A_47 : f32 to vector<16xf32>
      %mul3A_347 = arith.mulf %get3A_345, %mul3A_346 : vector<16xf32>
      %add3A_348 = arith.addf %add3A_341, %mul3A_347 : vector<16xf32>
      %get3A_349 = arith.constant 22 : i32
      %get3A_350 = arith.index_cast %get3A_349 : i32 to index
      %get3A_351 = arith.index_cast %mul3A_195 : i32 to index
      %get3A_352 = tpu.vector_load %arg5[%get3A_350, %get3A_351] {strides = array<i32>} : memref<32x1024xf32, #tpu.memory_space<vmem>>, vector<16xf32>,
      %mul3A_353 = vector.broadcast %squeeze3A_49 : f32 to vector<16xf32>
      %mul3A_354 = arith.mulf %get3A_352, %mul3A_353 : vector<16xf32>
      %add3A_355 = arith.addf %add3A_348, %mul3A_354 : vector<16xf32>
      %get3A_356 = arith.constant 23 : i32
      %get3A_357 = arith.index_cast %get3A_356 : i32 to index
      %get3A_358 = arith.index_cast %mul3A_195 : i32 to index
      %get3A_359 = tpu.vector_load %arg5[%get3A_357, %get3A_358] {strides = array<i32>} : memref<32x1024xf32, #tpu.memory_space<vmem>>, vector<16xf32>,
      %mul3A_360 = vector.broadcast %squeeze3A_51 : f32 to vector<16xf32>
      %mul3A_361 = arith.mulf %get3A_359, %mul3A_360 : vector<16xf32>
      %add3A_362 = arith.addf %add3A_355, %mul3A_361 : vector<16xf32>
      %get3A_363 = arith.constant 24 : i32
      %get3A_364 = arith.index_cast %get3A_363 : i32 to index
      %get3A_365 = arith.index_cast %mul3A_195 : i32 to index
      %get3A_366 = tpu.vector_load %arg5[%get3A_364, %get3A_365] {strides = array<i32>} : memref<32x1024xf32, #tpu.memory_space<vmem>>, vector<16xf32>,
      %mul3A_367 = vector.broadcast %squeeze3A_53 : f32 to vector<16xf32>
      %mul3A_368 = arith.mulf %get3A_366, %mul3A_367 : vector<16xf32>
      %add3A_369 = arith.addf %add3A_362, %mul3A_368 : vector<16xf32>
      %get3A_370 = arith.constant 25 : i32
      %get3A_371 = arith.index_cast %get3A_370 : i32 to index
      %get3A_372 = arith.index_cast %mul3A_195 : i32 to index
      %get3A_373 = tpu.vector_load %arg5[%get3A_371, %get3A_372] {strides = array<i32>} : memref<32x1024xf32, #tpu.memory_space<vmem>>, vector<16xf32>,
      %mul3A_374 = vector.broadcast %squeeze3A_55 : f32 to vector<16xf32>
      %mul3A_375 = arith.mulf %get3A_373, %mul3A_374 : vector<16xf32>
      %add3A_376 = arith.addf %add3A_369, %mul3A_375 : vector<16xf32>
      %get3A_377 = arith.constant 26 : i32
      %get3A_378 = arith.index_cast %get3A_377 : i32 to index
      %get3A_379 = arith.index_cast %mul3A_195 : i32 to index
      %get3A_380 = tpu.vector_load %arg5[%get3A_378, %get3A_379] {strides = array<i32>} : memref<32x1024xf32, #tpu.memory_space<vmem>>, vector<16xf32>,
      %mul3A_381 = vector.broadcast %squeeze3A_57 : f32 to vector<16xf32>
      %mul3A_382 = arith.mulf %get3A_380, %mul3A_381 : vector<16xf32>
      %add3A_383 = arith.addf %add3A_376, %mul3A_382 : vector<16xf32>
      %get3A_384 = arith.constant 27 : i32
      %get3A_385 = arith.index_cast %get3A_384 : i32 to index
      %get3A_386 = arith.index_cast %mul3A_195 : i32 to index
      %get3A_387 = tpu.vector_load %arg5[%get3A_385, %get3A_386] {strides = array<i32>} : memref<32x1024xf32, #tpu.memory_space<vmem>>, vector<16xf32>,
      %mul3A_388 = vector.broadcast %squeeze3A_59 : f32 to vector<16xf32>
      %mul3A_389 = arith.mulf %get3A_387, %mul3A_388 : vector<16xf32>
      %add3A_390 = arith.addf %add3A_383, %mul3A_389 : vector<16xf32>
      %get3A_391 = arith.constant 28 : i32
      %get3A_392 = arith.index_cast %get3A_391 : i32 to index
      %get3A_393 = arith.index_cast %mul3A_195 : i32 to index
      %get3A_394 = tpu.vector_load %arg5[%get3A_392, %get3A_393] {strides = array<i32>} : memref<32x1024xf32, #tpu.memory_space<vmem>>, vector<16xf32>,
      %mul3A_395 = vector.broadcast %squeeze3A_61 : f32 to vector<16xf32>
      %mul3A_396 = arith.mulf %get3A_394, %mul3A_395 : vector<16xf32>
      %add3A_397 = arith.addf %add3A_390, %mul3A_396 : vector<16xf32>
      %get3A_398 = arith.constant 29 : i32
      %get3A_399 = arith.index_cast %get3A_398 : i32 to index
      %get3A_400 = arith.index_cast %mul3A_195 : i32 to index
      %get3A_401 = tpu.vector_load %arg5[%get3A_399, %get3A_400] {strides = array<i32>} : memref<32x1024xf32, #tpu.memory_space<vmem>>, vector<16xf32>,
      %mul3A_402 = vector.broadcast %squeeze3A_63 : f32 to vector<16xf32>
      %mul3A_403 = arith.mulf %get3A_401, %mul3A_402 : vector<16xf32>
      %add3A_404 = arith.addf %add3A_397, %mul3A_403 : vector<16xf32>
      %get3A_405 = arith.constant 30 : i32
      %get3A_406 = arith.index_cast %get3A_405 : i32 to index
      %get3A_407 = arith.index_cast %mul3A_195 : i32 to index
      %get3A_408 = tpu.vector_load %arg5[%get3A_406, %get3A_407] {strides = array<i32>} : memref<32x1024xf32, #tpu.memory_space<vmem>>, vector<16xf32>,
      %mul3A_409 = vector.broadcast %squeeze3A_65 : f32 to vector<16xf32>
      %mul3A_410 = arith.mulf %get3A_408, %mul3A_409 : vector<16xf32>
      %add3A_411 = arith.addf %add3A_404, %mul3A_410 : vector<16xf32>
      %get3A_412 = arith.constant 31 : i32
      %get3A_413 = arith.index_cast %get3A_412 : i32 to index
      %get3A_414 = arith.index_cast %mul3A_195 : i32 to index
      %get3A_415 = tpu.vector_load %arg5[%get3A_413, %get3A_414] {strides = array<i32>} : memref<32x1024xf32, #tpu.memory_space<vmem>>, vector<16xf32>,
      %mul3A_416 = vector.broadcast %squeeze3A_67 : f32 to vector<16xf32>
      %mul3A_417 = arith.mulf %get3A_415, %mul3A_416 : vector<16xf32>
      %add3A_418 = arith.addf %add3A_411, %mul3A_417 : vector<16xf32>
      %add3A_419 = arith.constant 2048 : i32
      %add3A_420 = arith.addi %add3A_419, %mul3A_195 : i32
      %swap3A = arith.index_cast %add3A_420 : i32 to index
      %swap3A_421 = tpu.vector_load %arg7[%swap3A] {strides = array<i32>} : memref<8192xf32, #tpu.memory_space<vmem>>, vector<16xf32>,
      tpu.vector_store %arg7[%swap3A], %add3A_418 {strides = array<i32>} : memref<8192xf32, #tpu.memory_space<vmem>>, vector<16xf32>,
    }
    %scan3A_118 = arith.constant 64 : i32
    %dma_wait3A_119 = arith.constant 0 : i32
    %dma_wait3A_120 = tpu.memref_slice %arg2[%dma_wait3A_119, %add3A_108] : memref<32x1000000xf32, #tpu.memory_space<hbm>> -> memref<32x1024xf32, #tpu.memory_space<hbm>>
    %dma_wait3A_121 = arith.constant 0 : i32
    %dma_wait3A_122 = tpu.memref_slice %arg2[%dma_wait3A_121, %add3A_108] : memref<32x1000000xf32, #tpu.memory_space<hbm>> -> memref<32x1024xf32, #tpu.memory_space<hbm>>
    tpu.wait_dma2 semaphore(%arg10 : memref<!tpu.dma_semaphore, #tpu.memory_space<semaphore_mem>>) src(%dma_wait3A_122 : memref<32x1024xf32, #tpu.memory_space<hbm>>) dst(%arg6 : memref<32x1024xf32, #tpu.memory_space<vmem>>)
    %add3A_123 = arith.constant 4096 : i32
    %add3A_124 = arith.addi %mul3A_2, %add3A_123 : i32
    %dma_start3A_125 = arith.constant 0 : i32
    %dma_start3A_126 = tpu.memref_slice %arg2[%dma_start3A_125, %add3A_124] : memref<32x1000000xf32, #tpu.memory_space<hbm>> -> memref<32x1024xf32, #tpu.memory_space<hbm>>
    %dma_start3A_127 = arith.constant 0 : i32
    %dma_start3A_128 = tpu.memref_slice %arg2[%dma_start3A_127, %add3A_124] : memref<32x1000000xf32, #tpu.memory_space<hbm>> -> memref<32x1024xf32, #tpu.memory_space<hbm>>
    tpu.enqueue_dma source(%dma_start3A_128 : memref<32x1024xf32, #tpu.memory_space<hbm>>) target(%arg5 : memref<32x1024xf32, #tpu.memory_space<vmem>>) target_semaphore(%arg9 : memref<!tpu.dma_semaphore, #tpu.memory_space<semaphore_mem>>)
    %scan3A_129 = arith.constant 0 : i32
    %scan3A_130 = arith.constant 0 : i32
    %scan3A_131 = arith.constant 64 : i32
    %scan3A_132 = arith.addi %scan3A_130, %scan3A_131 : i32
    %scan3A_133 = arith.constant 1 : i32
    scf.for %scan3A_193 = %scan3A_130 to %scan3A_132 step %scan3A_133  : i32 {
      %mul3A_194 = arith.constant 16 : i32
      %mul3A_195 = arith.muli %scan3A_193, %mul3A_194 : i32
      %get3A_196 = arith.constant 0 : i32
      %get3A_197 = arith.index_cast %get3A_196 : i32 to index
      %get3A_198 = arith.index_cast %mul3A_195 : i32 to index
      %get3A_199 = tpu.vector_load %arg6[%get3A_197, %get3A_198] {strides = array<i32>} : memref<32x1024xf32, #tpu.memory_space<vmem>>, vector<16xf32>,
      %mul3A_200 = vector.broadcast %squeeze3A : f32 to vector<16xf32>
      %mul3A_201 = arith.mulf %get3A_199, %mul3A_200 : vector<16xf32>
      %get3A_202 = arith.constant 1 : i32
      %get3A_203 = arith.index_cast %get3A_202 : i32 to index
      %get3A_204 = arith.index_cast %mul3A_195 : i32 to index
      %get3A_205 = tpu.vector_load %arg6[%get3A_203, %get3A_204] {strides = array<i32>} : memref<32x1024xf32, #tpu.memory_space<vmem>>, vector<16xf32>,
      %mul3A_206 = vector.broadcast %squeeze3A_7 : f32 to vector<16xf32>
      %mul3A_207 = arith.mulf %get3A_205, %mul3A_206 : vector<16xf32>
      %add3A_208 = arith.addf %mul3A_201, %mul3A_207 : vector<16xf32>
      %get3A_209 = arith.constant 2 : i32
      %get3A_210 = arith.index_cast %get3A_209 : i32 to index
      %get3A_211 = arith.index_cast %mul3A_195 : i32 to index
      %get3A_212 = tpu.vector_load %arg6[%get3A_210, %get3A_211] {strides = array<i32>} : memref<32x1024xf32, #tpu.memory_space<vmem>>, vector<16xf32>,
      %mul3A_213 = vector.broadcast %squeeze3A_9 : f32 to vector<16xf32>
      %mul3A_214 = arith.mulf %get3A_212, %mul3A_213 : vector<16xf32>
      %add3A_215 = arith.addf %add3A_208, %mul3A_214 : vector<16xf32>
      %get3A_216 = arith.constant 3 : i32
      %get3A_217 = arith.index_cast %get3A_216 : i32 to index
      %get3A_218 = arith.index_cast %mul3A_195 : i32 to index
      %get3A_219 = tpu.vector_load %arg6[%get3A_217, %get3A_218] {strides = array<i32>} : memref<32x1024xf32, #tpu.memory_space<vmem>>, vector<16xf32>,
      %mul3A_220 = vector.broadcast %squeeze3A_11 : f32 to vector<16xf32>
      %mul3A_221 = arith.mulf %get3A_219, %mul3A_220 : vector<16xf32>
      %add3A_222 = arith.addf %add3A_215, %mul3A_221 : vector<16xf32>
      %get3A_223 = arith.constant 4 : i32
      %get3A_224 = arith.index_cast %get3A_223 : i32 to index
      %get3A_225 = arith.index_cast %mul3A_195 : i32 to index
      %get3A_226 = tpu.vector_load %arg6[%get3A_224, %get3A_225] {strides = array<i32>} : memref<32x1024xf32, #tpu.memory_space<vmem>>, vector<16xf32>,
      %mul3A_227 = vector.broadcast %squeeze3A_13 : f32 to vector<16xf32>
      %mul3A_228 = arith.mulf %get3A_226, %mul3A_227 : vector<16xf32>
      %add3A_229 = arith.addf %add3A_222, %mul3A_228 : vector<16xf32>
      %get3A_230 = arith.constant 5 : i32
      %get3A_231 = arith.index_cast %get3A_230 : i32 to index
      %get3A_232 = arith.index_cast %mul3A_195 : i32 to index
      %get3A_233 = tpu.vector_load %arg6[%get3A_231, %get3A_232] {strides = array<i32>} : memref<32x1024xf32, #tpu.memory_space<vmem>>, vector<16xf32>,
      %mul3A_234 = vector.broadcast %squeeze3A_15 : f32 to vector<16xf32>
      %mul3A_235 = arith.mulf %get3A_233, %mul3A_234 : vector<16xf32>
      %add3A_236 = arith.addf %add3A_229, %mul3A_235 : vector<16xf32>
      %get3A_237 = arith.constant 6 : i32
      %get3A_238 = arith.index_cast %get3A_237 : i32 to index
      %get3A_239 = arith.index_cast %mul3A_195 : i32 to index
      %get3A_240 = tpu.vector_load %arg6[%get3A_238, %get3A_239] {strides = array<i32>} : memref<32x1024xf32, #tpu.memory_space<vmem>>, vector<16xf32>,
      %mul3A_241 = vector.broadcast %squeeze3A_17 : f32 to vector<16xf32>
      %mul3A_242 = arith.mulf %get3A_240, %mul3A_241 : vector<16xf32>
      %add3A_243 = arith.addf %add3A_236, %mul3A_242 : vector<16xf32>
      %get3A_244 = arith.constant 7 : i32
      %get3A_245 = arith.index_cast %get3A_244 : i32 to index
      %get3A_246 = arith.index_cast %mul3A_195 : i32 to index
      %get3A_247 = tpu.vector_load %arg6[%get3A_245, %get3A_246] {strides = array<i32>} : memref<32x1024xf32, #tpu.memory_space<vmem>>, vector<16xf32>,
      %mul3A_248 = vector.broadcast %squeeze3A_19 : f32 to vector<16xf32>
      %mul3A_249 = arith.mulf %get3A_247, %mul3A_248 : vector<16xf32>
      %add3A_250 = arith.addf %add3A_243, %mul3A_249 : vector<16xf32>
      %get3A_251 = arith.constant 8 : i32
      %get3A_252 = arith.index_cast %get3A_251 : i32 to index
      %get3A_253 = arith.index_cast %mul3A_195 : i32 to index
      %get3A_254 = tpu.vector_load %arg6[%get3A_252, %get3A_253] {strides = array<i32>} : memref<32x1024xf32, #tpu.memory_space<vmem>>, vector<16xf32>,
      %mul3A_255 = vector.broadcast %squeeze3A_21 : f32 to vector<16xf32>
      %mul3A_256 = arith.mulf %get3A_254, %mul3A_255 : vector<16xf32>
      %add3A_257 = arith.addf %add3A_250, %mul3A_256 : vector<16xf32>
      %get3A_258 = arith.constant 9 : i32
      %get3A_259 = arith.index_cast %get3A_258 : i32 to index
      %get3A_260 = arith.index_cast %mul3A_195 : i32 to index
      %get3A_261 = tpu.vector_load %arg6[%get3A_259, %get3A_260] {strides = array<i32>} : memref<32x1024xf32, #tpu.memory_space<vmem>>, vector<16xf32>,
      %mul3A_262 = vector.broadcast %squeeze3A_23 : f32 to vector<16xf32>
      %mul3A_263 = arith.mulf %get3A_261, %mul3A_262 : vector<16xf32>
      %add3A_264 = arith.addf %add3A_257, %mul3A_263 : vector<16xf32>
      %get3A_265 = arith.constant 10 : i32
      %get3A_266 = arith.index_cast %get3A_265 : i32 to index
      %get3A_267 = arith.index_cast %mul3A_195 : i32 to index
      %get3A_268 = tpu.vector_load %arg6[%get3A_266, %get3A_267] {strides = array<i32>} : memref<32x1024xf32, #tpu.memory_space<vmem>>, vector<16xf32>,
      %mul3A_269 = vector.broadcast %squeeze3A_25 : f32 to vector<16xf32>
      %mul3A_270 = arith.mulf %get3A_268, %mul3A_269 : vector<16xf32>
      %add3A_271 = arith.addf %add3A_264, %mul3A_270 : vector<16xf32>
      %get3A_272 = arith.constant 11 : i32
      %get3A_273 = arith.index_cast %get3A_272 : i32 to index
      %get3A_274 = arith.index_cast %mul3A_195 : i32 to index
      %get3A_275 = tpu.vector_load %arg6[%get3A_273, %get3A_274] {strides = array<i32>} : memref<32x1024xf32, #tpu.memory_space<vmem>>, vector<16xf32>,
      %mul3A_276 = vector.broadcast %squeeze3A_27 : f32 to vector<16xf32>
      %mul3A_277 = arith.mulf %get3A_275, %mul3A_276 : vector<16xf32>
      %add3A_278 = arith.addf %add3A_271, %mul3A_277 : vector<16xf32>
      %get3A_279 = arith.constant 12 : i32
      %get3A_280 = arith.index_cast %get3A_279 : i32 to index
      %get3A_281 = arith.index_cast %mul3A_195 : i32 to index
      %get3A_282 = tpu.vector_load %arg6[%get3A_280, %get3A_281] {strides = array<i32>} : memref<32x1024xf32, #tpu.memory_space<vmem>>, vector<16xf32>,
      %mul3A_283 = vector.broadcast %squeeze3A_29 : f32 to vector<16xf32>
      %mul3A_284 = arith.mulf %get3A_282, %mul3A_283 : vector<16xf32>
      %add3A_285 = arith.addf %add3A_278, %mul3A_284 : vector<16xf32>
      %get3A_286 = arith.constant 13 : i32
      %get3A_287 = arith.index_cast %get3A_286 : i32 to index
      %get3A_288 = arith.index_cast %mul3A_195 : i32 to index
      %get3A_289 = tpu.vector_load %arg6[%get3A_287, %get3A_288] {strides = array<i32>} : memref<32x1024xf32, #tpu.memory_space<vmem>>, vector<16xf32>,
      %mul3A_290 = vector.broadcast %squeeze3A_31 : f32 to vector<16xf32>
      %mul3A_291 = arith.mulf %get3A_289, %mul3A_290 : vector<16xf32>
      %add3A_292 = arith.addf %add3A_285, %mul3A_291 : vector<16xf32>
      %get3A_293 = arith.constant 14 : i32
      %get3A_294 = arith.index_cast %get3A_293 : i32 to index
      %get3A_295 = arith.index_cast %mul3A_195 : i32 to index
      %get3A_296 = tpu.vector_load %arg6[%get3A_294, %get3A_295] {strides = array<i32>} : memref<32x1024xf32, #tpu.memory_space<vmem>>, vector<16xf32>,
      %mul3A_297 = vector.broadcast %squeeze3A_33 : f32 to vector<16xf32>
      %mul3A_298 = arith.mulf %get3A_296, %mul3A_297 : vector<16xf32>
      %add3A_299 = arith.addf %add3A_292, %mul3A_298 : vector<16xf32>
      %get3A_300 = arith.constant 15 : i32
      %get3A_301 = arith.index_cast %get3A_300 : i32 to index
      %get3A_302 = arith.index_cast %mul3A_195 : i32 to index
      %get3A_303 = tpu.vector_load %arg6[%get3A_301, %get3A_302] {strides = array<i32>} : memref<32x1024xf32, #tpu.memory_space<vmem>>, vector<16xf32>,
      %mul3A_304 = vector.broadcast %squeeze3A_35 : f32 to vector<16xf32>
      %mul3A_305 = arith.mulf %get3A_303, %mul3A_304 : vector<16xf32>
      %add3A_306 = arith.addf %add3A_299, %mul3A_305 : vector<16xf32>
      %get3A_307 = arith.constant 16 : i32
      %get3A_308 = arith.index_cast %get3A_307 : i32 to index
      %get3A_309 = arith.index_cast %mul3A_195 : i32 to index
      %get3A_310 = tpu.vector_load %arg6[%get3A_308, %get3A_309] {strides = array<i32>} : memref<32x1024xf32, #tpu.memory_space<vmem>>, vector<16xf32>,
      %mul3A_311 = vector.broadcast %squeeze3A_37 : f32 to vector<16xf32>
      %mul3A_312 = arith.mulf %get3A_310, %mul3A_311 : vector<16xf32>
      %add3A_313 = arith.addf %add3A_306, %mul3A_312 : vector<16xf32>
      %get3A_314 = arith.constant 17 : i32
      %get3A_315 = arith.index_cast %get3A_314 : i32 to index
      %get3A_316 = arith.index_cast %mul3A_195 : i32 to index
      %get3A_317 = tpu.vector_load %arg6[%get3A_315, %get3A_316] {strides = array<i32>} : memref<32x1024xf32, #tpu.memory_space<vmem>>, vector<16xf32>,
      %mul3A_318 = vector.broadcast %squeeze3A_39 : f32 to vector<16xf32>
      %mul3A_319 = arith.mulf %get3A_317, %mul3A_318 : vector<16xf32>
      %add3A_320 = arith.addf %add3A_313, %mul3A_319 : vector<16xf32>
      %get3A_321 = arith.constant 18 : i32
      %get3A_322 = arith.index_cast %get3A_321 : i32 to index
      %get3A_323 = arith.index_cast %mul3A_195 : i32 to index
      %get3A_324 = tpu.vector_load %arg6[%get3A_322, %get3A_323] {strides = array<i32>} : memref<32x1024xf32, #tpu.memory_space<vmem>>, vector<16xf32>,
      %mul3A_325 = vector.broadcast %squeeze3A_41 : f32 to vector<16xf32>
      %mul3A_326 = arith.mulf %get3A_324, %mul3A_325 : vector<16xf32>
      %add3A_327 = arith.addf %add3A_320, %mul3A_326 : vector<16xf32>
      %get3A_328 = arith.constant 19 : i32
      %get3A_329 = arith.index_cast %get3A_328 : i32 to index
      %get3A_330 = arith.index_cast %mul3A_195 : i32 to index
      %get3A_331 = tpu.vector_load %arg6[%get3A_329, %get3A_330] {strides = array<i32>} : memref<32x1024xf32, #tpu.memory_space<vmem>>, vector<16xf32>,
      %mul3A_332 = vector.broadcast %squeeze3A_43 : f32 to vector<16xf32>
      %mul3A_333 = arith.mulf %get3A_331, %mul3A_332 : vector<16xf32>
      %add3A_334 = arith.addf %add3A_327, %mul3A_333 : vector<16xf32>
      %get3A_335 = arith.constant 20 : i32
      %get3A_336 = arith.index_cast %get3A_335 : i32 to index
      %get3A_337 = arith.index_cast %mul3A_195 : i32 to index
      %get3A_338 = tpu.vector_load %arg6[%get3A_336, %get3A_337] {strides = array<i32>} : memref<32x1024xf32, #tpu.memory_space<vmem>>, vector<16xf32>,
      %mul3A_339 = vector.broadcast %squeeze3A_45 : f32 to vector<16xf32>
      %mul3A_340 = arith.mulf %get3A_338, %mul3A_339 : vector<16xf32>
      %add3A_341 = arith.addf %add3A_334, %mul3A_340 : vector<16xf32>
      %get3A_342 = arith.constant 21 : i32
      %get3A_343 = arith.index_cast %get3A_342 : i32 to index
      %get3A_344 = arith.index_cast %mul3A_195 : i32 to index
      %get3A_345 = tpu.vector_load %arg6[%get3A_343, %get3A_344] {strides = array<i32>} : memref<32x1024xf32, #tpu.memory_space<vmem>>, vector<16xf32>,
      %mul3A_346 = vector.broadcast %squeeze3A_47 : f32 to vector<16xf32>
      %mul3A_347 = arith.mulf %get3A_345, %mul3A_346 : vector<16xf32>
      %add3A_348 = arith.addf %add3A_341, %mul3A_347 : vector<16xf32>
      %get3A_349 = arith.constant 22 : i32
      %get3A_350 = arith.index_cast %get3A_349 : i32 to index
      %get3A_351 = arith.index_cast %mul3A_195 : i32 to index
      %get3A_352 = tpu.vector_load %arg6[%get3A_350, %get3A_351] {strides = array<i32>} : memref<32x1024xf32, #tpu.memory_space<vmem>>, vector<16xf32>,
      %mul3A_353 = vector.broadcast %squeeze3A_49 : f32 to vector<16xf32>
      %mul3A_354 = arith.mulf %get3A_352, %mul3A_353 : vector<16xf32>
      %add3A_355 = arith.addf %add3A_348, %mul3A_354 : vector<16xf32>
      %get3A_356 = arith.constant 23 : i32
      %get3A_357 = arith.index_cast %get3A_356 : i32 to index
      %get3A_358 = arith.index_cast %mul3A_195 : i32 to index
      %get3A_359 = tpu.vector_load %arg6[%get3A_357, %get3A_358] {strides = array<i32>} : memref<32x1024xf32, #tpu.memory_space<vmem>>, vector<16xf32>,
      %mul3A_360 = vector.broadcast %squeeze3A_51 : f32 to vector<16xf32>
      %mul3A_361 = arith.mulf %get3A_359, %mul3A_360 : vector<16xf32>
      %add3A_362 = arith.addf %add3A_355, %mul3A_361 : vector<16xf32>
      %get3A_363 = arith.constant 24 : i32
      %get3A_364 = arith.index_cast %get3A_363 : i32 to index
      %get3A_365 = arith.index_cast %mul3A_195 : i32 to index
      %get3A_366 = tpu.vector_load %arg6[%get3A_364, %get3A_365] {strides = array<i32>} : memref<32x1024xf32, #tpu.memory_space<vmem>>, vector<16xf32>,
      %mul3A_367 = vector.broadcast %squeeze3A_53 : f32 to vector<16xf32>
      %mul3A_368 = arith.mulf %get3A_366, %mul3A_367 : vector<16xf32>
      %add3A_369 = arith.addf %add3A_362, %mul3A_368 : vector<16xf32>
      %get3A_370 = arith.constant 25 : i32
      %get3A_371 = arith.index_cast %get3A_370 : i32 to index
      %get3A_372 = arith.index_cast %mul3A_195 : i32 to index
      %get3A_373 = tpu.vector_load %arg6[%get3A_371, %get3A_372] {strides = array<i32>} : memref<32x1024xf32, #tpu.memory_space<vmem>>, vector<16xf32>,
      %mul3A_374 = vector.broadcast %squeeze3A_55 : f32 to vector<16xf32>
      %mul3A_375 = arith.mulf %get3A_373, %mul3A_374 : vector<16xf32>
      %add3A_376 = arith.addf %add3A_369, %mul3A_375 : vector<16xf32>
      %get3A_377 = arith.constant 26 : i32
      %get3A_378 = arith.index_cast %get3A_377 : i32 to index
      %get3A_379 = arith.index_cast %mul3A_195 : i32 to index
      %get3A_380 = tpu.vector_load %arg6[%get3A_378, %get3A_379] {strides = array<i32>} : memref<32x1024xf32, #tpu.memory_space<vmem>>, vector<16xf32>,
      %mul3A_381 = vector.broadcast %squeeze3A_57 : f32 to vector<16xf32>
      %mul3A_382 = arith.mulf %get3A_380, %mul3A_381 : vector<16xf32>
      %add3A_383 = arith.addf %add3A_376, %mul3A_382 : vector<16xf32>
      %get3A_384 = arith.constant 27 : i32
      %get3A_385 = arith.index_cast %get3A_384 : i32 to index
      %get3A_386 = arith.index_cast %mul3A_195 : i32 to index
      %get3A_387 = tpu.vector_load %arg6[%get3A_385, %get3A_386] {strides = array<i32>} : memref<32x1024xf32, #tpu.memory_space<vmem>>, vector<16xf32>,
      %mul3A_388 = vector.broadcast %squeeze3A_59 : f32 to vector<16xf32>
      %mul3A_389 = arith.mulf %get3A_387, %mul3A_388 : vector<16xf32>
      %add3A_390 = arith.addf %add3A_383, %mul3A_389 : vector<16xf32>
      %get3A_391 = arith.constant 28 : i32
      %get3A_392 = arith.index_cast %get3A_391 : i32 to index
      %get3A_393 = arith.index_cast %mul3A_195 : i32 to index
      %get3A_394 = tpu.vector_load %arg6[%get3A_392, %get3A_393] {strides = array<i32>} : memref<32x1024xf32, #tpu.memory_space<vmem>>, vector<16xf32>,
      %mul3A_395 = vector.broadcast %squeeze3A_61 : f32 to vector<16xf32>
      %mul3A_396 = arith.mulf %get3A_394, %mul3A_395 : vector<16xf32>
      %add3A_397 = arith.addf %add3A_390, %mul3A_396 : vector<16xf32>
      %get3A_398 = arith.constant 29 : i32
      %get3A_399 = arith.index_cast %get3A_398 : i32 to index
      %get3A_400 = arith.index_cast %mul3A_195 : i32 to index
      %get3A_401 = tpu.vector_load %arg6[%get3A_399, %get3A_400] {strides = array<i32>} : memref<32x1024xf32, #tpu.memory_space<vmem>>, vector<16xf32>,
      %mul3A_402 = vector.broadcast %squeeze3A_63 : f32 to vector<16xf32>
      %mul3A_403 = arith.mulf %get3A_401, %mul3A_402 : vector<16xf32>
      %add3A_404 = arith.addf %add3A_397, %mul3A_403 : vector<16xf32>
      %get3A_405 = arith.constant 30 : i32
      %get3A_406 = arith.index_cast %get3A_405 : i32 to index
      %get3A_407 = arith.index_cast %mul3A_195 : i32 to index
      %get3A_408 = tpu.vector_load %arg6[%get3A_406, %get3A_407] {strides = array<i32>} : memref<32x1024xf32, #tpu.memory_space<vmem>>, vector<16xf32>,
      %mul3A_409 = vector.broadcast %squeeze3A_65 : f32 to vector<16xf32>
      %mul3A_410 = arith.mulf %get3A_408, %mul3A_409 : vector<16xf32>
      %add3A_411 = arith.addf %add3A_404, %mul3A_410 : vector<16xf32>
      %get3A_412 = arith.constant 31 : i32
      %get3A_413 = arith.index_cast %get3A_412 : i32 to index
      %get3A_414 = arith.index_cast %mul3A_195 : i32 to index
      %get3A_415 = tpu.vector_load %arg6[%get3A_413, %get3A_414] {strides = array<i32>} : memref<32x1024xf32, #tpu.memory_space<vmem>>, vector<16xf32>,
      %mul3A_416 = vector.broadcast %squeeze3A_67 : f32 to vector<16xf32>
      %mul3A_417 = arith.mulf %get3A_415, %mul3A_416 : vector<16xf32>
      %add3A_418 = arith.addf %add3A_411, %mul3A_417 : vector<16xf32>
      %add3A_419 = arith.constant 3072 : i32
      %add3A_420 = arith.addi %add3A_419, %mul3A_195 : i32
      %swap3A = arith.index_cast %add3A_420 : i32 to index
      %swap3A_421 = tpu.vector_load %arg7[%swap3A] {strides = array<i32>} : memref<8192xf32, #tpu.memory_space<vmem>>, vector<16xf32>,
      tpu.vector_store %arg7[%swap3A], %add3A_418 {strides = array<i32>} : memref<8192xf32, #tpu.memory_space<vmem>>, vector<16xf32>,
    }
    %scan3A_134 = arith.constant 64 : i32
    %dma_wait3A_135 = arith.constant 0 : i32
    %dma_wait3A_136 = tpu.memref_slice %arg2[%dma_wait3A_135, %add3A_124] : memref<32x1000000xf32, #tpu.memory_space<hbm>> -> memref<32x1024xf32, #tpu.memory_space<hbm>>
    %dma_wait3A_137 = arith.constant 0 : i32
    %dma_wait3A_138 = tpu.memref_slice %arg2[%dma_wait3A_137, %add3A_124] : memref<32x1000000xf32, #tpu.memory_space<hbm>> -> memref<32x1024xf32, #tpu.memory_space<hbm>>
    tpu.wait_dma2 semaphore(%arg9 : memref<!tpu.dma_semaphore, #tpu.memory_space<semaphore_mem>>) src(%dma_wait3A_138 : memref<32x1024xf32, #tpu.memory_space<hbm>>) dst(%arg5 : memref<32x1024xf32, #tpu.memory_space<vmem>>)
    %add3A_139 = arith.constant 5120 : i32
    %add3A_140 = arith.addi %mul3A_2, %add3A_139 : i32
    %dma_start3A_141 = arith.constant 0 : i32
    %dma_start3A_142 = tpu.memref_slice %arg2[%dma_start3A_141, %add3A_140] : memref<32x1000000xf32, #tpu.memory_space<hbm>> -> memref<32x1024xf32, #tpu.memory_space<hbm>>
    %dma_start3A_143 = arith.constant 0 : i32
    %dma_start3A_144 = tpu.memref_slice %arg2[%dma_start3A_143, %add3A_140] : memref<32x1000000xf32, #tpu.memory_space<hbm>> -> memref<32x1024xf32, #tpu.memory_space<hbm>>
    tpu.enqueue_dma source(%dma_start3A_144 : memref<32x1024xf32, #tpu.memory_space<hbm>>) target(%arg6 : memref<32x1024xf32, #tpu.memory_space<vmem>>) target_semaphore(%arg10 : memref<!tpu.dma_semaphore, #tpu.memory_space<semaphore_mem>>)
    %scan3A_145 = arith.constant 0 : i32
    %scan3A_146 = arith.constant 0 : i32
    %scan3A_147 = arith.constant 64 : i32
    %scan3A_148 = arith.addi %scan3A_146, %scan3A_147 : i32
    %scan3A_149 = arith.constant 1 : i32
    scf.for %scan3A_193 = %scan3A_146 to %scan3A_148 step %scan3A_149  : i32 {
      %mul3A_194 = arith.constant 16 : i32
      %mul3A_195 = arith.muli %scan3A_193, %mul3A_194 : i32
      %get3A_196 = arith.constant 0 : i32
      %get3A_197 = arith.index_cast %get3A_196 : i32 to index
      %get3A_198 = arith.index_cast %mul3A_195 : i32 to index
      %get3A_199 = tpu.vector_load %arg5[%get3A_197, %get3A_198] {strides = array<i32>} : memref<32x1024xf32, #tpu.memory_space<vmem>>, vector<16xf32>,
      %mul3A_200 = vector.broadcast %squeeze3A : f32 to vector<16xf32>
      %mul3A_201 = arith.mulf %get3A_199, %mul3A_200 : vector<16xf32>
      %get3A_202 = arith.constant 1 : i32
      %get3A_203 = arith.index_cast %get3A_202 : i32 to index
      %get3A_204 = arith.index_cast %mul3A_195 : i32 to index
      %get3A_205 = tpu.vector_load %arg5[%get3A_203, %get3A_204] {strides = array<i32>} : memref<32x1024xf32, #tpu.memory_space<vmem>>, vector<16xf32>,
      %mul3A_206 = vector.broadcast %squeeze3A_7 : f32 to vector<16xf32>
      %mul3A_207 = arith.mulf %get3A_205, %mul3A_206 : vector<16xf32>
      %add3A_208 = arith.addf %mul3A_201, %mul3A_207 : vector<16xf32>
      %get3A_209 = arith.constant 2 : i32
      %get3A_210 = arith.index_cast %get3A_209 : i32 to index
      %get3A_211 = arith.index_cast %mul3A_195 : i32 to index
      %get3A_212 = tpu.vector_load %arg5[%get3A_210, %get3A_211] {strides = array<i32>} : memref<32x1024xf32, #tpu.memory_space<vmem>>, vector<16xf32>,
      %mul3A_213 = vector.broadcast %squeeze3A_9 : f32 to vector<16xf32>
      %mul3A_214 = arith.mulf %get3A_212, %mul3A_213 : vector<16xf32>
      %add3A_215 = arith.addf %add3A_208, %mul3A_214 : vector<16xf32>
      %get3A_216 = arith.constant 3 : i32
      %get3A_217 = arith.index_cast %get3A_216 : i32 to index
      %get3A_218 = arith.index_cast %mul3A_195 : i32 to index
      %get3A_219 = tpu.vector_load %arg5[%get3A_217, %get3A_218] {strides = array<i32>} : memref<32x1024xf32, #tpu.memory_space<vmem>>, vector<16xf32>,
      %mul3A_220 = vector.broadcast %squeeze3A_11 : f32 to vector<16xf32>
      %mul3A_221 = arith.mulf %get3A_219, %mul3A_220 : vector<16xf32>
      %add3A_222 = arith.addf %add3A_215, %mul3A_221 : vector<16xf32>
      %get3A_223 = arith.constant 4 : i32
      %get3A_224 = arith.index_cast %get3A_223 : i32 to index
      %get3A_225 = arith.index_cast %mul3A_195 : i32 to index
      %get3A_226 = tpu.vector_load %arg5[%get3A_224, %get3A_225] {strides = array<i32>} : memref<32x1024xf32, #tpu.memory_space<vmem>>, vector<16xf32>,
      %mul3A_227 = vector.broadcast %squeeze3A_13 : f32 to vector<16xf32>
      %mul3A_228 = arith.mulf %get3A_226, %mul3A_227 : vector<16xf32>
      %add3A_229 = arith.addf %add3A_222, %mul3A_228 : vector<16xf32>
      %get3A_230 = arith.constant 5 : i32
      %get3A_231 = arith.index_cast %get3A_230 : i32 to index
      %get3A_232 = arith.index_cast %mul3A_195 : i32 to index
      %get3A_233 = tpu.vector_load %arg5[%get3A_231, %get3A_232] {strides = array<i32>} : memref<32x1024xf32, #tpu.memory_space<vmem>>, vector<16xf32>,
      %mul3A_234 = vector.broadcast %squeeze3A_15 : f32 to vector<16xf32>
      %mul3A_235 = arith.mulf %get3A_233, %mul3A_234 : vector<16xf32>
      %add3A_236 = arith.addf %add3A_229, %mul3A_235 : vector<16xf32>
      %get3A_237 = arith.constant 6 : i32
      %get3A_238 = arith.index_cast %get3A_237 : i32 to index
      %get3A_239 = arith.index_cast %mul3A_195 : i32 to index
      %get3A_240 = tpu.vector_load %arg5[%get3A_238, %get3A_239] {strides = array<i32>} : memref<32x1024xf32, #tpu.memory_space<vmem>>, vector<16xf32>,
      %mul3A_241 = vector.broadcast %squeeze3A_17 : f32 to vector<16xf32>
      %mul3A_242 = arith.mulf %get3A_240, %mul3A_241 : vector<16xf32>
      %add3A_243 = arith.addf %add3A_236, %mul3A_242 : vector<16xf32>
      %get3A_244 = arith.constant 7 : i32
      %get3A_245 = arith.index_cast %get3A_244 : i32 to index
      %get3A_246 = arith.index_cast %mul3A_195 : i32 to index
      %get3A_247 = tpu.vector_load %arg5[%get3A_245, %get3A_246] {strides = array<i32>} : memref<32x1024xf32, #tpu.memory_space<vmem>>, vector<16xf32>,
      %mul3A_248 = vector.broadcast %squeeze3A_19 : f32 to vector<16xf32>
      %mul3A_249 = arith.mulf %get3A_247, %mul3A_248 : vector<16xf32>
      %add3A_250 = arith.addf %add3A_243, %mul3A_249 : vector<16xf32>
      %get3A_251 = arith.constant 8 : i32
      %get3A_252 = arith.index_cast %get3A_251 : i32 to index
      %get3A_253 = arith.index_cast %mul3A_195 : i32 to index
      %get3A_254 = tpu.vector_load %arg5[%get3A_252, %get3A_253] {strides = array<i32>} : memref<32x1024xf32, #tpu.memory_space<vmem>>, vector<16xf32>,
      %mul3A_255 = vector.broadcast %squeeze3A_21 : f32 to vector<16xf32>
      %mul3A_256 = arith.mulf %get3A_254, %mul3A_255 : vector<16xf32>
      %add3A_257 = arith.addf %add3A_250, %mul3A_256 : vector<16xf32>
      %get3A_258 = arith.constant 9 : i32
      %get3A_259 = arith.index_cast %get3A_258 : i32 to index
      %get3A_260 = arith.index_cast %mul3A_195 : i32 to index
      %get3A_261 = tpu.vector_load %arg5[%get3A_259, %get3A_260] {strides = array<i32>} : memref<32x1024xf32, #tpu.memory_space<vmem>>, vector<16xf32>,
      %mul3A_262 = vector.broadcast %squeeze3A_23 : f32 to vector<16xf32>
      %mul3A_263 = arith.mulf %get3A_261, %mul3A_262 : vector<16xf32>
      %add3A_264 = arith.addf %add3A_257, %mul3A_263 : vector<16xf32>
      %get3A_265 = arith.constant 10 : i32
      %get3A_266 = arith.index_cast %get3A_265 : i32 to index
      %get3A_267 = arith.index_cast %mul3A_195 : i32 to index
      %get3A_268 = tpu.vector_load %arg5[%get3A_266, %get3A_267] {strides = array<i32>} : memref<32x1024xf32, #tpu.memory_space<vmem>>, vector<16xf32>,
      %mul3A_269 = vector.broadcast %squeeze3A_25 : f32 to vector<16xf32>
      %mul3A_270 = arith.mulf %get3A_268, %mul3A_269 : vector<16xf32>
      %add3A_271 = arith.addf %add3A_264, %mul3A_270 : vector<16xf32>
      %get3A_272 = arith.constant 11 : i32
      %get3A_273 = arith.index_cast %get3A_272 : i32 to index
      %get3A_274 = arith.index_cast %mul3A_195 : i32 to index
      %get3A_275 = tpu.vector_load %arg5[%get3A_273, %get3A_274] {strides = array<i32>} : memref<32x1024xf32, #tpu.memory_space<vmem>>, vector<16xf32>,
      %mul3A_276 = vector.broadcast %squeeze3A_27 : f32 to vector<16xf32>
      %mul3A_277 = arith.mulf %get3A_275, %mul3A_276 : vector<16xf32>
      %add3A_278 = arith.addf %add3A_271, %mul3A_277 : vector<16xf32>
      %get3A_279 = arith.constant 12 : i32
      %get3A_280 = arith.index_cast %get3A_279 : i32 to index
      %get3A_281 = arith.index_cast %mul3A_195 : i32 to index
      %get3A_282 = tpu.vector_load %arg5[%get3A_280, %get3A_281] {strides = array<i32>} : memref<32x1024xf32, #tpu.memory_space<vmem>>, vector<16xf32>,
      %mul3A_283 = vector.broadcast %squeeze3A_29 : f32 to vector<16xf32>
      %mul3A_284 = arith.mulf %get3A_282, %mul3A_283 : vector<16xf32>
      %add3A_285 = arith.addf %add3A_278, %mul3A_284 : vector<16xf32>
      %get3A_286 = arith.constant 13 : i32
      %get3A_287 = arith.index_cast %get3A_286 : i32 to index
      %get3A_288 = arith.index_cast %mul3A_195 : i32 to index
      %get3A_289 = tpu.vector_load %arg5[%get3A_287, %get3A_288] {strides = array<i32>} : memref<32x1024xf32, #tpu.memory_space<vmem>>, vector<16xf32>,
      %mul3A_290 = vector.broadcast %squeeze3A_31 : f32 to vector<16xf32>
      %mul3A_291 = arith.mulf %get3A_289, %mul3A_290 : vector<16xf32>
      %add3A_292 = arith.addf %add3A_285, %mul3A_291 : vector<16xf32>
      %get3A_293 = arith.constant 14 : i32
      %get3A_294 = arith.index_cast %get3A_293 : i32 to index
      %get3A_295 = arith.index_cast %mul3A_195 : i32 to index
      %get3A_296 = tpu.vector_load %arg5[%get3A_294, %get3A_295] {strides = array<i32>} : memref<32x1024xf32, #tpu.memory_space<vmem>>, vector<16xf32>,
      %mul3A_297 = vector.broadcast %squeeze3A_33 : f32 to vector<16xf32>
      %mul3A_298 = arith.mulf %get3A_296, %mul3A_297 : vector<16xf32>
      %add3A_299 = arith.addf %add3A_292, %mul3A_298 : vector<16xf32>
      %get3A_300 = arith.constant 15 : i32
      %get3A_301 = arith.index_cast %get3A_300 : i32 to index
      %get3A_302 = arith.index_cast %mul3A_195 : i32 to index
      %get3A_303 = tpu.vector_load %arg5[%get3A_301, %get3A_302] {strides = array<i32>} : memref<32x1024xf32, #tpu.memory_space<vmem>>, vector<16xf32>,
      %mul3A_304 = vector.broadcast %squeeze3A_35 : f32 to vector<16xf32>
      %mul3A_305 = arith.mulf %get3A_303, %mul3A_304 : vector<16xf32>
      %add3A_306 = arith.addf %add3A_299, %mul3A_305 : vector<16xf32>
      %get3A_307 = arith.constant 16 : i32
      %get3A_308 = arith.index_cast %get3A_307 : i32 to index
      %get3A_309 = arith.index_cast %mul3A_195 : i32 to index
      %get3A_310 = tpu.vector_load %arg5[%get3A_308, %get3A_309] {strides = array<i32>} : memref<32x1024xf32, #tpu.memory_space<vmem>>, vector<16xf32>,
      %mul3A_311 = vector.broadcast %squeeze3A_37 : f32 to vector<16xf32>
      %mul3A_312 = arith.mulf %get3A_310, %mul3A_311 : vector<16xf32>
      %add3A_313 = arith.addf %add3A_306, %mul3A_312 : vector<16xf32>
      %get3A_314 = arith.constant 17 : i32
      %get3A_315 = arith.index_cast %get3A_314 : i32 to index
      %get3A_316 = arith.index_cast %mul3A_195 : i32 to index
      %get3A_317 = tpu.vector_load %arg5[%get3A_315, %get3A_316] {strides = array<i32>} : memref<32x1024xf32, #tpu.memory_space<vmem>>, vector<16xf32>,
      %mul3A_318 = vector.broadcast %squeeze3A_39 : f32 to vector<16xf32>
      %mul3A_319 = arith.mulf %get3A_317, %mul3A_318 : vector<16xf32>
      %add3A_320 = arith.addf %add3A_313, %mul3A_319 : vector<16xf32>
      %get3A_321 = arith.constant 18 : i32
      %get3A_322 = arith.index_cast %get3A_321 : i32 to index
      %get3A_323 = arith.index_cast %mul3A_195 : i32 to index
      %get3A_324 = tpu.vector_load %arg5[%get3A_322, %get3A_323] {strides = array<i32>} : memref<32x1024xf32, #tpu.memory_space<vmem>>, vector<16xf32>,
      %mul3A_325 = vector.broadcast %squeeze3A_41 : f32 to vector<16xf32>
      %mul3A_326 = arith.mulf %get3A_324, %mul3A_325 : vector<16xf32>
      %add3A_327 = arith.addf %add3A_320, %mul3A_326 : vector<16xf32>
      %get3A_328 = arith.constant 19 : i32
      %get3A_329 = arith.index_cast %get3A_328 : i32 to index
      %get3A_330 = arith.index_cast %mul3A_195 : i32 to index
      %get3A_331 = tpu.vector_load %arg5[%get3A_329, %get3A_330] {strides = array<i32>} : memref<32x1024xf32, #tpu.memory_space<vmem>>, vector<16xf32>,
      %mul3A_332 = vector.broadcast %squeeze3A_43 : f32 to vector<16xf32>
      %mul3A_333 = arith.mulf %get3A_331, %mul3A_332 : vector<16xf32>
      %add3A_334 = arith.addf %add3A_327, %mul3A_333 : vector<16xf32>
      %get3A_335 = arith.constant 20 : i32
      %get3A_336 = arith.index_cast %get3A_335 : i32 to index
      %get3A_337 = arith.index_cast %mul3A_195 : i32 to index
      %get3A_338 = tpu.vector_load %arg5[%get3A_336, %get3A_337] {strides = array<i32>} : memref<32x1024xf32, #tpu.memory_space<vmem>>, vector<16xf32>,
      %mul3A_339 = vector.broadcast %squeeze3A_45 : f32 to vector<16xf32>
      %mul3A_340 = arith.mulf %get3A_338, %mul3A_339 : vector<16xf32>
      %add3A_341 = arith.addf %add3A_334, %mul3A_340 : vector<16xf32>
      %get3A_342 = arith.constant 21 : i32
      %get3A_343 = arith.index_cast %get3A_342 : i32 to index
      %get3A_344 = arith.index_cast %mul3A_195 : i32 to index
      %get3A_345 = tpu.vector_load %arg5[%get3A_343, %get3A_344] {strides = array<i32>} : memref<32x1024xf32, #tpu.memory_space<vmem>>, vector<16xf32>,
      %mul3A_346 = vector.broadcast %squeeze3A_47 : f32 to vector<16xf32>
      %mul3A_347 = arith.mulf %get3A_345, %mul3A_346 : vector<16xf32>
      %add3A_348 = arith.addf %add3A_341, %mul3A_347 : vector<16xf32>
      %get3A_349 = arith.constant 22 : i32
      %get3A_350 = arith.index_cast %get3A_349 : i32 to index
      %get3A_351 = arith.index_cast %mul3A_195 : i32 to index
      %get3A_352 = tpu.vector_load %arg5[%get3A_350, %get3A_351] {strides = array<i32>} : memref<32x1024xf32, #tpu.memory_space<vmem>>, vector<16xf32>,
      %mul3A_353 = vector.broadcast %squeeze3A_49 : f32 to vector<16xf32>
      %mul3A_354 = arith.mulf %get3A_352, %mul3A_353 : vector<16xf32>
      %add3A_355 = arith.addf %add3A_348, %mul3A_354 : vector<16xf32>
      %get3A_356 = arith.constant 23 : i32
      %get3A_357 = arith.index_cast %get3A_356 : i32 to index
      %get3A_358 = arith.index_cast %mul3A_195 : i32 to index
      %get3A_359 = tpu.vector_load %arg5[%get3A_357, %get3A_358] {strides = array<i32>} : memref<32x1024xf32, #tpu.memory_space<vmem>>, vector<16xf32>,
      %mul3A_360 = vector.broadcast %squeeze3A_51 : f32 to vector<16xf32>
      %mul3A_361 = arith.mulf %get3A_359, %mul3A_360 : vector<16xf32>
      %add3A_362 = arith.addf %add3A_355, %mul3A_361 : vector<16xf32>
      %get3A_363 = arith.constant 24 : i32
      %get3A_364 = arith.index_cast %get3A_363 : i32 to index
      %get3A_365 = arith.index_cast %mul3A_195 : i32 to index
      %get3A_366 = tpu.vector_load %arg5[%get3A_364, %get3A_365] {strides = array<i32>} : memref<32x1024xf32, #tpu.memory_space<vmem>>, vector<16xf32>,
      %mul3A_367 = vector.broadcast %squeeze3A_53 : f32 to vector<16xf32>
      %mul3A_368 = arith.mulf %get3A_366, %mul3A_367 : vector<16xf32>
      %add3A_369 = arith.addf %add3A_362, %mul3A_368 : vector<16xf32>
      %get3A_370 = arith.constant 25 : i32
      %get3A_371 = arith.index_cast %get3A_370 : i32 to index
      %get3A_372 = arith.index_cast %mul3A_195 : i32 to index
      %get3A_373 = tpu.vector_load %arg5[%get3A_371, %get3A_372] {strides = array<i32>} : memref<32x1024xf32, #tpu.memory_space<vmem>>, vector<16xf32>,
      %mul3A_374 = vector.broadcast %squeeze3A_55 : f32 to vector<16xf32>
      %mul3A_375 = arith.mulf %get3A_373, %mul3A_374 : vector<16xf32>
      %add3A_376 = arith.addf %add3A_369, %mul3A_375 : vector<16xf32>
      %get3A_377 = arith.constant 26 : i32
      %get3A_378 = arith.index_cast %get3A_377 : i32 to index
      %get3A_379 = arith.index_cast %mul3A_195 : i32 to index
      %get3A_380 = tpu.vector_load %arg5[%get3A_378, %get3A_379] {strides = array<i32>} : memref<32x1024xf32, #tpu.memory_space<vmem>>, vector<16xf32>,
      %mul3A_381 = vector.broadcast %squeeze3A_57 : f32 to vector<16xf32>
      %mul3A_382 = arith.mulf %get3A_380, %mul3A_381 : vector<16xf32>
      %add3A_383 = arith.addf %add3A_376, %mul3A_382 : vector<16xf32>
      %get3A_384 = arith.constant 27 : i32
      %get3A_385 = arith.index_cast %get3A_384 : i32 to index
      %get3A_386 = arith.index_cast %mul3A_195 : i32 to index
      %get3A_387 = tpu.vector_load %arg5[%get3A_385, %get3A_386] {strides = array<i32>} : memref<32x1024xf32, #tpu.memory_space<vmem>>, vector<16xf32>,
      %mul3A_388 = vector.broadcast %squeeze3A_59 : f32 to vector<16xf32>
      %mul3A_389 = arith.mulf %get3A_387, %mul3A_388 : vector<16xf32>
      %add3A_390 = arith.addf %add3A_383, %mul3A_389 : vector<16xf32>
      %get3A_391 = arith.constant 28 : i32
      %get3A_392 = arith.index_cast %get3A_391 : i32 to index
      %get3A_393 = arith.index_cast %mul3A_195 : i32 to index
      %get3A_394 = tpu.vector_load %arg5[%get3A_392, %get3A_393] {strides = array<i32>} : memref<32x1024xf32, #tpu.memory_space<vmem>>, vector<16xf32>,
      %mul3A_395 = vector.broadcast %squeeze3A_61 : f32 to vector<16xf32>
      %mul3A_396 = arith.mulf %get3A_394, %mul3A_395 : vector<16xf32>
      %add3A_397 = arith.addf %add3A_390, %mul3A_396 : vector<16xf32>
      %get3A_398 = arith.constant 29 : i32
      %get3A_399 = arith.index_cast %get3A_398 : i32 to index
      %get3A_400 = arith.index_cast %mul3A_195 : i32 to index
      %get3A_401 = tpu.vector_load %arg5[%get3A_399, %get3A_400] {strides = array<i32>} : memref<32x1024xf32, #tpu.memory_space<vmem>>, vector<16xf32>,
      %mul3A_402 = vector.broadcast %squeeze3A_63 : f32 to vector<16xf32>
      %mul3A_403 = arith.mulf %get3A_401, %mul3A_402 : vector<16xf32>
      %add3A_404 = arith.addf %add3A_397, %mul3A_403 : vector<16xf32>
      %get3A_405 = arith.constant 30 : i32
      %get3A_406 = arith.index_cast %get3A_405 : i32 to index
      %get3A_407 = arith.index_cast %mul3A_195 : i32 to index
      %get3A_408 = tpu.vector_load %arg5[%get3A_406, %get3A_407] {strides = array<i32>} : memref<32x1024xf32, #tpu.memory_space<vmem>>, vector<16xf32>,
      %mul3A_409 = vector.broadcast %squeeze3A_65 : f32 to vector<16xf32>
      %mul3A_410 = arith.mulf %get3A_408, %mul3A_409 : vector<16xf32>
      %add3A_411 = arith.addf %add3A_404, %mul3A_410 : vector<16xf32>
      %get3A_412 = arith.constant 31 : i32
      %get3A_413 = arith.index_cast %get3A_412 : i32 to index
      %get3A_414 = arith.index_cast %mul3A_195 : i32 to index
      %get3A_415 = tpu.vector_load %arg5[%get3A_413, %get3A_414] {strides = array<i32>} : memref<32x1024xf32, #tpu.memory_space<vmem>>, vector<16xf32>,
      %mul3A_416 = vector.broadcast %squeeze3A_67 : f32 to vector<16xf32>
      %mul3A_417 = arith.mulf %get3A_415, %mul3A_416 : vector<16xf32>
      %add3A_418 = arith.addf %add3A_411, %mul3A_417 : vector<16xf32>
      %add3A_419 = arith.constant 4096 : i32
      %add3A_420 = arith.addi %add3A_419, %mul3A_195 : i32
      %swap3A = arith.index_cast %add3A_420 : i32 to index
      %swap3A_421 = tpu.vector_load %arg7[%swap3A] {strides = array<i32>} : memref<8192xf32, #tpu.memory_space<vmem>>, vector<16xf32>,
      tpu.vector_store %arg7[%swap3A], %add3A_418 {strides = array<i32>} : memref<8192xf32, #tpu.memory_space<vmem>>, vector<16xf32>,
    }
    %scan3A_150 = arith.constant 64 : i32
    %dma_wait3A_151 = arith.constant 0 : i32
    %dma_wait3A_152 = tpu.memref_slice %arg2[%dma_wait3A_151, %add3A_140] : memref<32x1000000xf32, #tpu.memory_space<hbm>> -> memref<32x1024xf32, #tpu.memory_space<hbm>>
    %dma_wait3A_153 = arith.constant 0 : i32
    %dma_wait3A_154 = tpu.memref_slice %arg2[%dma_wait3A_153, %add3A_140] : memref<32x1000000xf32, #tpu.memory_space<hbm>> -> memref<32x1024xf32, #tpu.memory_space<hbm>>
    tpu.wait_dma2 semaphore(%arg10 : memref<!tpu.dma_semaphore, #tpu.memory_space<semaphore_mem>>) src(%dma_wait3A_154 : memref<32x1024xf32, #tpu.memory_space<hbm>>) dst(%arg6 : memref<32x1024xf32, #tpu.memory_space<vmem>>)
    %add3A_155 = arith.constant 6144 : i32
    %add3A_156 = arith.addi %mul3A_2, %add3A_155 : i32
    %dma_start3A_157 = arith.constant 0 : i32
    %dma_start3A_158 = tpu.memref_slice %arg2[%dma_start3A_157, %add3A_156] : memref<32x1000000xf32, #tpu.memory_space<hbm>> -> memref<32x1024xf32, #tpu.memory_space<hbm>>
    %dma_start3A_159 = arith.constant 0 : i32
    %dma_start3A_160 = tpu.memref_slice %arg2[%dma_start3A_159, %add3A_156] : memref<32x1000000xf32, #tpu.memory_space<hbm>> -> memref<32x1024xf32, #tpu.memory_space<hbm>>
    tpu.enqueue_dma source(%dma_start3A_160 : memref<32x1024xf32, #tpu.memory_space<hbm>>) target(%arg5 : memref<32x1024xf32, #tpu.memory_space<vmem>>) target_semaphore(%arg9 : memref<!tpu.dma_semaphore, #tpu.memory_space<semaphore_mem>>)
    %scan3A_161 = arith.constant 0 : i32
    %scan3A_162 = arith.constant 0 : i32
    %scan3A_163 = arith.constant 64 : i32
    %scan3A_164 = arith.addi %scan3A_162, %scan3A_163 : i32
    %scan3A_165 = arith.constant 1 : i32
    scf.for %scan3A_193 = %scan3A_162 to %scan3A_164 step %scan3A_165  : i32 {
      %mul3A_194 = arith.constant 16 : i32
      %mul3A_195 = arith.muli %scan3A_193, %mul3A_194 : i32
      %get3A_196 = arith.constant 0 : i32
      %get3A_197 = arith.index_cast %get3A_196 : i32 to index
      %get3A_198 = arith.index_cast %mul3A_195 : i32 to index
      %get3A_199 = tpu.vector_load %arg6[%get3A_197, %get3A_198] {strides = array<i32>} : memref<32x1024xf32, #tpu.memory_space<vmem>>, vector<16xf32>,
      %mul3A_200 = vector.broadcast %squeeze3A : f32 to vector<16xf32>
      %mul3A_201 = arith.mulf %get3A_199, %mul3A_200 : vector<16xf32>
      %get3A_202 = arith.constant 1 : i32
      %get3A_203 = arith.index_cast %get3A_202 : i32 to index
      %get3A_204 = arith.index_cast %mul3A_195 : i32 to index
      %get3A_205 = tpu.vector_load %arg6[%get3A_203, %get3A_204] {strides = array<i32>} : memref<32x1024xf32, #tpu.memory_space<vmem>>, vector<16xf32>,
      %mul3A_206 = vector.broadcast %squeeze3A_7 : f32 to vector<16xf32>
      %mul3A_207 = arith.mulf %get3A_205, %mul3A_206 : vector<16xf32>
      %add3A_208 = arith.addf %mul3A_201, %mul3A_207 : vector<16xf32>
      %get3A_209 = arith.constant 2 : i32
      %get3A_210 = arith.index_cast %get3A_209 : i32 to index
      %get3A_211 = arith.index_cast %mul3A_195 : i32 to index
      %get3A_212 = tpu.vector_load %arg6[%get3A_210, %get3A_211] {strides = array<i32>} : memref<32x1024xf32, #tpu.memory_space<vmem>>, vector<16xf32>,
      %mul3A_213 = vector.broadcast %squeeze3A_9 : f32 to vector<16xf32>
      %mul3A_214 = arith.mulf %get3A_212, %mul3A_213 : vector<16xf32>
      %add3A_215 = arith.addf %add3A_208, %mul3A_214 : vector<16xf32>
      %get3A_216 = arith.constant 3 : i32
      %get3A_217 = arith.index_cast %get3A_216 : i32 to index
      %get3A_218 = arith.index_cast %mul3A_195 : i32 to index
      %get3A_219 = tpu.vector_load %arg6[%get3A_217, %get3A_218] {strides = array<i32>} : memref<32x1024xf32, #tpu.memory_space<vmem>>, vector<16xf32>,
      %mul3A_220 = vector.broadcast %squeeze3A_11 : f32 to vector<16xf32>
      %mul3A_221 = arith.mulf %get3A_219, %mul3A_220 : vector<16xf32>
      %add3A_222 = arith.addf %add3A_215, %mul3A_221 : vector<16xf32>
      %get3A_223 = arith.constant 4 : i32
      %get3A_224 = arith.index_cast %get3A_223 : i32 to index
      %get3A_225 = arith.index_cast %mul3A_195 : i32 to index
      %get3A_226 = tpu.vector_load %arg6[%get3A_224, %get3A_225] {strides = array<i32>} : memref<32x1024xf32, #tpu.memory_space<vmem>>, vector<16xf32>,
      %mul3A_227 = vector.broadcast %squeeze3A_13 : f32 to vector<16xf32>
      %mul3A_228 = arith.mulf %get3A_226, %mul3A_227 : vector<16xf32>
      %add3A_229 = arith.addf %add3A_222, %mul3A_228 : vector<16xf32>
      %get3A_230 = arith.constant 5 : i32
      %get3A_231 = arith.index_cast %get3A_230 : i32 to index
      %get3A_232 = arith.index_cast %mul3A_195 : i32 to index
      %get3A_233 = tpu.vector_load %arg6[%get3A_231, %get3A_232] {strides = array<i32>} : memref<32x1024xf32, #tpu.memory_space<vmem>>, vector<16xf32>,
      %mul3A_234 = vector.broadcast %squeeze3A_15 : f32 to vector<16xf32>
      %mul3A_235 = arith.mulf %get3A_233, %mul3A_234 : vector<16xf32>
      %add3A_236 = arith.addf %add3A_229, %mul3A_235 : vector<16xf32>
      %get3A_237 = arith.constant 6 : i32
      %get3A_238 = arith.index_cast %get3A_237 : i32 to index
      %get3A_239 = arith.index_cast %mul3A_195 : i32 to index
      %get3A_240 = tpu.vector_load %arg6[%get3A_238, %get3A_239] {strides = array<i32>} : memref<32x1024xf32, #tpu.memory_space<vmem>>, vector<16xf32>,
      %mul3A_241 = vector.broadcast %squeeze3A_17 : f32 to vector<16xf32>
      %mul3A_242 = arith.mulf %get3A_240, %mul3A_241 : vector<16xf32>
      %add3A_243 = arith.addf %add3A_236, %mul3A_242 : vector<16xf32>
      %get3A_244 = arith.constant 7 : i32
      %get3A_245 = arith.index_cast %get3A_244 : i32 to index
      %get3A_246 = arith.index_cast %mul3A_195 : i32 to index
      %get3A_247 = tpu.vector_load %arg6[%get3A_245, %get3A_246] {strides = array<i32>} : memref<32x1024xf32, #tpu.memory_space<vmem>>, vector<16xf32>,
      %mul3A_248 = vector.broadcast %squeeze3A_19 : f32 to vector<16xf32>
      %mul3A_249 = arith.mulf %get3A_247, %mul3A_248 : vector<16xf32>
      %add3A_250 = arith.addf %add3A_243, %mul3A_249 : vector<16xf32>
      %get3A_251 = arith.constant 8 : i32
      %get3A_252 = arith.index_cast %get3A_251 : i32 to index
      %get3A_253 = arith.index_cast %mul3A_195 : i32 to index
      %get3A_254 = tpu.vector_load %arg6[%get3A_252, %get3A_253] {strides = array<i32>} : memref<32x1024xf32, #tpu.memory_space<vmem>>, vector<16xf32>,
      %mul3A_255 = vector.broadcast %squeeze3A_21 : f32 to vector<16xf32>
      %mul3A_256 = arith.mulf %get3A_254, %mul3A_255 : vector<16xf32>
      %add3A_257 = arith.addf %add3A_250, %mul3A_256 : vector<16xf32>
      %get3A_258 = arith.constant 9 : i32
      %get3A_259 = arith.index_cast %get3A_258 : i32 to index
      %get3A_260 = arith.index_cast %mul3A_195 : i32 to index
      %get3A_261 = tpu.vector_load %arg6[%get3A_259, %get3A_260] {strides = array<i32>} : memref<32x1024xf32, #tpu.memory_space<vmem>>, vector<16xf32>,
      %mul3A_262 = vector.broadcast %squeeze3A_23 : f32 to vector<16xf32>
      %mul3A_263 = arith.mulf %get3A_261, %mul3A_262 : vector<16xf32>
      %add3A_264 = arith.addf %add3A_257, %mul3A_263 : vector<16xf32>
      %get3A_265 = arith.constant 10 : i32
      %get3A_266 = arith.index_cast %get3A_265 : i32 to index
      %get3A_267 = arith.index_cast %mul3A_195 : i32 to index
      %get3A_268 = tpu.vector_load %arg6[%get3A_266, %get3A_267] {strides = array<i32>} : memref<32x1024xf32, #tpu.memory_space<vmem>>, vector<16xf32>,
      %mul3A_269 = vector.broadcast %squeeze3A_25 : f32 to vector<16xf32>
      %mul3A_270 = arith.mulf %get3A_268, %mul3A_269 : vector<16xf32>
      %add3A_271 = arith.addf %add3A_264, %mul3A_270 : vector<16xf32>
      %get3A_272 = arith.constant 11 : i32
      %get3A_273 = arith.index_cast %get3A_272 : i32 to index
      %get3A_274 = arith.index_cast %mul3A_195 : i32 to index
      %get3A_275 = tpu.vector_load %arg6[%get3A_273, %get3A_274] {strides = array<i32>} : memref<32x1024xf32, #tpu.memory_space<vmem>>, vector<16xf32>,
      %mul3A_276 = vector.broadcast %squeeze3A_27 : f32 to vector<16xf32>
      %mul3A_277 = arith.mulf %get3A_275, %mul3A_276 : vector<16xf32>
      %add3A_278 = arith.addf %add3A_271, %mul3A_277 : vector<16xf32>
      %get3A_279 = arith.constant 12 : i32
      %get3A_280 = arith.index_cast %get3A_279 : i32 to index
      %get3A_281 = arith.index_cast %mul3A_195 : i32 to index
      %get3A_282 = tpu.vector_load %arg6[%get3A_280, %get3A_281] {strides = array<i32>} : memref<32x1024xf32, #tpu.memory_space<vmem>>, vector<16xf32>,
      %mul3A_283 = vector.broadcast %squeeze3A_29 : f32 to vector<16xf32>
      %mul3A_284 = arith.mulf %get3A_282, %mul3A_283 : vector<16xf32>
      %add3A_285 = arith.addf %add3A_278, %mul3A_284 : vector<16xf32>
      %get3A_286 = arith.constant 13 : i32
      %get3A_287 = arith.index_cast %get3A_286 : i32 to index
      %get3A_288 = arith.index_cast %mul3A_195 : i32 to index
      %get3A_289 = tpu.vector_load %arg6[%get3A_287, %get3A_288] {strides = array<i32>} : memref<32x1024xf32, #tpu.memory_space<vmem>>, vector<16xf32>,
      %mul3A_290 = vector.broadcast %squeeze3A_31 : f32 to vector<16xf32>
      %mul3A_291 = arith.mulf %get3A_289, %mul3A_290 : vector<16xf32>
      %add3A_292 = arith.addf %add3A_285, %mul3A_291 : vector<16xf32>
      %get3A_293 = arith.constant 14 : i32
      %get3A_294 = arith.index_cast %get3A_293 : i32 to index
      %get3A_295 = arith.index_cast %mul3A_195 : i32 to index
      %get3A_296 = tpu.vector_load %arg6[%get3A_294, %get3A_295] {strides = array<i32>} : memref<32x1024xf32, #tpu.memory_space<vmem>>, vector<16xf32>,
      %mul3A_297 = vector.broadcast %squeeze3A_33 : f32 to vector<16xf32>
      %mul3A_298 = arith.mulf %get3A_296, %mul3A_297 : vector<16xf32>
      %add3A_299 = arith.addf %add3A_292, %mul3A_298 : vector<16xf32>
      %get3A_300 = arith.constant 15 : i32
      %get3A_301 = arith.index_cast %get3A_300 : i32 to index
      %get3A_302 = arith.index_cast %mul3A_195 : i32 to index
      %get3A_303 = tpu.vector_load %arg6[%get3A_301, %get3A_302] {strides = array<i32>} : memref<32x1024xf32, #tpu.memory_space<vmem>>, vector<16xf32>,
      %mul3A_304 = vector.broadcast %squeeze3A_35 : f32 to vector<16xf32>
      %mul3A_305 = arith.mulf %get3A_303, %mul3A_304 : vector<16xf32>
      %add3A_306 = arith.addf %add3A_299, %mul3A_305 : vector<16xf32>
      %get3A_307 = arith.constant 16 : i32
      %get3A_308 = arith.index_cast %get3A_307 : i32 to index
      %get3A_309 = arith.index_cast %mul3A_195 : i32 to index
      %get3A_310 = tpu.vector_load %arg6[%get3A_308, %get3A_309] {strides = array<i32>} : memref<32x1024xf32, #tpu.memory_space<vmem>>, vector<16xf32>,
      %mul3A_311 = vector.broadcast %squeeze3A_37 : f32 to vector<16xf32>
      %mul3A_312 = arith.mulf %get3A_310, %mul3A_311 : vector<16xf32>
      %add3A_313 = arith.addf %add3A_306, %mul3A_312 : vector<16xf32>
      %get3A_314 = arith.constant 17 : i32
      %get3A_315 = arith.index_cast %get3A_314 : i32 to index
      %get3A_316 = arith.index_cast %mul3A_195 : i32 to index
      %get3A_317 = tpu.vector_load %arg6[%get3A_315, %get3A_316] {strides = array<i32>} : memref<32x1024xf32, #tpu.memory_space<vmem>>, vector<16xf32>,
      %mul3A_318 = vector.broadcast %squeeze3A_39 : f32 to vector<16xf32>
      %mul3A_319 = arith.mulf %get3A_317, %mul3A_318 : vector<16xf32>
      %add3A_320 = arith.addf %add3A_313, %mul3A_319 : vector<16xf32>
      %get3A_321 = arith.constant 18 : i32
      %get3A_322 = arith.index_cast %get3A_321 : i32 to index
      %get3A_323 = arith.index_cast %mul3A_195 : i32 to index
      %get3A_324 = tpu.vector_load %arg6[%get3A_322, %get3A_323] {strides = array<i32>} : memref<32x1024xf32, #tpu.memory_space<vmem>>, vector<16xf32>,
      %mul3A_325 = vector.broadcast %squeeze3A_41 : f32 to vector<16xf32>
      %mul3A_326 = arith.mulf %get3A_324, %mul3A_325 : vector<16xf32>
      %add3A_327 = arith.addf %add3A_320, %mul3A_326 : vector<16xf32>
      %get3A_328 = arith.constant 19 : i32
      %get3A_329 = arith.index_cast %get3A_328 : i32 to index
      %get3A_330 = arith.index_cast %mul3A_195 : i32 to index
      %get3A_331 = tpu.vector_load %arg6[%get3A_329, %get3A_330] {strides = array<i32>} : memref<32x1024xf32, #tpu.memory_space<vmem>>, vector<16xf32>,
      %mul3A_332 = vector.broadcast %squeeze3A_43 : f32 to vector<16xf32>
      %mul3A_333 = arith.mulf %get3A_331, %mul3A_332 : vector<16xf32>
      %add3A_334 = arith.addf %add3A_327, %mul3A_333 : vector<16xf32>
      %get3A_335 = arith.constant 20 : i32
      %get3A_336 = arith.index_cast %get3A_335 : i32 to index
      %get3A_337 = arith.index_cast %mul3A_195 : i32 to index
      %get3A_338 = tpu.vector_load %arg6[%get3A_336, %get3A_337] {strides = array<i32>} : memref<32x1024xf32, #tpu.memory_space<vmem>>, vector<16xf32>,
      %mul3A_339 = vector.broadcast %squeeze3A_45 : f32 to vector<16xf32>
      %mul3A_340 = arith.mulf %get3A_338, %mul3A_339 : vector<16xf32>
      %add3A_341 = arith.addf %add3A_334, %mul3A_340 : vector<16xf32>
      %get3A_342 = arith.constant 21 : i32
      %get3A_343 = arith.index_cast %get3A_342 : i32 to index
      %get3A_344 = arith.index_cast %mul3A_195 : i32 to index
      %get3A_345 = tpu.vector_load %arg6[%get3A_343, %get3A_344] {strides = array<i32>} : memref<32x1024xf32, #tpu.memory_space<vmem>>, vector<16xf32>,
      %mul3A_346 = vector.broadcast %squeeze3A_47 : f32 to vector<16xf32>
      %mul3A_347 = arith.mulf %get3A_345, %mul3A_346 : vector<16xf32>
      %add3A_348 = arith.addf %add3A_341, %mul3A_347 : vector<16xf32>
      %get3A_349 = arith.constant 22 : i32
      %get3A_350 = arith.index_cast %get3A_349 : i32 to index
      %get3A_351 = arith.index_cast %mul3A_195 : i32 to index
      %get3A_352 = tpu.vector_load %arg6[%get3A_350, %get3A_351] {strides = array<i32>} : memref<32x1024xf32, #tpu.memory_space<vmem>>, vector<16xf32>,
      %mul3A_353 = vector.broadcast %squeeze3A_49 : f32 to vector<16xf32>
      %mul3A_354 = arith.mulf %get3A_352, %mul3A_353 : vector<16xf32>
      %add3A_355 = arith.addf %add3A_348, %mul3A_354 : vector<16xf32>
      %get3A_356 = arith.constant 23 : i32
      %get3A_357 = arith.index_cast %get3A_356 : i32 to index
      %get3A_358 = arith.index_cast %mul3A_195 : i32 to index
      %get3A_359 = tpu.vector_load %arg6[%get3A_357, %get3A_358] {strides = array<i32>} : memref<32x1024xf32, #tpu.memory_space<vmem>>, vector<16xf32>,
      %mul3A_360 = vector.broadcast %squeeze3A_51 : f32 to vector<16xf32>
      %mul3A_361 = arith.mulf %get3A_359, %mul3A_360 : vector<16xf32>
      %add3A_362 = arith.addf %add3A_355, %mul3A_361 : vector<16xf32>
      %get3A_363 = arith.constant 24 : i32
      %get3A_364 = arith.index_cast %get3A_363 : i32 to index
      %get3A_365 = arith.index_cast %mul3A_195 : i32 to index
      %get3A_366 = tpu.vector_load %arg6[%get3A_364, %get3A_365] {strides = array<i32>} : memref<32x1024xf32, #tpu.memory_space<vmem>>, vector<16xf32>,
      %mul3A_367 = vector.broadcast %squeeze3A_53 : f32 to vector<16xf32>
      %mul3A_368 = arith.mulf %get3A_366, %mul3A_367 : vector<16xf32>
      %add3A_369 = arith.addf %add3A_362, %mul3A_368 : vector<16xf32>
      %get3A_370 = arith.constant 25 : i32
      %get3A_371 = arith.index_cast %get3A_370 : i32 to index
      %get3A_372 = arith.index_cast %mul3A_195 : i32 to index
      %get3A_373 = tpu.vector_load %arg6[%get3A_371, %get3A_372] {strides = array<i32>} : memref<32x1024xf32, #tpu.memory_space<vmem>>, vector<16xf32>,
      %mul3A_374 = vector.broadcast %squeeze3A_55 : f32 to vector<16xf32>
      %mul3A_375 = arith.mulf %get3A_373, %mul3A_374 : vector<16xf32>
      %add3A_376 = arith.addf %add3A_369, %mul3A_375 : vector<16xf32>
      %get3A_377 = arith.constant 26 : i32
      %get3A_378 = arith.index_cast %get3A_377 : i32 to index
      %get3A_379 = arith.index_cast %mul3A_195 : i32 to index
      %get3A_380 = tpu.vector_load %arg6[%get3A_378, %get3A_379] {strides = array<i32>} : memref<32x1024xf32, #tpu.memory_space<vmem>>, vector<16xf32>,
      %mul3A_381 = vector.broadcast %squeeze3A_57 : f32 to vector<16xf32>
      %mul3A_382 = arith.mulf %get3A_380, %mul3A_381 : vector<16xf32>
      %add3A_383 = arith.addf %add3A_376, %mul3A_382 : vector<16xf32>
      %get3A_384 = arith.constant 27 : i32
      %get3A_385 = arith.index_cast %get3A_384 : i32 to index
      %get3A_386 = arith.index_cast %mul3A_195 : i32 to index
      %get3A_387 = tpu.vector_load %arg6[%get3A_385, %get3A_386] {strides = array<i32>} : memref<32x1024xf32, #tpu.memory_space<vmem>>, vector<16xf32>,
      %mul3A_388 = vector.broadcast %squeeze3A_59 : f32 to vector<16xf32>
      %mul3A_389 = arith.mulf %get3A_387, %mul3A_388 : vector<16xf32>
      %add3A_390 = arith.addf %add3A_383, %mul3A_389 : vector<16xf32>
      %get3A_391 = arith.constant 28 : i32
      %get3A_392 = arith.index_cast %get3A_391 : i32 to index
      %get3A_393 = arith.index_cast %mul3A_195 : i32 to index
      %get3A_394 = tpu.vector_load %arg6[%get3A_392, %get3A_393] {strides = array<i32>} : memref<32x1024xf32, #tpu.memory_space<vmem>>, vector<16xf32>,
      %mul3A_395 = vector.broadcast %squeeze3A_61 : f32 to vector<16xf32>
      %mul3A_396 = arith.mulf %get3A_394, %mul3A_395 : vector<16xf32>
      %add3A_397 = arith.addf %add3A_390, %mul3A_396 : vector<16xf32>
      %get3A_398 = arith.constant 29 : i32
      %get3A_399 = arith.index_cast %get3A_398 : i32 to index
      %get3A_400 = arith.index_cast %mul3A_195 : i32 to index
      %get3A_401 = tpu.vector_load %arg6[%get3A_399, %get3A_400] {strides = array<i32>} : memref<32x1024xf32, #tpu.memory_space<vmem>>, vector<16xf32>,
      %mul3A_402 = vector.broadcast %squeeze3A_63 : f32 to vector<16xf32>
      %mul3A_403 = arith.mulf %get3A_401, %mul3A_402 : vector<16xf32>
      %add3A_404 = arith.addf %add3A_397, %mul3A_403 : vector<16xf32>
      %get3A_405 = arith.constant 30 : i32
      %get3A_406 = arith.index_cast %get3A_405 : i32 to index
      %get3A_407 = arith.index_cast %mul3A_195 : i32 to index
      %get3A_408 = tpu.vector_load %arg6[%get3A_406, %get3A_407] {strides = array<i32>} : memref<32x1024xf32, #tpu.memory_space<vmem>>, vector<16xf32>,
      %mul3A_409 = vector.broadcast %squeeze3A_65 : f32 to vector<16xf32>
      %mul3A_410 = arith.mulf %get3A_408, %mul3A_409 : vector<16xf32>
      %add3A_411 = arith.addf %add3A_404, %mul3A_410 : vector<16xf32>
      %get3A_412 = arith.constant 31 : i32
      %get3A_413 = arith.index_cast %get3A_412 : i32 to index
      %get3A_414 = arith.index_cast %mul3A_195 : i32 to index
      %get3A_415 = tpu.vector_load %arg6[%get3A_413, %get3A_414] {strides = array<i32>} : memref<32x1024xf32, #tpu.memory_space<vmem>>, vector<16xf32>,
      %mul3A_416 = vector.broadcast %squeeze3A_67 : f32 to vector<16xf32>
      %mul3A_417 = arith.mulf %get3A_415, %mul3A_416 : vector<16xf32>
      %add3A_418 = arith.addf %add3A_411, %mul3A_417 : vector<16xf32>
      %add3A_419 = arith.constant 5120 : i32
      %add3A_420 = arith.addi %add3A_419, %mul3A_195 : i32
      %swap3A = arith.index_cast %add3A_420 : i32 to index
      %swap3A_421 = tpu.vector_load %arg7[%swap3A] {strides = array<i32>} : memref<8192xf32, #tpu.memory_space<vmem>>, vector<16xf32>,
      tpu.vector_store %arg7[%swap3A], %add3A_418 {strides = array<i32>} : memref<8192xf32, #tpu.memory_space<vmem>>, vector<16xf32>,
    }
    %scan3A_166 = arith.constant 64 : i32
    %dma_wait3A_167 = arith.constant 0 : i32
    %dma_wait3A_168 = tpu.memref_slice %arg2[%dma_wait3A_167, %add3A_156] : memref<32x1000000xf32, #tpu.memory_space<hbm>> -> memref<32x1024xf32, #tpu.memory_space<hbm>>
    %dma_wait3A_169 = arith.constant 0 : i32
    %dma_wait3A_170 = tpu.memref_slice %arg2[%dma_wait3A_169, %add3A_156] : memref<32x1000000xf32, #tpu.memory_space<hbm>> -> memref<32x1024xf32, #tpu.memory_space<hbm>>
    tpu.wait_dma2 semaphore(%arg9 : memref<!tpu.dma_semaphore, #tpu.memory_space<semaphore_mem>>) src(%dma_wait3A_170 : memref<32x1024xf32, #tpu.memory_space<hbm>>) dst(%arg5 : memref<32x1024xf32, #tpu.memory_space<vmem>>)
    %add3A_171 = arith.constant 7168 : i32
    %add3A_172 = arith.addi %mul3A_2, %add3A_171 : i32
    %dma_start3A_173 = arith.constant 0 : i32
    %dma_start3A_174 = tpu.memref_slice %arg2[%dma_start3A_173, %add3A_172] : memref<32x1000000xf32, #tpu.memory_space<hbm>> -> memref<32x1024xf32, #tpu.memory_space<hbm>>
    %dma_start3A_175 = arith.constant 0 : i32
    %dma_start3A_176 = tpu.memref_slice %arg2[%dma_start3A_175, %add3A_172] : memref<32x1000000xf32, #tpu.memory_space<hbm>> -> memref<32x1024xf32, #tpu.memory_space<hbm>>
    tpu.enqueue_dma source(%dma_start3A_176 : memref<32x1024xf32, #tpu.memory_space<hbm>>) target(%arg6 : memref<32x1024xf32, #tpu.memory_space<vmem>>) target_semaphore(%arg10 : memref<!tpu.dma_semaphore, #tpu.memory_space<semaphore_mem>>)
    %scan3A_177 = arith.constant 0 : i32
    %scan3A_178 = arith.constant 0 : i32
    %scan3A_179 = arith.constant 64 : i32
    %scan3A_180 = arith.addi %scan3A_178, %scan3A_179 : i32
    %scan3A_181 = arith.constant 1 : i32
    scf.for %scan3A_193 = %scan3A_178 to %scan3A_180 step %scan3A_181  : i32 {
      %mul3A_194 = arith.constant 16 : i32
      %mul3A_195 = arith.muli %scan3A_193, %mul3A_194 : i32
      %get3A_196 = arith.constant 0 : i32
      %get3A_197 = arith.index_cast %get3A_196 : i32 to index
      %get3A_198 = arith.index_cast %mul3A_195 : i32 to index
      %get3A_199 = tpu.vector_load %arg5[%get3A_197, %get3A_198] {strides = array<i32>} : memref<32x1024xf32, #tpu.memory_space<vmem>>, vector<16xf32>,
      %mul3A_200 = vector.broadcast %squeeze3A : f32 to vector<16xf32>
      %mul3A_201 = arith.mulf %get3A_199, %mul3A_200 : vector<16xf32>
      %get3A_202 = arith.constant 1 : i32
      %get3A_203 = arith.index_cast %get3A_202 : i32 to index
      %get3A_204 = arith.index_cast %mul3A_195 : i32 to index
      %get3A_205 = tpu.vector_load %arg5[%get3A_203, %get3A_204] {strides = array<i32>} : memref<32x1024xf32, #tpu.memory_space<vmem>>, vector<16xf32>,
      %mul3A_206 = vector.broadcast %squeeze3A_7 : f32 to vector<16xf32>
      %mul3A_207 = arith.mulf %get3A_205, %mul3A_206 : vector<16xf32>
      %add3A_208 = arith.addf %mul3A_201, %mul3A_207 : vector<16xf32>
      %get3A_209 = arith.constant 2 : i32
      %get3A_210 = arith.index_cast %get3A_209 : i32 to index
      %get3A_211 = arith.index_cast %mul3A_195 : i32 to index
      %get3A_212 = tpu.vector_load %arg5[%get3A_210, %get3A_211] {strides = array<i32>} : memref<32x1024xf32, #tpu.memory_space<vmem>>, vector<16xf32>,
      %mul3A_213 = vector.broadcast %squeeze3A_9 : f32 to vector<16xf32>
      %mul3A_214 = arith.mulf %get3A_212, %mul3A_213 : vector<16xf32>
      %add3A_215 = arith.addf %add3A_208, %mul3A_214 : vector<16xf32>
      %get3A_216 = arith.constant 3 : i32
      %get3A_217 = arith.index_cast %get3A_216 : i32 to index
      %get3A_218 = arith.index_cast %mul3A_195 : i32 to index
      %get3A_219 = tpu.vector_load %arg5[%get3A_217, %get3A_218] {strides = array<i32>} : memref<32x1024xf32, #tpu.memory_space<vmem>>, vector<16xf32>,
      %mul3A_220 = vector.broadcast %squeeze3A_11 : f32 to vector<16xf32>
      %mul3A_221 = arith.mulf %get3A_219, %mul3A_220 : vector<16xf32>
      %add3A_222 = arith.addf %add3A_215, %mul3A_221 : vector<16xf32>
      %get3A_223 = arith.constant 4 : i32
      %get3A_224 = arith.index_cast %get3A_223 : i32 to index
      %get3A_225 = arith.index_cast %mul3A_195 : i32 to index
      %get3A_226 = tpu.vector_load %arg5[%get3A_224, %get3A_225] {strides = array<i32>} : memref<32x1024xf32, #tpu.memory_space<vmem>>, vector<16xf32>,
      %mul3A_227 = vector.broadcast %squeeze3A_13 : f32 to vector<16xf32>
      %mul3A_228 = arith.mulf %get3A_226, %mul3A_227 : vector<16xf32>
      %add3A_229 = arith.addf %add3A_222, %mul3A_228 : vector<16xf32>
      %get3A_230 = arith.constant 5 : i32
      %get3A_231 = arith.index_cast %get3A_230 : i32 to index
      %get3A_232 = arith.index_cast %mul3A_195 : i32 to index
      %get3A_233 = tpu.vector_load %arg5[%get3A_231, %get3A_232] {strides = array<i32>} : memref<32x1024xf32, #tpu.memory_space<vmem>>, vector<16xf32>,
      %mul3A_234 = vector.broadcast %squeeze3A_15 : f32 to vector<16xf32>
      %mul3A_235 = arith.mulf %get3A_233, %mul3A_234 : vector<16xf32>
      %add3A_236 = arith.addf %add3A_229, %mul3A_235 : vector<16xf32>
      %get3A_237 = arith.constant 6 : i32
      %get3A_238 = arith.index_cast %get3A_237 : i32 to index
      %get3A_239 = arith.index_cast %mul3A_195 : i32 to index
      %get3A_240 = tpu.vector_load %arg5[%get3A_238, %get3A_239] {strides = array<i32>} : memref<32x1024xf32, #tpu.memory_space<vmem>>, vector<16xf32>,
      %mul3A_241 = vector.broadcast %squeeze3A_17 : f32 to vector<16xf32>
      %mul3A_242 = arith.mulf %get3A_240, %mul3A_241 : vector<16xf32>
      %add3A_243 = arith.addf %add3A_236, %mul3A_242 : vector<16xf32>
      %get3A_244 = arith.constant 7 : i32
      %get3A_245 = arith.index_cast %get3A_244 : i32 to index
      %get3A_246 = arith.index_cast %mul3A_195 : i32 to index
      %get3A_247 = tpu.vector_load %arg5[%get3A_245, %get3A_246] {strides = array<i32>} : memref<32x1024xf32, #tpu.memory_space<vmem>>, vector<16xf32>,
      %mul3A_248 = vector.broadcast %squeeze3A_19 : f32 to vector<16xf32>
      %mul3A_249 = arith.mulf %get3A_247, %mul3A_248 : vector<16xf32>
      %add3A_250 = arith.addf %add3A_243, %mul3A_249 : vector<16xf32>
      %get3A_251 = arith.constant 8 : i32
      %get3A_252 = arith.index_cast %get3A_251 : i32 to index
      %get3A_253 = arith.index_cast %mul3A_195 : i32 to index
      %get3A_254 = tpu.vector_load %arg5[%get3A_252, %get3A_253] {strides = array<i32>} : memref<32x1024xf32, #tpu.memory_space<vmem>>, vector<16xf32>,
      %mul3A_255 = vector.broadcast %squeeze3A_21 : f32 to vector<16xf32>
      %mul3A_256 = arith.mulf %get3A_254, %mul3A_255 : vector<16xf32>
      %add3A_257 = arith.addf %add3A_250, %mul3A_256 : vector<16xf32>
      %get3A_258 = arith.constant 9 : i32
      %get3A_259 = arith.index_cast %get3A_258 : i32 to index
      %get3A_260 = arith.index_cast %mul3A_195 : i32 to index
      %get3A_261 = tpu.vector_load %arg5[%get3A_259, %get3A_260] {strides = array<i32>} : memref<32x1024xf32, #tpu.memory_space<vmem>>, vector<16xf32>,
      %mul3A_262 = vector.broadcast %squeeze3A_23 : f32 to vector<16xf32>
      %mul3A_263 = arith.mulf %get3A_261, %mul3A_262 : vector<16xf32>
      %add3A_264 = arith.addf %add3A_257, %mul3A_263 : vector<16xf32>
      %get3A_265 = arith.constant 10 : i32
      %get3A_266 = arith.index_cast %get3A_265 : i32 to index
      %get3A_267 = arith.index_cast %mul3A_195 : i32 to index
      %get3A_268 = tpu.vector_load %arg5[%get3A_266, %get3A_267] {strides = array<i32>} : memref<32x1024xf32, #tpu.memory_space<vmem>>, vector<16xf32>,
      %mul3A_269 = vector.broadcast %squeeze3A_25 : f32 to vector<16xf32>
      %mul3A_270 = arith.mulf %get3A_268, %mul3A_269 : vector<16xf32>
      %add3A_271 = arith.addf %add3A_264, %mul3A_270 : vector<16xf32>
      %get3A_272 = arith.constant 11 : i32
      %get3A_273 = arith.index_cast %get3A_272 : i32 to index
      %get3A_274 = arith.index_cast %mul3A_195 : i32 to index
      %get3A_275 = tpu.vector_load %arg5[%get3A_273, %get3A_274] {strides = array<i32>} : memref<32x1024xf32, #tpu.memory_space<vmem>>, vector<16xf32>,
      %mul3A_276 = vector.broadcast %squeeze3A_27 : f32 to vector<16xf32>
      %mul3A_277 = arith.mulf %get3A_275, %mul3A_276 : vector<16xf32>
      %add3A_278 = arith.addf %add3A_271, %mul3A_277 : vector<16xf32>
      %get3A_279 = arith.constant 12 : i32
      %get3A_280 = arith.index_cast %get3A_279 : i32 to index
      %get3A_281 = arith.index_cast %mul3A_195 : i32 to index
      %get3A_282 = tpu.vector_load %arg5[%get3A_280, %get3A_281] {strides = array<i32>} : memref<32x1024xf32, #tpu.memory_space<vmem>>, vector<16xf32>,
      %mul3A_283 = vector.broadcast %squeeze3A_29 : f32 to vector<16xf32>
      %mul3A_284 = arith.mulf %get3A_282, %mul3A_283 : vector<16xf32>
      %add3A_285 = arith.addf %add3A_278, %mul3A_284 : vector<16xf32>
      %get3A_286 = arith.constant 13 : i32
      %get3A_287 = arith.index_cast %get3A_286 : i32 to index
      %get3A_288 = arith.index_cast %mul3A_195 : i32 to index
      %get3A_289 = tpu.vector_load %arg5[%get3A_287, %get3A_288] {strides = array<i32>} : memref<32x1024xf32, #tpu.memory_space<vmem>>, vector<16xf32>,
      %mul3A_290 = vector.broadcast %squeeze3A_31 : f32 to vector<16xf32>
      %mul3A_291 = arith.mulf %get3A_289, %mul3A_290 : vector<16xf32>
      %add3A_292 = arith.addf %add3A_285, %mul3A_291 : vector<16xf32>
      %get3A_293 = arith.constant 14 : i32
      %get3A_294 = arith.index_cast %get3A_293 : i32 to index
      %get3A_295 = arith.index_cast %mul3A_195 : i32 to index
      %get3A_296 = tpu.vector_load %arg5[%get3A_294, %get3A_295] {strides = array<i32>} : memref<32x1024xf32, #tpu.memory_space<vmem>>, vector<16xf32>,
      %mul3A_297 = vector.broadcast %squeeze3A_33 : f32 to vector<16xf32>
      %mul3A_298 = arith.mulf %get3A_296, %mul3A_297 : vector<16xf32>
      %add3A_299 = arith.addf %add3A_292, %mul3A_298 : vector<16xf32>
      %get3A_300 = arith.constant 15 : i32
      %get3A_301 = arith.index_cast %get3A_300 : i32 to index
      %get3A_302 = arith.index_cast %mul3A_195 : i32 to index
      %get3A_303 = tpu.vector_load %arg5[%get3A_301, %get3A_302] {strides = array<i32>} : memref<32x1024xf32, #tpu.memory_space<vmem>>, vector<16xf32>,
      %mul3A_304 = vector.broadcast %squeeze3A_35 : f32 to vector<16xf32>
      %mul3A_305 = arith.mulf %get3A_303, %mul3A_304 : vector<16xf32>
      %add3A_306 = arith.addf %add3A_299, %mul3A_305 : vector<16xf32>
      %get3A_307 = arith.constant 16 : i32
      %get3A_308 = arith.index_cast %get3A_307 : i32 to index
      %get3A_309 = arith.index_cast %mul3A_195 : i32 to index
      %get3A_310 = tpu.vector_load %arg5[%get3A_308, %get3A_309] {strides = array<i32>} : memref<32x1024xf32, #tpu.memory_space<vmem>>, vector<16xf32>,
      %mul3A_311 = vector.broadcast %squeeze3A_37 : f32 to vector<16xf32>
      %mul3A_312 = arith.mulf %get3A_310, %mul3A_311 : vector<16xf32>
      %add3A_313 = arith.addf %add3A_306, %mul3A_312 : vector<16xf32>
      %get3A_314 = arith.constant 17 : i32
      %get3A_315 = arith.index_cast %get3A_314 : i32 to index
      %get3A_316 = arith.index_cast %mul3A_195 : i32 to index
      %get3A_317 = tpu.vector_load %arg5[%get3A_315, %get3A_316] {strides = array<i32>} : memref<32x1024xf32, #tpu.memory_space<vmem>>, vector<16xf32>,
      %mul3A_318 = vector.broadcast %squeeze3A_39 : f32 to vector<16xf32>
      %mul3A_319 = arith.mulf %get3A_317, %mul3A_318 : vector<16xf32>
      %add3A_320 = arith.addf %add3A_313, %mul3A_319 : vector<16xf32>
      %get3A_321 = arith.constant 18 : i32
      %get3A_322 = arith.index_cast %get3A_321 : i32 to index
      %get3A_323 = arith.index_cast %mul3A_195 : i32 to index
      %get3A_324 = tpu.vector_load %arg5[%get3A_322, %get3A_323] {strides = array<i32>} : memref<32x1024xf32, #tpu.memory_space<vmem>>, vector<16xf32>,
      %mul3A_325 = vector.broadcast %squeeze3A_41 : f32 to vector<16xf32>
      %mul3A_326 = arith.mulf %get3A_324, %mul3A_325 : vector<16xf32>
      %add3A_327 = arith.addf %add3A_320, %mul3A_326 : vector<16xf32>
      %get3A_328 = arith.constant 19 : i32
      %get3A_329 = arith.index_cast %get3A_328 : i32 to index
      %get3A_330 = arith.index_cast %mul3A_195 : i32 to index
      %get3A_331 = tpu.vector_load %arg5[%get3A_329, %get3A_330] {strides = array<i32>} : memref<32x1024xf32, #tpu.memory_space<vmem>>, vector<16xf32>,
      %mul3A_332 = vector.broadcast %squeeze3A_43 : f32 to vector<16xf32>
      %mul3A_333 = arith.mulf %get3A_331, %mul3A_332 : vector<16xf32>
      %add3A_334 = arith.addf %add3A_327, %mul3A_333 : vector<16xf32>
      %get3A_335 = arith.constant 20 : i32
      %get3A_336 = arith.index_cast %get3A_335 : i32 to index
      %get3A_337 = arith.index_cast %mul3A_195 : i32 to index
      %get3A_338 = tpu.vector_load %arg5[%get3A_336, %get3A_337] {strides = array<i32>} : memref<32x1024xf32, #tpu.memory_space<vmem>>, vector<16xf32>,
      %mul3A_339 = vector.broadcast %squeeze3A_45 : f32 to vector<16xf32>
      %mul3A_340 = arith.mulf %get3A_338, %mul3A_339 : vector<16xf32>
      %add3A_341 = arith.addf %add3A_334, %mul3A_340 : vector<16xf32>
      %get3A_342 = arith.constant 21 : i32
      %get3A_343 = arith.index_cast %get3A_342 : i32 to index
      %get3A_344 = arith.index_cast %mul3A_195 : i32 to index
      %get3A_345 = tpu.vector_load %arg5[%get3A_343, %get3A_344] {strides = array<i32>} : memref<32x1024xf32, #tpu.memory_space<vmem>>, vector<16xf32>,
      %mul3A_346 = vector.broadcast %squeeze3A_47 : f32 to vector<16xf32>
      %mul3A_347 = arith.mulf %get3A_345, %mul3A_346 : vector<16xf32>
      %add3A_348 = arith.addf %add3A_341, %mul3A_347 : vector<16xf32>
      %get3A_349 = arith.constant 22 : i32
      %get3A_350 = arith.index_cast %get3A_349 : i32 to index
      %get3A_351 = arith.index_cast %mul3A_195 : i32 to index
      %get3A_352 = tpu.vector_load %arg5[%get3A_350, %get3A_351] {strides = array<i32>} : memref<32x1024xf32, #tpu.memory_space<vmem>>, vector<16xf32>,
      %mul3A_353 = vector.broadcast %squeeze3A_49 : f32 to vector<16xf32>
      %mul3A_354 = arith.mulf %get3A_352, %mul3A_353 : vector<16xf32>
      %add3A_355 = arith.addf %add3A_348, %mul3A_354 : vector<16xf32>
      %get3A_356 = arith.constant 23 : i32
      %get3A_357 = arith.index_cast %get3A_356 : i32 to index
      %get3A_358 = arith.index_cast %mul3A_195 : i32 to index
      %get3A_359 = tpu.vector_load %arg5[%get3A_357, %get3A_358] {strides = array<i32>} : memref<32x1024xf32, #tpu.memory_space<vmem>>, vector<16xf32>,
      %mul3A_360 = vector.broadcast %squeeze3A_51 : f32 to vector<16xf32>
      %mul3A_361 = arith.mulf %get3A_359, %mul3A_360 : vector<16xf32>
      %add3A_362 = arith.addf %add3A_355, %mul3A_361 : vector<16xf32>
      %get3A_363 = arith.constant 24 : i32
      %get3A_364 = arith.index_cast %get3A_363 : i32 to index
      %get3A_365 = arith.index_cast %mul3A_195 : i32 to index
      %get3A_366 = tpu.vector_load %arg5[%get3A_364, %get3A_365] {strides = array<i32>} : memref<32x1024xf32, #tpu.memory_space<vmem>>, vector<16xf32>,
      %mul3A_367 = vector.broadcast %squeeze3A_53 : f32 to vector<16xf32>
      %mul3A_368 = arith.mulf %get3A_366, %mul3A_367 : vector<16xf32>
      %add3A_369 = arith.addf %add3A_362, %mul3A_368 : vector<16xf32>
      %get3A_370 = arith.constant 25 : i32
      %get3A_371 = arith.index_cast %get3A_370 : i32 to index
      %get3A_372 = arith.index_cast %mul3A_195 : i32 to index
      %get3A_373 = tpu.vector_load %arg5[%get3A_371, %get3A_372] {strides = array<i32>} : memref<32x1024xf32, #tpu.memory_space<vmem>>, vector<16xf32>,
      %mul3A_374 = vector.broadcast %squeeze3A_55 : f32 to vector<16xf32>
      %mul3A_375 = arith.mulf %get3A_373, %mul3A_374 : vector<16xf32>
      %add3A_376 = arith.addf %add3A_369, %mul3A_375 : vector<16xf32>
      %get3A_377 = arith.constant 26 : i32
      %get3A_378 = arith.index_cast %get3A_377 : i32 to index
      %get3A_379 = arith.index_cast %mul3A_195 : i32 to index
      %get3A_380 = tpu.vector_load %arg5[%get3A_378, %get3A_379] {strides = array<i32>} : memref<32x1024xf32, #tpu.memory_space<vmem>>, vector<16xf32>,
      %mul3A_381 = vector.broadcast %squeeze3A_57 : f32 to vector<16xf32>
      %mul3A_382 = arith.mulf %get3A_380, %mul3A_381 : vector<16xf32>
      %add3A_383 = arith.addf %add3A_376, %mul3A_382 : vector<16xf32>
      %get3A_384 = arith.constant 27 : i32
      %get3A_385 = arith.index_cast %get3A_384 : i32 to index
      %get3A_386 = arith.index_cast %mul3A_195 : i32 to index
      %get3A_387 = tpu.vector_load %arg5[%get3A_385, %get3A_386] {strides = array<i32>} : memref<32x1024xf32, #tpu.memory_space<vmem>>, vector<16xf32>,
      %mul3A_388 = vector.broadcast %squeeze3A_59 : f32 to vector<16xf32>
      %mul3A_389 = arith.mulf %get3A_387, %mul3A_388 : vector<16xf32>
      %add3A_390 = arith.addf %add3A_383, %mul3A_389 : vector<16xf32>
      %get3A_391 = arith.constant 28 : i32
      %get3A_392 = arith.index_cast %get3A_391 : i32 to index
      %get3A_393 = arith.index_cast %mul3A_195 : i32 to index
      %get3A_394 = tpu.vector_load %arg5[%get3A_392, %get3A_393] {strides = array<i32>} : memref<32x1024xf32, #tpu.memory_space<vmem>>, vector<16xf32>,
      %mul3A_395 = vector.broadcast %squeeze3A_61 : f32 to vector<16xf32>
      %mul3A_396 = arith.mulf %get3A_394, %mul3A_395 : vector<16xf32>
      %add3A_397 = arith.addf %add3A_390, %mul3A_396 : vector<16xf32>
      %get3A_398 = arith.constant 29 : i32
      %get3A_399 = arith.index_cast %get3A_398 : i32 to index
      %get3A_400 = arith.index_cast %mul3A_195 : i32 to index
      %get3A_401 = tpu.vector_load %arg5[%get3A_399, %get3A_400] {strides = array<i32>} : memref<32x1024xf32, #tpu.memory_space<vmem>>, vector<16xf32>,
      %mul3A_402 = vector.broadcast %squeeze3A_63 : f32 to vector<16xf32>
      %mul3A_403 = arith.mulf %get3A_401, %mul3A_402 : vector<16xf32>
      %add3A_404 = arith.addf %add3A_397, %mul3A_403 : vector<16xf32>
      %get3A_405 = arith.constant 30 : i32
      %get3A_406 = arith.index_cast %get3A_405 : i32 to index
      %get3A_407 = arith.index_cast %mul3A_195 : i32 to index
      %get3A_408 = tpu.vector_load %arg5[%get3A_406, %get3A_407] {strides = array<i32>} : memref<32x1024xf32, #tpu.memory_space<vmem>>, vector<16xf32>,
      %mul3A_409 = vector.broadcast %squeeze3A_65 : f32 to vector<16xf32>
      %mul3A_410 = arith.mulf %get3A_408, %mul3A_409 : vector<16xf32>
      %add3A_411 = arith.addf %add3A_404, %mul3A_410 : vector<16xf32>
      %get3A_412 = arith.constant 31 : i32
      %get3A_413 = arith.index_cast %get3A_412 : i32 to index
      %get3A_414 = arith.index_cast %mul3A_195 : i32 to index
      %get3A_415 = tpu.vector_load %arg5[%get3A_413, %get3A_414] {strides = array<i32>} : memref<32x1024xf32, #tpu.memory_space<vmem>>, vector<16xf32>,
      %mul3A_416 = vector.broadcast %squeeze3A_67 : f32 to vector<16xf32>
      %mul3A_417 = arith.mulf %get3A_415, %mul3A_416 : vector<16xf32>
      %add3A_418 = arith.addf %add3A_411, %mul3A_417 : vector<16xf32>
      %add3A_419 = arith.constant 6144 : i32
      %add3A_420 = arith.addi %add3A_419, %mul3A_195 : i32
      %swap3A = arith.index_cast %add3A_420 : i32 to index
      %swap3A_421 = tpu.vector_load %arg7[%swap3A] {strides = array<i32>} : memref<8192xf32, #tpu.memory_space<vmem>>, vector<16xf32>,
      tpu.vector_store %arg7[%swap3A], %add3A_418 {strides = array<i32>} : memref<8192xf32, #tpu.memory_space<vmem>>, vector<16xf32>,
    }
    %scan3A_182 = arith.constant 64 : i32
    %dma_wait3A_183 = arith.constant 0 : i32
    %dma_wait3A_184 = tpu.memref_slice %arg2[%dma_wait3A_183, %add3A_172] : memref<32x1000000xf32, #tpu.memory_space<hbm>> -> memref<32x1024xf32, #tpu.memory_space<hbm>>
    %dma_wait3A_185 = arith.constant 0 : i32
    %dma_wait3A_186 = tpu.memref_slice %arg2[%dma_wait3A_185, %add3A_172] : memref<32x1000000xf32, #tpu.memory_space<hbm>> -> memref<32x1024xf32, #tpu.memory_space<hbm>>
    tpu.wait_dma2 semaphore(%arg10 : memref<!tpu.dma_semaphore, #tpu.memory_space<semaphore_mem>>) src(%dma_wait3A_186 : memref<32x1024xf32, #tpu.memory_space<hbm>>) dst(%arg6 : memref<32x1024xf32, #tpu.memory_space<vmem>>)
    %scan3A_187 = arith.constant 0 : i32
    %scan3A_188 = arith.constant 0 : i32
    %scan3A_189 = arith.constant 64 : i32
    %scan3A_190 = arith.addi %scan3A_188, %scan3A_189 : i32
    %scan3A_191 = arith.constant 1 : i32
    scf.for %scan3A_193 = %scan3A_188 to %scan3A_190 step %scan3A_191  : i32 {
      %mul3A_194 = arith.constant 16 : i32
      %mul3A_195 = arith.muli %scan3A_193, %mul3A_194 : i32
      %get3A_196 = arith.constant 0 : i32
      %get3A_197 = arith.index_cast %get3A_196 : i32 to index
      %get3A_198 = arith.index_cast %mul3A_195 : i32 to index
      %get3A_199 = tpu.vector_load %arg6[%get3A_197, %get3A_198] {strides = array<i32>} : memref<32x1024xf32, #tpu.memory_space<vmem>>, vector<16xf32>,
      %mul3A_200 = vector.broadcast %squeeze3A : f32 to vector<16xf32>
      %mul3A_201 = arith.mulf %get3A_199, %mul3A_200 : vector<16xf32>
      %get3A_202 = arith.constant 1 : i32
      %get3A_203 = arith.index_cast %get3A_202 : i32 to index
      %get3A_204 = arith.index_cast %mul3A_195 : i32 to index
      %get3A_205 = tpu.vector_load %arg6[%get3A_203, %get3A_204] {strides = array<i32>} : memref<32x1024xf32, #tpu.memory_space<vmem>>, vector<16xf32>,
      %mul3A_206 = vector.broadcast %squeeze3A_7 : f32 to vector<16xf32>
      %mul3A_207 = arith.mulf %get3A_205, %mul3A_206 : vector<16xf32>
      %add3A_208 = arith.addf %mul3A_201, %mul3A_207 : vector<16xf32>
      %get3A_209 = arith.constant 2 : i32
      %get3A_210 = arith.index_cast %get3A_209 : i32 to index
      %get3A_211 = arith.index_cast %mul3A_195 : i32 to index
      %get3A_212 = tpu.vector_load %arg6[%get3A_210, %get3A_211] {strides = array<i32>} : memref<32x1024xf32, #tpu.memory_space<vmem>>, vector<16xf32>,
      %mul3A_213 = vector.broadcast %squeeze3A_9 : f32 to vector<16xf32>
      %mul3A_214 = arith.mulf %get3A_212, %mul3A_213 : vector<16xf32>
      %add3A_215 = arith.addf %add3A_208, %mul3A_214 : vector<16xf32>
      %get3A_216 = arith.constant 3 : i32
      %get3A_217 = arith.index_cast %get3A_216 : i32 to index
      %get3A_218 = arith.index_cast %mul3A_195 : i32 to index
      %get3A_219 = tpu.vector_load %arg6[%get3A_217, %get3A_218] {strides = array<i32>} : memref<32x1024xf32, #tpu.memory_space<vmem>>, vector<16xf32>,
      %mul3A_220 = vector.broadcast %squeeze3A_11 : f32 to vector<16xf32>
      %mul3A_221 = arith.mulf %get3A_219, %mul3A_220 : vector<16xf32>
      %add3A_222 = arith.addf %add3A_215, %mul3A_221 : vector<16xf32>
      %get3A_223 = arith.constant 4 : i32
      %get3A_224 = arith.index_cast %get3A_223 : i32 to index
      %get3A_225 = arith.index_cast %mul3A_195 : i32 to index
      %get3A_226 = tpu.vector_load %arg6[%get3A_224, %get3A_225] {strides = array<i32>} : memref<32x1024xf32, #tpu.memory_space<vmem>>, vector<16xf32>,
      %mul3A_227 = vector.broadcast %squeeze3A_13 : f32 to vector<16xf32>
      %mul3A_228 = arith.mulf %get3A_226, %mul3A_227 : vector<16xf32>
      %add3A_229 = arith.addf %add3A_222, %mul3A_228 : vector<16xf32>
      %get3A_230 = arith.constant 5 : i32
      %get3A_231 = arith.index_cast %get3A_230 : i32 to index
      %get3A_232 = arith.index_cast %mul3A_195 : i32 to index
      %get3A_233 = tpu.vector_load %arg6[%get3A_231, %get3A_232] {strides = array<i32>} : memref<32x1024xf32, #tpu.memory_space<vmem>>, vector<16xf32>,
      %mul3A_234 = vector.broadcast %squeeze3A_15 : f32 to vector<16xf32>
      %mul3A_235 = arith.mulf %get3A_233, %mul3A_234 : vector<16xf32>
      %add3A_236 = arith.addf %add3A_229, %mul3A_235 : vector<16xf32>
      %get3A_237 = arith.constant 6 : i32
      %get3A_238 = arith.index_cast %get3A_237 : i32 to index
      %get3A_239 = arith.index_cast %mul3A_195 : i32 to index
      %get3A_240 = tpu.vector_load %arg6[%get3A_238, %get3A_239] {strides = array<i32>} : memref<32x1024xf32, #tpu.memory_space<vmem>>, vector<16xf32>,
      %mul3A_241 = vector.broadcast %squeeze3A_17 : f32 to vector<16xf32>
      %mul3A_242 = arith.mulf %get3A_240, %mul3A_241 : vector<16xf32>
      %add3A_243 = arith.addf %add3A_236, %mul3A_242 : vector<16xf32>
      %get3A_244 = arith.constant 7 : i32
      %get3A_245 = arith.index_cast %get3A_244 : i32 to index
      %get3A_246 = arith.index_cast %mul3A_195 : i32 to index
      %get3A_247 = tpu.vector_load %arg6[%get3A_245, %get3A_246] {strides = array<i32>} : memref<32x1024xf32, #tpu.memory_space<vmem>>, vector<16xf32>,
      %mul3A_248 = vector.broadcast %squeeze3A_19 : f32 to vector<16xf32>
      %mul3A_249 = arith.mulf %get3A_247, %mul3A_248 : vector<16xf32>
      %add3A_250 = arith.addf %add3A_243, %mul3A_249 : vector<16xf32>
      %get3A_251 = arith.constant 8 : i32
      %get3A_252 = arith.index_cast %get3A_251 : i32 to index
      %get3A_253 = arith.index_cast %mul3A_195 : i32 to index
      %get3A_254 = tpu.vector_load %arg6[%get3A_252, %get3A_253] {strides = array<i32>} : memref<32x1024xf32, #tpu.memory_space<vmem>>, vector<16xf32>,
      %mul3A_255 = vector.broadcast %squeeze3A_21 : f32 to vector<16xf32>
      %mul3A_256 = arith.mulf %get3A_254, %mul3A_255 : vector<16xf32>
      %add3A_257 = arith.addf %add3A_250, %mul3A_256 : vector<16xf32>
      %get3A_258 = arith.constant 9 : i32
      %get3A_259 = arith.index_cast %get3A_258 : i32 to index
      %get3A_260 = arith.index_cast %mul3A_195 : i32 to index
      %get3A_261 = tpu.vector_load %arg6[%get3A_259, %get3A_260] {strides = array<i32>} : memref<32x1024xf32, #tpu.memory_space<vmem>>, vector<16xf32>,
      %mul3A_262 = vector.broadcast %squeeze3A_23 : f32 to vector<16xf32>
      %mul3A_263 = arith.mulf %get3A_261, %mul3A_262 : vector<16xf32>
      %add3A_264 = arith.addf %add3A_257, %mul3A_263 : vector<16xf32>
      %get3A_265 = arith.constant 10 : i32
      %get3A_266 = arith.index_cast %get3A_265 : i32 to index
      %get3A_267 = arith.index_cast %mul3A_195 : i32 to index
      %get3A_268 = tpu.vector_load %arg6[%get3A_266, %get3A_267] {strides = array<i32>} : memref<32x1024xf32, #tpu.memory_space<vmem>>, vector<16xf32>,
      %mul3A_269 = vector.broadcast %squeeze3A_25 : f32 to vector<16xf32>
      %mul3A_270 = arith.mulf %get3A_268, %mul3A_269 : vector<16xf32>
      %add3A_271 = arith.addf %add3A_264, %mul3A_270 : vector<16xf32>
      %get3A_272 = arith.constant 11 : i32
      %get3A_273 = arith.index_cast %get3A_272 : i32 to index
      %get3A_274 = arith.index_cast %mul3A_195 : i32 to index
      %get3A_275 = tpu.vector_load %arg6[%get3A_273, %get3A_274] {strides = array<i32>} : memref<32x1024xf32, #tpu.memory_space<vmem>>, vector<16xf32>,
      %mul3A_276 = vector.broadcast %squeeze3A_27 : f32 to vector<16xf32>
      %mul3A_277 = arith.mulf %get3A_275, %mul3A_276 : vector<16xf32>
      %add3A_278 = arith.addf %add3A_271, %mul3A_277 : vector<16xf32>
      %get3A_279 = arith.constant 12 : i32
      %get3A_280 = arith.index_cast %get3A_279 : i32 to index
      %get3A_281 = arith.index_cast %mul3A_195 : i32 to index
      %get3A_282 = tpu.vector_load %arg6[%get3A_280, %get3A_281] {strides = array<i32>} : memref<32x1024xf32, #tpu.memory_space<vmem>>, vector<16xf32>,
      %mul3A_283 = vector.broadcast %squeeze3A_29 : f32 to vector<16xf32>
      %mul3A_284 = arith.mulf %get3A_282, %mul3A_283 : vector<16xf32>
      %add3A_285 = arith.addf %add3A_278, %mul3A_284 : vector<16xf32>
      %get3A_286 = arith.constant 13 : i32
      %get3A_287 = arith.index_cast %get3A_286 : i32 to index
      %get3A_288 = arith.index_cast %mul3A_195 : i32 to index
      %get3A_289 = tpu.vector_load %arg6[%get3A_287, %get3A_288] {strides = array<i32>} : memref<32x1024xf32, #tpu.memory_space<vmem>>, vector<16xf32>,
      %mul3A_290 = vector.broadcast %squeeze3A_31 : f32 to vector<16xf32>
      %mul3A_291 = arith.mulf %get3A_289, %mul3A_290 : vector<16xf32>
      %add3A_292 = arith.addf %add3A_285, %mul3A_291 : vector<16xf32>
      %get3A_293 = arith.constant 14 : i32
      %get3A_294 = arith.index_cast %get3A_293 : i32 to index
      %get3A_295 = arith.index_cast %mul3A_195 : i32 to index
      %get3A_296 = tpu.vector_load %arg6[%get3A_294, %get3A_295] {strides = array<i32>} : memref<32x1024xf32, #tpu.memory_space<vmem>>, vector<16xf32>,
      %mul3A_297 = vector.broadcast %squeeze3A_33 : f32 to vector<16xf32>
      %mul3A_298 = arith.mulf %get3A_296, %mul3A_297 : vector<16xf32>
      %add3A_299 = arith.addf %add3A_292, %mul3A_298 : vector<16xf32>
      %get3A_300 = arith.constant 15 : i32
      %get3A_301 = arith.index_cast %get3A_300 : i32 to index
      %get3A_302 = arith.index_cast %mul3A_195 : i32 to index
      %get3A_303 = tpu.vector_load %arg6[%get3A_301, %get3A_302] {strides = array<i32>} : memref<32x1024xf32, #tpu.memory_space<vmem>>, vector<16xf32>,
      %mul3A_304 = vector.broadcast %squeeze3A_35 : f32 to vector<16xf32>
      %mul3A_305 = arith.mulf %get3A_303, %mul3A_304 : vector<16xf32>
      %add3A_306 = arith.addf %add3A_299, %mul3A_305 : vector<16xf32>
      %get3A_307 = arith.constant 16 : i32
      %get3A_308 = arith.index_cast %get3A_307 : i32 to index
      %get3A_309 = arith.index_cast %mul3A_195 : i32 to index
      %get3A_310 = tpu.vector_load %arg6[%get3A_308, %get3A_309] {strides = array<i32>} : memref<32x1024xf32, #tpu.memory_space<vmem>>, vector<16xf32>,
      %mul3A_311 = vector.broadcast %squeeze3A_37 : f32 to vector<16xf32>
      %mul3A_312 = arith.mulf %get3A_310, %mul3A_311 : vector<16xf32>
      %add3A_313 = arith.addf %add3A_306, %mul3A_312 : vector<16xf32>
      %get3A_314 = arith.constant 17 : i32
      %get3A_315 = arith.index_cast %get3A_314 : i32 to index
      %get3A_316 = arith.index_cast %mul3A_195 : i32 to index
      %get3A_317 = tpu.vector_load %arg6[%get3A_315, %get3A_316] {strides = array<i32>} : memref<32x1024xf32, #tpu.memory_space<vmem>>, vector<16xf32>,
      %mul3A_318 = vector.broadcast %squeeze3A_39 : f32 to vector<16xf32>
      %mul3A_319 = arith.mulf %get3A_317, %mul3A_318 : vector<16xf32>
      %add3A_320 = arith.addf %add3A_313, %mul3A_319 : vector<16xf32>
      %get3A_321 = arith.constant 18 : i32
      %get3A_322 = arith.index_cast %get3A_321 : i32 to index
      %get3A_323 = arith.index_cast %mul3A_195 : i32 to index
      %get3A_324 = tpu.vector_load %arg6[%get3A_322, %get3A_323] {strides = array<i32>} : memref<32x1024xf32, #tpu.memory_space<vmem>>, vector<16xf32>,
      %mul3A_325 = vector.broadcast %squeeze3A_41 : f32 to vector<16xf32>
      %mul3A_326 = arith.mulf %get3A_324, %mul3A_325 : vector<16xf32>
      %add3A_327 = arith.addf %add3A_320, %mul3A_326 : vector<16xf32>
      %get3A_328 = arith.constant 19 : i32
      %get3A_329 = arith.index_cast %get3A_328 : i32 to index
      %get3A_330 = arith.index_cast %mul3A_195 : i32 to index
      %get3A_331 = tpu.vector_load %arg6[%get3A_329, %get3A_330] {strides = array<i32>} : memref<32x1024xf32, #tpu.memory_space<vmem>>, vector<16xf32>,
      %mul3A_332 = vector.broadcast %squeeze3A_43 : f32 to vector<16xf32>
      %mul3A_333 = arith.mulf %get3A_331, %mul3A_332 : vector<16xf32>
      %add3A_334 = arith.addf %add3A_327, %mul3A_333 : vector<16xf32>
      %get3A_335 = arith.constant 20 : i32
      %get3A_336 = arith.index_cast %get3A_335 : i32 to index
      %get3A_337 = arith.index_cast %mul3A_195 : i32 to index
      %get3A_338 = tpu.vector_load %arg6[%get3A_336, %get3A_337] {strides = array<i32>} : memref<32x1024xf32, #tpu.memory_space<vmem>>, vector<16xf32>,
      %mul3A_339 = vector.broadcast %squeeze3A_45 : f32 to vector<16xf32>
      %mul3A_340 = arith.mulf %get3A_338, %mul3A_339 : vector<16xf32>
      %add3A_341 = arith.addf %add3A_334, %mul3A_340 : vector<16xf32>
      %get3A_342 = arith.constant 21 : i32
      %get3A_343 = arith.index_cast %get3A_342 : i32 to index
      %get3A_344 = arith.index_cast %mul3A_195 : i32 to index
      %get3A_345 = tpu.vector_load %arg6[%get3A_343, %get3A_344] {strides = array<i32>} : memref<32x1024xf32, #tpu.memory_space<vmem>>, vector<16xf32>,
      %mul3A_346 = vector.broadcast %squeeze3A_47 : f32 to vector<16xf32>
      %mul3A_347 = arith.mulf %get3A_345, %mul3A_346 : vector<16xf32>
      %add3A_348 = arith.addf %add3A_341, %mul3A_347 : vector<16xf32>
      %get3A_349 = arith.constant 22 : i32
      %get3A_350 = arith.index_cast %get3A_349 : i32 to index
      %get3A_351 = arith.index_cast %mul3A_195 : i32 to index
      %get3A_352 = tpu.vector_load %arg6[%get3A_350, %get3A_351] {strides = array<i32>} : memref<32x1024xf32, #tpu.memory_space<vmem>>, vector<16xf32>,
      %mul3A_353 = vector.broadcast %squeeze3A_49 : f32 to vector<16xf32>
      %mul3A_354 = arith.mulf %get3A_352, %mul3A_353 : vector<16xf32>
      %add3A_355 = arith.addf %add3A_348, %mul3A_354 : vector<16xf32>
      %get3A_356 = arith.constant 23 : i32
      %get3A_357 = arith.index_cast %get3A_356 : i32 to index
      %get3A_358 = arith.index_cast %mul3A_195 : i32 to index
      %get3A_359 = tpu.vector_load %arg6[%get3A_357, %get3A_358] {strides = array<i32>} : memref<32x1024xf32, #tpu.memory_space<vmem>>, vector<16xf32>,
      %mul3A_360 = vector.broadcast %squeeze3A_51 : f32 to vector<16xf32>
      %mul3A_361 = arith.mulf %get3A_359, %mul3A_360 : vector<16xf32>
      %add3A_362 = arith.addf %add3A_355, %mul3A_361 : vector<16xf32>
      %get3A_363 = arith.constant 24 : i32
      %get3A_364 = arith.index_cast %get3A_363 : i32 to index
      %get3A_365 = arith.index_cast %mul3A_195 : i32 to index
      %get3A_366 = tpu.vector_load %arg6[%get3A_364, %get3A_365] {strides = array<i32>} : memref<32x1024xf32, #tpu.memory_space<vmem>>, vector<16xf32>,
      %mul3A_367 = vector.broadcast %squeeze3A_53 : f32 to vector<16xf32>
      %mul3A_368 = arith.mulf %get3A_366, %mul3A_367 : vector<16xf32>
      %add3A_369 = arith.addf %add3A_362, %mul3A_368 : vector<16xf32>
      %get3A_370 = arith.constant 25 : i32
      %get3A_371 = arith.index_cast %get3A_370 : i32 to index
      %get3A_372 = arith.index_cast %mul3A_195 : i32 to index
      %get3A_373 = tpu.vector_load %arg6[%get3A_371, %get3A_372] {strides = array<i32>} : memref<32x1024xf32, #tpu.memory_space<vmem>>, vector<16xf32>,
      %mul3A_374 = vector.broadcast %squeeze3A_55 : f32 to vector<16xf32>
      %mul3A_375 = arith.mulf %get3A_373, %mul3A_374 : vector<16xf32>
      %add3A_376 = arith.addf %add3A_369, %mul3A_375 : vector<16xf32>
      %get3A_377 = arith.constant 26 : i32
      %get3A_378 = arith.index_cast %get3A_377 : i32 to index
      %get3A_379 = arith.index_cast %mul3A_195 : i32 to index
      %get3A_380 = tpu.vector_load %arg6[%get3A_378, %get3A_379] {strides = array<i32>} : memref<32x1024xf32, #tpu.memory_space<vmem>>, vector<16xf32>,
      %mul3A_381 = vector.broadcast %squeeze3A_57 : f32 to vector<16xf32>
      %mul3A_382 = arith.mulf %get3A_380, %mul3A_381 : vector<16xf32>
      %add3A_383 = arith.addf %add3A_376, %mul3A_382 : vector<16xf32>
      %get3A_384 = arith.constant 27 : i32
      %get3A_385 = arith.index_cast %get3A_384 : i32 to index
      %get3A_386 = arith.index_cast %mul3A_195 : i32 to index
      %get3A_387 = tpu.vector_load %arg6[%get3A_385, %get3A_386] {strides = array<i32>} : memref<32x1024xf32, #tpu.memory_space<vmem>>, vector<16xf32>,
      %mul3A_388 = vector.broadcast %squeeze3A_59 : f32 to vector<16xf32>
      %mul3A_389 = arith.mulf %get3A_387, %mul3A_388 : vector<16xf32>
      %add3A_390 = arith.addf %add3A_383, %mul3A_389 : vector<16xf32>
      %get3A_391 = arith.constant 28 : i32
      %get3A_392 = arith.index_cast %get3A_391 : i32 to index
      %get3A_393 = arith.index_cast %mul3A_195 : i32 to index
      %get3A_394 = tpu.vector_load %arg6[%get3A_392, %get3A_393] {strides = array<i32>} : memref<32x1024xf32, #tpu.memory_space<vmem>>, vector<16xf32>,
      %mul3A_395 = vector.broadcast %squeeze3A_61 : f32 to vector<16xf32>
      %mul3A_396 = arith.mulf %get3A_394, %mul3A_395 : vector<16xf32>
      %add3A_397 = arith.addf %add3A_390, %mul3A_396 : vector<16xf32>
      %get3A_398 = arith.constant 29 : i32
      %get3A_399 = arith.index_cast %get3A_398 : i32 to index
      %get3A_400 = arith.index_cast %mul3A_195 : i32 to index
      %get3A_401 = tpu.vector_load %arg6[%get3A_399, %get3A_400] {strides = array<i32>} : memref<32x1024xf32, #tpu.memory_space<vmem>>, vector<16xf32>,
      %mul3A_402 = vector.broadcast %squeeze3A_63 : f32 to vector<16xf32>
      %mul3A_403 = arith.mulf %get3A_401, %mul3A_402 : vector<16xf32>
      %add3A_404 = arith.addf %add3A_397, %mul3A_403 : vector<16xf32>
      %get3A_405 = arith.constant 30 : i32
      %get3A_406 = arith.index_cast %get3A_405 : i32 to index
      %get3A_407 = arith.index_cast %mul3A_195 : i32 to index
      %get3A_408 = tpu.vector_load %arg6[%get3A_406, %get3A_407] {strides = array<i32>} : memref<32x1024xf32, #tpu.memory_space<vmem>>, vector<16xf32>,
      %mul3A_409 = vector.broadcast %squeeze3A_65 : f32 to vector<16xf32>
      %mul3A_410 = arith.mulf %get3A_408, %mul3A_409 : vector<16xf32>
      %add3A_411 = arith.addf %add3A_404, %mul3A_410 : vector<16xf32>
      %get3A_412 = arith.constant 31 : i32
      %get3A_413 = arith.index_cast %get3A_412 : i32 to index
      %get3A_414 = arith.index_cast %mul3A_195 : i32 to index
      %get3A_415 = tpu.vector_load %arg6[%get3A_413, %get3A_414] {strides = array<i32>} : memref<32x1024xf32, #tpu.memory_space<vmem>>, vector<16xf32>,
      %mul3A_416 = vector.broadcast %squeeze3A_67 : f32 to vector<16xf32>
      %mul3A_417 = arith.mulf %get3A_415, %mul3A_416 : vector<16xf32>
      %add3A_418 = arith.addf %add3A_411, %mul3A_417 : vector<16xf32>
      %add3A_419 = arith.constant 7168 : i32
      %add3A_420 = arith.addi %add3A_419, %mul3A_195 : i32
      %swap3A = arith.index_cast %add3A_420 : i32 to index
      %swap3A_421 = tpu.vector_load %arg7[%swap3A] {strides = array<i32>} : memref<8192xf32, #tpu.memory_space<vmem>>, vector<16xf32>,
      tpu.vector_store %arg7[%swap3A], %add3A_418 {strides = array<i32>} : memref<8192xf32, #tpu.memory_space<vmem>>, vector<16xf32>,
    }
    %scan3A_192 = arith.constant 64 : i32
    "tpu.region"() ({
      %run_scoped3A = tpu.sem_alloc : memref<!tpu.dma_semaphore, #tpu.memory_space<semaphore_mem>>
      %dma_start3A_193 = tpu.memref_slice %arg4[%mul3A_2] : memref<262144xf32, #tpu.memory_space<hbm>> -> memref<8192xf32, #tpu.memory_space<hbm>>
      %dma_start3A_194 = tpu.memref_slice %arg4[%mul3A_2] : memref<262144xf32, #tpu.memory_space<hbm>> -> memref<8192xf32, #tpu.memory_space<hbm>>
      tpu.enqueue_dma source(%arg7 : memref<8192xf32, #tpu.memory_space<vmem>>) target(%dma_start3A_194 : memref<8192xf32, #tpu.memory_space<hbm>>) target_semaphore(%run_scoped3A : memref<!tpu.dma_semaphore, #tpu.memory_space<semaphore_mem>>)
      %dma_wait3A_195 = tpu.memref_slice %arg4[%mul3A_2] : memref<262144xf32, #tpu.memory_space<hbm>> -> memref<8192xf32, #tpu.memory_space<hbm>>
      %dma_wait3A_196 = tpu.memref_slice %arg4[%mul3A_2] : memref<262144xf32, #tpu.memory_space<hbm>> -> memref<8192xf32, #tpu.memory_space<hbm>>
      tpu.wait_dma2 semaphore(%run_scoped3A : memref<!tpu.dma_semaphore, #tpu.memory_space<semaphore_mem>>) src(%arg7 : memref<8192xf32, #tpu.memory_space<vmem>>) dst(%dma_wait3A_196 : memref<8192xf32, #tpu.memory_space<hbm>>)
      tpu.yield
    }) : () -> ()
    return
  }
}

#map = affine_map<(d0, d1) -> (0)>
module attributes {stable_mosaic.version = 14 : i64} {
  func.func @_sc_lookup(%arg0: i32, %arg1: i32, %arg2: memref<16384xi32, #tpu.memory_space<hbm>>, %arg3: memref<262144xf32, #tpu.memory_space<hbm>>, %arg4: memref<737856xf32, #tpu.memory_space<hbm>>, %arg5: memref<16384xf32, #tpu.memory_space<hbm>>, %arg6: memref<16384xf32, #tpu.memory_space<hbm>>, %arg7: memref<512xi32, #tpu.memory_space<vmem>>, %arg8: memref<512xi32, #tpu.memory_space<vmem>>, %arg9: memref<512xi32, #tpu.memory_space<vmem>>, %arg10: memref<512xf32, #tpu.memory_space<vmem>>, %arg11: memref<512xf32, #tpu.memory_space<vmem>>, %arg12: memref<512xf32, #tpu.memory_space<vmem>>, %arg13: memref<512xf32, #tpu.memory_space<vmem>>, %arg14: memref<!tpu.dma_semaphore, #tpu.memory_space<semaphore_mem>>, %arg15: memref<!tpu.dma_semaphore, #tpu.memory_space<semaphore_mem>>) attributes {dimension_semantics = [#tpu.dimension_semantics<core_parallel>, #tpu.dimension_semantics<subcore_parallel>], iteration_bounds = array<i64: 2, 16>, scalar_prefetch = 0 : i64, scratch_operands = 9 : i64, tpu.core_type = #tpu.core_type<sc_vector_subcore>, window_params = [{transform_indices = #map}, {transform_indices = #map}, {transform_indices = #map}, {transform_indices = #map}, {transform_indices = #map}]} {
    %mul3A = arith.constant 2 : i32
    %mul3A_0 = arith.muli %arg1, %mul3A : i32
    %add3A = arith.addi %mul3A_0, %arg0 : i32
    %mul3A_1 = arith.constant 512 : i32
    %mul3A_2 = arith.muli %add3A, %mul3A_1 : i32
    "tpu.region"() ({
      %run_scoped3A = tpu.sem_alloc : memref<!tpu.dma_semaphore, #tpu.memory_space<semaphore_mem>>
      %dma_start3A_20 = tpu.memref_slice %arg2[%mul3A_2] : memref<16384xi32, #tpu.memory_space<hbm>> -> memref<512xi32, #tpu.memory_space<hbm>>
      %dma_start3A_21 = tpu.memref_slice %arg2[%mul3A_2] : memref<16384xi32, #tpu.memory_space<hbm>> -> memref<512xi32, #tpu.memory_space<hbm>>
      tpu.enqueue_dma source(%dma_start3A_21 : memref<512xi32, #tpu.memory_space<hbm>>) target(%arg7 : memref<512xi32, #tpu.memory_space<vmem>>) target_semaphore(%run_scoped3A : memref<!tpu.dma_semaphore, #tpu.memory_space<semaphore_mem>>)
      %dma_wait3A_22 = tpu.memref_slice %arg2[%mul3A_2] : memref<16384xi32, #tpu.memory_space<hbm>> -> memref<512xi32, #tpu.memory_space<hbm>>
      %dma_wait3A_23 = tpu.memref_slice %arg2[%mul3A_2] : memref<16384xi32, #tpu.memory_space<hbm>> -> memref<512xi32, #tpu.memory_space<hbm>>
      tpu.wait_dma2 semaphore(%run_scoped3A : memref<!tpu.dma_semaphore, #tpu.memory_space<semaphore_mem>>) src(%dma_wait3A_23 : memref<512xi32, #tpu.memory_space<hbm>>) dst(%arg7 : memref<512xi32, #tpu.memory_space<vmem>>)
      tpu.yield
    }) : () -> ()
    %scan3A = arith.constant 0 : i32
    %scan3A_3 = arith.constant 0 : i32
    %scan3A_4 = arith.constant 32 : i32
    %scan3A_5 = arith.addi %scan3A_3, %scan3A_4 : i32
    %scan3A_6 = arith.constant 1 : i32
    scf.for %scan3A_20 = %scan3A_3 to %scan3A_5 step %scan3A_6  : i32 {
      %mul3A_21 = arith.constant 16 : i32
      %mul3A_22 = arith.muli %scan3A_20, %mul3A_21 : i32
      %get3A = arith.index_cast %mul3A_22 : i32 to index
      %get3A_23 = tpu.vector_load %arg7[%get3A] {strides = array<i32>} : memref<512xi32, #tpu.memory_space<vmem>>, vector<16xi32>,
      %lt3A = arith.constant 262144 : i32
      %lt3A_24 = vector.broadcast %lt3A : i32 to vector<16xi32>
      %lt3A_25 = arith.cmpi slt, %get3A_23, %lt3A_24 : vector<16xi32>
      %and3A = arith.constant 262143 : i32
      %and3A_26 = vector.broadcast %and3A : i32 to vector<16xi32>
      %and3A_27 = arith.andi %get3A_23, %and3A_26 : vector<16xi32>
      %select_n3A = arith.select %lt3A_25, %get3A_23, %and3A_27 : vector<16xi1>, vector<16xi32>
      %swap3A = arith.index_cast %mul3A_22 : i32 to index
      %swap3A_28 = tpu.vector_load %arg8[%swap3A] {strides = array<i32>} : memref<512xi32, #tpu.memory_space<vmem>>, vector<16xi32>,
      tpu.vector_store %arg8[%swap3A], %select_n3A {strides = array<i32>} : memref<512xi32, #tpu.memory_space<vmem>>, vector<16xi32>,
      %ge3A = arith.constant 262144 : i32
      %ge3A_29 = vector.broadcast %ge3A : i32 to vector<16xi32>
      %ge3A_30 = arith.cmpi sge, %get3A_23, %ge3A_29 : vector<16xi32>
      %sub3A = arith.constant 262144 : i32
      %sub3A_31 = vector.broadcast %sub3A : i32 to vector<16xi32>
      %sub3A_32 = arith.subi %get3A_23, %sub3A_31 : vector<16xi32>
      %and3A_33 = arith.constant 262143 : i32
      %and3A_34 = vector.broadcast %and3A_33 : i32 to vector<16xi32>
      %and3A_35 = arith.andi %get3A_23, %and3A_34 : vector<16xi32>
      %select_n3A_36 = arith.select %ge3A_30, %sub3A_32, %and3A_35 : vector<16xi1>, vector<16xi32>
      %swap3A_37 = arith.index_cast %mul3A_22 : i32 to index
      %swap3A_38 = tpu.vector_load %arg9[%swap3A_37] {strides = array<i32>} : memref<512xi32, #tpu.memory_space<vmem>>, vector<16xi32>,
      tpu.vector_store %arg9[%swap3A_37], %select_n3A_36 {strides = array<i32>} : memref<512xi32, #tpu.memory_space<vmem>>, vector<16xi32>,
    }
    %scan3A_7 = arith.constant 32 : i32
    %dma_start3A = arith.constant 0 : i32
    %dma_start3A_8 = tpu.memref_slice %arg3[%dma_start3A] : memref<262144xf32, #tpu.memory_space<hbm>> -> memref<262144xf32, #tpu.memory_space<hbm>>
    tpu.enqueue_indirect_dma source(%dma_start3A_8 : memref<262144xf32, #tpu.memory_space<hbm>>) target(%arg10 : memref<512xf32, #tpu.memory_space<vmem>>) offsets(%arg8 : memref<512xi32, #tpu.memory_space<vmem>>) semaphore(%arg14 : memref<!tpu.dma_semaphore, #tpu.memory_space<semaphore_mem>>)
    %dma_start3A_9 = arith.constant 0 : i32
    %dma_start3A_10 = tpu.memref_slice %arg4[%dma_start3A_9] : memref<737856xf32, #tpu.memory_space<hbm>> -> memref<737856xf32, #tpu.memory_space<hbm>>
    tpu.enqueue_indirect_dma source(%dma_start3A_10 : memref<737856xf32, #tpu.memory_space<hbm>>) target(%arg11 : memref<512xf32, #tpu.memory_space<vmem>>) offsets(%arg9 : memref<512xi32, #tpu.memory_space<vmem>>) semaphore(%arg15 : memref<!tpu.dma_semaphore, #tpu.memory_space<semaphore_mem>>)
    "tpu.region"() ({
      %run_scoped3A = tpu.sem_alloc : memref<!tpu.dma_semaphore, #tpu.memory_space<semaphore_mem>>
      %dma_start3A_20 = tpu.memref_slice %arg5[%mul3A_2] : memref<16384xf32, #tpu.memory_space<hbm>> -> memref<512xf32, #tpu.memory_space<hbm>>
      %dma_start3A_21 = tpu.memref_slice %arg5[%mul3A_2] : memref<16384xf32, #tpu.memory_space<hbm>> -> memref<512xf32, #tpu.memory_space<hbm>>
      tpu.enqueue_dma source(%dma_start3A_21 : memref<512xf32, #tpu.memory_space<hbm>>) target(%arg12 : memref<512xf32, #tpu.memory_space<vmem>>) target_semaphore(%run_scoped3A : memref<!tpu.dma_semaphore, #tpu.memory_space<semaphore_mem>>)
      %dma_wait3A_22 = tpu.memref_slice %arg5[%mul3A_2] : memref<16384xf32, #tpu.memory_space<hbm>> -> memref<512xf32, #tpu.memory_space<hbm>>
      %dma_wait3A_23 = tpu.memref_slice %arg5[%mul3A_2] : memref<16384xf32, #tpu.memory_space<hbm>> -> memref<512xf32, #tpu.memory_space<hbm>>
      tpu.wait_dma2 semaphore(%run_scoped3A : memref<!tpu.dma_semaphore, #tpu.memory_space<semaphore_mem>>) src(%dma_wait3A_23 : memref<512xf32, #tpu.memory_space<hbm>>) dst(%arg12 : memref<512xf32, #tpu.memory_space<vmem>>)
      tpu.yield
    }) : () -> ()
    %dma_wait3A = arith.constant 0 : i32
    %dma_wait3A_11 = tpu.memref_slice %arg3[%dma_wait3A] : memref<262144xf32, #tpu.memory_space<hbm>> -> memref<262144xf32, #tpu.memory_space<hbm>>
    tpu.wait_indirect_dma semaphore(%arg14 : memref<!tpu.dma_semaphore, #tpu.memory_space<semaphore_mem>>) src(%dma_wait3A_11 : memref<262144xf32, #tpu.memory_space<hbm>>) dst(%arg10 : memref<512xf32, #tpu.memory_space<vmem>>)
    %dma_wait3A_12 = arith.constant 0 : i32
    %dma_wait3A_13 = tpu.memref_slice %arg4[%dma_wait3A_12] : memref<737856xf32, #tpu.memory_space<hbm>> -> memref<737856xf32, #tpu.memory_space<hbm>>
    tpu.wait_indirect_dma semaphore(%arg15 : memref<!tpu.dma_semaphore, #tpu.memory_space<semaphore_mem>>) src(%dma_wait3A_13 : memref<737856xf32, #tpu.memory_space<hbm>>) dst(%arg11 : memref<512xf32, #tpu.memory_space<vmem>>)
    %scan3A_14 = arith.constant 0 : i32
    %scan3A_15 = arith.constant 0 : i32
    %scan3A_16 = arith.constant 32 : i32
    %scan3A_17 = arith.addi %scan3A_15, %scan3A_16 : i32
    %scan3A_18 = arith.constant 1 : i32
    scf.for %scan3A_20 = %scan3A_15 to %scan3A_17 step %scan3A_18  : i32 {
      %mul3A_21 = arith.constant 16 : i32
      %mul3A_22 = arith.muli %scan3A_20, %mul3A_21 : i32
      %get3A = arith.index_cast %mul3A_22 : i32 to index
      %get3A_23 = tpu.vector_load %arg7[%get3A] {strides = array<i32>} : memref<512xi32, #tpu.memory_space<vmem>>, vector<16xi32>,
      %lt3A = arith.constant 262144 : i32
      %lt3A_24 = vector.broadcast %lt3A : i32 to vector<16xi32>
      %lt3A_25 = arith.cmpi slt, %get3A_23, %lt3A_24 : vector<16xi32>
      %get3A_26 = arith.index_cast %mul3A_22 : i32 to index
      %get3A_27 = tpu.vector_load %arg10[%get3A_26] {strides = array<i32>} : memref<512xf32, #tpu.memory_space<vmem>>, vector<16xf32>,
      %get3A_28 = arith.index_cast %mul3A_22 : i32 to index
      %get3A_29 = tpu.vector_load %arg11[%get3A_28] {strides = array<i32>} : memref<512xf32, #tpu.memory_space<vmem>>, vector<16xf32>,
      %select_n3A = arith.select %lt3A_25, %get3A_27, %get3A_29 : vector<16xi1>, vector<16xf32>
      %get3A_30 = arith.index_cast %mul3A_22 : i32 to index
      %get3A_31 = tpu.vector_load %arg12[%get3A_30] {strides = array<i32>} : memref<512xf32, #tpu.memory_space<vmem>>, vector<16xf32>,
      %add3A_32 = arith.addf %select_n3A, %get3A_31 : vector<16xf32>
      %swap3A = arith.index_cast %mul3A_22 : i32 to index
      %swap3A_33 = tpu.vector_load %arg13[%swap3A] {strides = array<i32>} : memref<512xf32, #tpu.memory_space<vmem>>, vector<16xf32>,
      tpu.vector_store %arg13[%swap3A], %add3A_32 {strides = array<i32>} : memref<512xf32, #tpu.memory_space<vmem>>, vector<16xf32>,
    }
    %scan3A_19 = arith.constant 32 : i32
    "tpu.region"() ({
      %run_scoped3A = tpu.sem_alloc : memref<!tpu.dma_semaphore, #tpu.memory_space<semaphore_mem>>
      %dma_start3A_20 = tpu.memref_slice %arg6[%mul3A_2] : memref<16384xf32, #tpu.memory_space<hbm>> -> memref<512xf32, #tpu.memory_space<hbm>>
      %dma_start3A_21 = tpu.memref_slice %arg6[%mul3A_2] : memref<16384xf32, #tpu.memory_space<hbm>> -> memref<512xf32, #tpu.memory_space<hbm>>
      tpu.enqueue_dma source(%arg13 : memref<512xf32, #tpu.memory_space<vmem>>) target(%dma_start3A_21 : memref<512xf32, #tpu.memory_space<hbm>>) target_semaphore(%run_scoped3A : memref<!tpu.dma_semaphore, #tpu.memory_space<semaphore_mem>>)
      %dma_wait3A_22 = tpu.memref_slice %arg6[%mul3A_2] : memref<16384xf32, #tpu.memory_space<hbm>> -> memref<512xf32, #tpu.memory_space<hbm>>
      %dma_wait3A_23 = tpu.memref_slice %arg6[%mul3A_2] : memref<16384xf32, #tpu.memory_space<hbm>> -> memref<512xf32, #tpu.memory_space<hbm>>
      tpu.wait_dma2 semaphore(%run_scoped3A : memref<!tpu.dma_semaphore, #tpu.memory_space<semaphore_mem>>) src(%arg13 : memref<512xf32, #tpu.memory_space<vmem>>) dst(%dma_wait3A_23 : memref<512xf32, #tpu.memory_space<hbm>>)
      tpu.yield
    }) : () -> ()
    return
  }
}

module attributes {stable_mosaic.version = 14 : i64} {
  func.func @_dense_body(%arg0: i32, %arg1: memref<32x65536xf32, #tpu.memory_space<vmem>>, %arg2: memref<32x1xf32, #tpu.memory_space<vmem>>, %arg3: memref<2048x13xf32, #tpu.memory_space<vmem>>, %arg4: memref<14x1xf32, #tpu.memory_space<vmem>>, %arg5: memref<65536xf32, #tpu.memory_space<vmem>>, %arg6: memref<2048xf32, #tpu.memory_space<vmem>>) attributes {dimension_semantics = [#tpu.dimension_semantics<arbitrary>], iteration_bounds = array<i64: 12>, scalar_prefetch = 0 : i64, scratch_operands = 0 : i64, tpu.core_type = #tpu.core_type<tc>, window_params = [{transform_indices = @transform_0, window_bounds = array<i64: 32, 65536>}, {pipeline_mode = #tpu.pipeline_mode<synchronous>, transform_indices = @transform_1, window_bounds = array<i64: 32, 1>}, {transform_indices = @transform_2, window_bounds = array<i64: 2048, 13>}, {pipeline_mode = #tpu.pipeline_mode<synchronous>, transform_indices = @transform_3, window_bounds = array<i64: 14, 1>}, {transform_indices = @transform_4, window_bounds = array<i64: 65536>}, {transform_indices = @transform_5, window_bounds = array<i64: 2048>}]} {
    %get3A = arith.constant 0 : index
    %get3A_0 = arith.constant 0 : index
    %get3A_1 = vector.load %arg2[%get3A, %get3A_0] : memref<32x1xf32, #tpu.memory_space<vmem>>, vector<32x1xf32>
    %get3A_2 = arith.constant 0 : index
    %get3A_3 = arith.constant 0 : index
    %get3A_4 = vector.load %arg1[%get3A_2, %get3A_3] : memref<32x65536xf32, #tpu.memory_space<vmem>>, vector<32x65536xf32>
    %dot_general3A = arith.constant dense<0.000000e+00> : vector<1x65536xf32>
    %dot_general3A_5 = tpu.matmul %get3A_1, %get3A_4, %dot_general3A {dimension_numbers = #tpu.dot_dimension_numbers<[0], [0], [1], [1], [0, 1, 1, 1], [], []>, transpose_lhs_hint = false} : vector<32x1xf32>, vector<32x65536xf32>, vector<1x65536xf32> -> vector<1x65536xf32>
    %squeeze3A = vector.shape_cast %dot_general3A_5 : vector<1x65536xf32> to vector<65536xf32>
    %swap3A = arith.constant 0 : index
    %swap3A_6 = vector.load %arg5[%swap3A] : memref<65536xf32, #tpu.memory_space<vmem>>, vector<65536xf32>
    tpu.vector_store %arg5[%swap3A], %squeeze3A {strides = array<i32>} : memref<65536xf32, #tpu.memory_space<vmem>>, vector<65536xf32>,
    %lt3A = arith.constant 8 : i32
    %lt3A_7 = arith.cmpi slt, %arg0, %lt3A : i32
    %convert_element_type3A = arith.extui %lt3A_7 : i1 to i32
    %cond3A = arith.constant 0 : i32
    %cond3A_8 = arith.cmpi ne, %convert_element_type3A, %cond3A : i32
    scf.if %cond3A_8 {
      %get3A_9 = arith.constant 0 : index
      %get3A_10 = arith.constant 0 : index
      %get3A_11 = vector.load %arg3[%get3A_9, %get3A_10] : memref<2048x13xf32, #tpu.memory_space<vmem>>, vector<2048x13xf32>
      %get3A_12 = arith.constant 0 : index
      %get3A_13 = arith.constant 0 : index
      %get3A_14 = vector.load %arg4[%get3A_12, %get3A_13] : memref<14x1xf32, #tpu.memory_space<vmem>>, vector<13x1xf32>
      %dot_general3A_15 = arith.constant dense<0.000000e+00> : vector<2048x1xf32>
      %dot_general3A_16 = tpu.matmul %get3A_11, %get3A_14, %dot_general3A_15 {dimension_numbers = #tpu.dot_dimension_numbers<[1], [0], [0], [1], [0, 0, 1, 1], [], []>, transpose_lhs_hint = false} : vector<2048x13xf32>, vector<13x1xf32>, vector<2048x1xf32> -> vector<2048x1xf32>
      %squeeze3A_17 = vector.shape_cast %dot_general3A_16 : vector<2048x1xf32> to vector<2048xf32>
      %get3A_18 = arith.constant 13 : index
      %get3A_19 = arith.constant 0 : index
      %get3A_20 = vector.load %arg4[%get3A_18, %get3A_19] : memref<14x1xf32, #tpu.memory_space<vmem>>, vector<1x1xf32>
      %get3A_21 = vector.extract %get3A_20[0, 0] : f32 from vector<1x1xf32>
      %add3A = vector.broadcast %get3A_21 : f32 to vector<2048xf32>
      %add3A_22 = arith.addf %squeeze3A_17, %add3A : vector<2048xf32>
      %swap3A_23 = arith.constant 0 : index
      %swap3A_24 = vector.load %arg6[%swap3A_23] : memref<2048xf32, #tpu.memory_space<vmem>>, vector<2048xf32>
      tpu.vector_store %arg6[%swap3A_23], %add3A_22 {strides = array<i32>} : memref<2048xf32, #tpu.memory_space<vmem>>, vector<2048xf32>,
    } else {
    }
    return
  }
  func.func @transform_0(%arg0: i32) -> (i32, i32) {
    %add3A = arith.constant 4 : i32
    %add3A_0 = arith.addi %arg0, %add3A : i32
    %c0_i32 = arith.constant 0 : i32
    %c0_i32_1 = arith.constant 0 : i32
    return %c0_i32, %add3A_0 : i32, i32
  }
  func.func @transform_1(%arg0: i32) -> (i32, i32) {
    %c0_i32 = arith.constant 0 : i32
    %c0_i32_0 = arith.constant 0 : i32
    %c0_i32_1 = arith.constant 0 : i32
    return %c0_i32, %c0_i32_0 : i32, i32
  }
  func.func @transform_2(%arg0: i32) -> (i32, i32) {
    %min3A = arith.constant 7 : i32
    %min3A_0 = arith.minsi %arg0, %min3A : i32
    %c0_i32 = arith.constant 0 : i32
    %c0_i32_1 = arith.constant 0 : i32
    return %min3A_0, %c0_i32 : i32, i32
  }
  func.func @transform_3(%arg0: i32) -> (i32, i32) {
    %c0_i32 = arith.constant 0 : i32
    %c0_i32_0 = arith.constant 0 : i32
    %c0_i32_1 = arith.constant 0 : i32
    return %c0_i32, %c0_i32_0 : i32, i32
  }
  func.func @transform_4(%arg0: i32) -> i32 {
    %c0_i32 = arith.constant 0 : i32
    return %arg0 : i32
  }
  func.func @transform_5(%arg0: i32) -> i32 {
    %min3A = arith.constant 7 : i32
    %min3A_0 = arith.minsi %arg0, %min3A : i32
    %c0_i32 = arith.constant 0 : i32
    return %min3A_0 : i32
  }
}

</mosaic_0001>

<sc_bundles>
// kernel: kernel.5.cloned.1.call-start
scs
__scs_entry_jumppad:
0x0: {  	(pc) =	sbr.rel $0x88, $3  }
0x1: {  	(tag) =	ssettag $0x0;
	lr =	simm.s32 $0x1  }
0x2: {  	[smem:$0x3F9C] =	sst lr;
	_ =	strace $0xD0000000  }
0x3: {  	_ = 	snop  }
0x4: {  	_ = 	snop  }
0x5: {  	_ = 	snop  }
0x6: {  	_ = 	snop  }
0x7: {  	_ = 	snop  }
__scs_overlays_trampoline_lowered:
0x8: {  	[smem:$0x3FAB] =	sst s0  }
0x9: {  	[smem:$0x3FAC] =	sst s1  }
0xa: {  	[smem:$0x3FAD] =	sst s2  }
0xb: {  	[smem:$0x3FAE] =	sst s3  }
0xc: {  	[smem:$0x3FAF] =	sst s4  }
0xd: {  	[smem:$0x3FB0] =	sst s5  }
0xe: {  	[smem:$0x3FB1] =	sst s6  }
0xf: {  	[smem:$0x3FB2] =	sst s7  }
0x10: {  	[smem:$0x3FB3] =	sst s8  }
0x11: {  	[smem:$0x3FB4] =	sst s9;
	s0 =	simm.s32 @!p0 $0x0  }
0x12: {  	s1 =	sld [smem:$0x3F9A];
	s0 =	simm.s32 @p0 $0x1  }
0x13: {  	[smem:$0x3FB5] =	sst s0;
	s0 =	simm.s32 @!p1 $0x0  }
0x14: {  	s2 =	sld [smem:$0x3F99];
	s0 =	simm.s32 @p1 $0x1  }
0x15: {  	[smem:$0x3FB6] =	sst s0;
	s0 =	simm.s32 @!p2 $0x0  }
0x16: {  	s3 =	sld [smem:$0x3FDB];
	s0 =	simm.s32 @p2 $0x1  }
0x17: {  	s4 =	simm.s32 $0x1BF5;
	[smem:$0x3FB8] =	sst s0  }
0x18: {  	s0 =	sld [smem:$0x3F9B];
	_ =	swait.ge [sflag:s4], $0x0  }
0x19: {  	s7 =	sld [smem:$0x3F9C]  }
0x1a: {  	s8 =	sadd.s32 $0xFFFFE003, lr  }
0x1b: {  	s9 =	sadd.s32 $0xFFFFFEF7, lr;
	s5 =	simm.s32 $0xFFFFFFFF;
	p2 =	slt.u32 s8, $0xFFFFF086  }
0x1c: {  	p1 =	slt.u32 s9, $0xF7A;
	s5 =	simm.s32 @!p2 $0x0  }
0x1d: {  	s5 =	simm.s32 @p1 $0x1;
	p0 =	seq.s32 s7, s2  }
0x1e: {  	s7 =	smul.u32 @!p0 $0xF7A, s2;
	p2 =	seq.s32 @!p0 s5, $0x0  }
0x1f: {  	s9 =	smul.u32 $0xF7A, s1;
	s8 =	simm.s32 @!p0 $0x1BF5;
	p2 =	por !p2, p0  }
0x20: {  	[sflag:s8] =	ssyncset.s32 @!p0 $0xFFFFF086;
	s6 =	sadd.s32 @!p0 s3, s7;
	s7 =	simm.s32 @!p0 $0x108  }
0x21: {  	s3 =	sadd.s32 s3, s9;
	s6 =	sadd.s32 @!p0 $0x88, s6;
	s7 =	simm.s32 @p2 $0x1082  }
0x22: {  	[simem:s7], [sflag:s8] =	dma.local @!p0 [hbm:s6], $0xF7A  }
0x23: {  	s9 =	sor.u32 $0xD0000000, s2;
	s6 =	simm.s32 $0x108;
	_ =	swait.ge @!p0 [sflag:s8], $0x0  }
0x24: {  	s3 =	sadd.s32 $0x88, s3;
	s6 =	simm.s32 @!p1 $0x1082;
	[sflag:s4] =	ssyncset.s32 $0xFFFFF086  }
0x25: {  	[simem:s6], [sflag:s4] =	dma.local [hbm:s3], $0xF7A  }
0x26: {  	[smem:$0x3F9C] =	sst s1;
	(tag) =	ssettag s2;
	_ =	strace s9  }
0x27: {  	s1 =	sld [smem:$0x3FAC]  }
0x28: {  	s2 =	sld [smem:$0x3FAD]  }
0x29: {  	s4 =	sld [smem:$0x3FAF]  }
0x2a: {  	p0 =	seq.s32 s5, $0x0;
	s5 =	sld [smem:$0x3FB0]  }
0x2b: {  	s6 =	sld [smem:$0x3FB1]  }
0x2c: {  	s7 =	sld [smem:$0x3FB2]  }
0x2d: {  	s3 =	simm.s32 $0x108;
	s8 =	sld [smem:$0x3FB3]  }
0x2e: {  	s3 =	simm.s32 @!p0 $0x1082;
	s9 =	sld [smem:$0x3FB4]  }
0x2f: {  	lr =	sadd.s32 s0, s3;
	s0 =	sld [smem:$0x3FAB]  }
0x30: {  	s3 =	sld [smem:$0x3FAE]  }
0x31: {  	[smem:$0x3FB7] =	sst s10  }
0x32: {  	s10 =	sld [smem:$0x3FB5];
	_ =	sdelay $0x3  }
0x33: {  	p0 =	seq.s32 s10, $0x1;
	s10 =	sld [smem:$0x3FB7];
	_ =	sdelay $0x3  }
0x34: {  	[smem:$0x3FB7] =	sst s10  }
0x35: {  	s10 =	sld [smem:$0x3FB6];
	_ =	sdelay $0x3  }
0x36: {  	p1 =	seq.s32 s10, $0x1;
	s10 =	sld [smem:$0x3FB7];
	_ =	sdelay $0x3  }
0x37: {  	[smem:$0x3FB7] =	sst s10  }
0x38: {  	s10 =	sld [smem:$0x3FB8]  }
0x39: {  	_ = 	snop;
	(pc) =	sbr.ind lr, $3  }
0x3a: {  	_ = 	snop  }
0x3b: {  	_ = 	snop  }
0x3c: {  	p2 =	seq.s32 s10, $0x1;
	s10 =	sld [smem:$0x3FB7]  }
0x3d: {  	_ =	shalt  }
0x3e: {  	_ =	shalt  }
0x3f: {  	_ =	shalt  }
0x40: {  	_ =	shalt  }
0x41: {  	_ =	shalt  }
0x42: {  	_ =	shalt  }
0x43: {  	_ =	shalt  }
0x44: {  	_ =	shalt  }
0x45: {  	_ =	shalt  }
0x46: {  	_ =	shalt  }
0x47: {  	_ =	shalt  }
0x48: {  	_ =	shalt  }
0x49: {  	_ =	shalt  }
0x4a: {  	_ =	shalt  }
0x4b: {  	_ =	shalt  }
0x4c: {  	_ =	shalt  }
0x4d: {  	_ =	shalt  }
0x4e: {  	_ =	shalt  }
0x4f: {  	_ =	shalt  }
0x50: {  	_ =	shalt  }
0x51: {  	_ =	shalt  }
0x52: {  	_ =	shalt  }
0x53: {  	_ =	shalt  }
0x54: {  	_ =	shalt  }
0x55: {  	_ =	shalt  }
0x56: {  	_ =	shalt  }
0x57: {  	_ =	shalt  }
0x58: {  	_ =	shalt  }
0x59: {  	_ =	shalt  }
0x5a: {  	_ =	shalt  }
0x5b: {  	_ =	shalt  }
0x5c: {  	_ =	shalt  }
0x5d: {  	_ =	shalt  }
0x5e: {  	_ =	shalt  }
0x5f: {  	_ =	shalt  }
0x60: {  	_ =	shalt  }
0x61: {  	_ =	shalt  }
0x62: {  	_ =	shalt  }
0x63: {  	_ =	shalt  }
0x64: {  	_ =	shalt  }
0x65: {  	_ =	shalt  }
0x66: {  	_ =	shalt  }
0x67: {  	_ =	shalt  }
0x68: {  	_ =	shalt  }
0x69: {  	_ =	shalt  }
0x6a: {  	_ =	shalt  }
0x6b: {  	_ =	shalt  }
0x6c: {  	_ =	shalt  }
0x6d: {  	_ =	shalt  }
0x6e: {  	_ =	shalt  }
0x6f: {  	_ =	shalt  }
0x70: {  	_ =	shalt  }
0x71: {  	_ =	shalt  }
0x72: {  	_ =	shalt  }
0x73: {  	_ =	shalt  }
0x74: {  	_ =	shalt  }
0x75: {  	_ =	shalt  }
0x76: {  	_ =	shalt  }
0x77: {  	_ =	shalt  }
0x78: {  	_ =	shalt  }
0x79: {  	_ =	shalt  }
0x7a: {  	_ =	shalt  }
0x7b: {  	_ =	shalt  }
0x7c: {  	_ =	shalt  }
0x7d: {  	_ =	shalt  }
0x7e: {  	_ =	shalt  }
0x7f: {  	_ =	shalt  }
0x80: {  	_ =	shalt  }
0x81: {  	_ =	shalt  }
0x82: {  	_ =	shalt  }
0x83: {  	_ =	shalt  }
0x84: {  	_ =	shalt  }
0x85: {  	_ =	shalt  }
0x86: {  	_ =	shalt  }
0x87: {  	_ =	shalt  }
.Lfunc_end0:
.L_simem_size_0:
called_computation_lowered:
.L_overlay_start_0:
0x88: {  	s2 =	sld [smem:$0x3FD9]  }
0x89: {  	s3 =	sld [smem:$0x3FFE];
	_ =	sdelay $0x1  }
0x8a: {  	s1 =	srdreg.scid  }
0x8b: {  	s0 =	sand.u32 $0x1, s1  }
0x8c: {  	s17 =	sshll.u32 s0, $0xA;
	s2 =	sadd.s32 s3, s2  }
0x8d: {  	s2 =	sadd.s32 s2, s17  }
0x8e: {  	[smem:$0x3FC3] =	sst s2  }
0x8f: {  	_ = 	snop  }
0x90: {  	s2 =	sld [smem:$0x3FC7]  }
0x91: {  	s18 =	sld [smem:$0x3FD0];
	(tm) =	ssettm $0x1  }
0x92: {  	s4 =	sld [smem:$0x3FFB];
	_ =	sdelay $0x3  }
0x93: {  	_ =	strace s4  }
0x94: {  	s4 =	sld [smem:$0x3FFC];
	_ =	sdelay $0x3  }
0x95: {  	_ =	strace s4  }
0x96: {  	s4 =	sld [smem:$0x3FFD];
	_ =	sdelay $0x3  }
0x97: {  	_ =	strace s4  }
0x98: {  	_ =	strace $0x8FFFFFFF  }
0x99: {  	s19 =	sld [smem:$0x3FDB];
	_ =	sdelay $0x1  }
0x9a: {  	s5 =	simm.s32 $_scs_section_size  }
0x9b: {  	s6 =	simm.s32 $_size__tile_overlayer_lowered;
	s7 =	simm.s32 $_tile_overlayer_lowered  }
0x9c: {  	s22 =	simm.s32 $0x1BFF;
	s21 =	sshll.u32 s7, $0x1;
	s4 =	sadd.s32 s5, s19  }
0x9d: {  	s8 =	simm.s32 $0x0;
	s20 =	sshll.u32 s6, $0x1;
	s6 =	sadd.s32 s21, s4  }
0x9e: {  	[timem:s8], [sflag:s22] =	dma.local [hbm:s6], s20  }
0x9f: {  	_ =	swait.ge [sflag:s22], s20  }
0xa0: {  	s5 =	ssub.s32 $0x0, s20;
	[sflag:s22] =	ssyncset.done $0x0  }
0xa1: {  	[sflag:s22] =	ssyncadd.s32 s5;
	_ =	sdelay $0x1  }
0xa2: {  	s23 =	simm.s32 $0x1B8B  }
0xa3: {  	_ =	swait.ge [sflag:s23], $0x1  }
0xa4: {  	[sflag:s23] =	ssyncset.done $0x0  }
0xa5: {  	s25 =	simm.s32 $0x1B8E;
	s24 =	sld [smem:$0x3FFE];
	[sflag:s23] =	ssyncadd.s32 $0xFFFFFFFF  }
0xa6: {  	s26 =	simm.s32 $execute0_lowered;
	[smem:$0x3FD2] =	sst s25  }
0xa7: {  	s6 =	sshll.u32 s26, $0x1;
	_ =	strace $0x80000046;
	[dreg:$0x1] =	wrdreg $0xFFFFFFFF  }
0xa8: {  	s28 =	simm.s32 $_size_execute0_lowered;
	s4 =	sadd.s32 s4, s6;
	[dreg:$0x0] =	wrdreg $0x0  }
0xa9: {  	s6 =	sshll.u32 s28, $0x1;
	[dreg:$0x2] =	wrdreg s4  }
0xaa: {  	[dreg:$0x3] =	wrdreg s6  }
0xab: {  	[dreg:$0x4] =	wrdreg $0xC0  }
0xac: {  	_ =	task [dreg:s8], $0x5FFFF  }
0xad: {  	[dreg:$0x1] =	wrdreg $0xFFFFFFFF  }
0xae: {  	[dreg:$0x0] =	wrdreg $0x60  }
0xaf: {  	[dreg:$0x2] =	wrdreg s2  }
0xb0: {  	[dreg:$0x3] =	wrdreg s18  }
0xb1: {  	[dreg:$0x4] =	wrdreg s24  }
0xb2: {  	[dreg:$0x5] =	wrdreg $0x9  }
0xb3: {  	_ =	task.clear_ibuf [dreg:s8], $0x6FFFF;
	_ =	strace $0x90000046  }
0xb4: {  	s29 =	simm.s32 $0x9;
	_ =	strace $0x80000048  }
0xb5: {  	_ =	swait.ge [sflag:s29], $0x1  }
0xb6: {  	[sflag:s29] =	ssyncadd.s32 $0xFFFFFFFF  }
0xb7: {  	_ =	strace $0x90000048  }
0xb8: {  	_ =	sfence  }
0xb9: {  	s30 =	sld [smem:$0x0];
	_ =	sdelay $0x2  }
0xba: {  	s31 =	sshll.u32 s1, $0xD;
	s1 =	sshrl.u32 s1, $0x2  }
0xbb: {  	s3 =	sand.u32 $0x4000, s31;
	s1 =	sadd.s32 s1, s30  }
0xbc: {  	s0 =	sor.u32 s3, s0;
	s1 =	sshll.u32 s1, $0x11  }
0xbd: {  	s0 =	sor.u32 s1, s0  }
0xbe: {  	s0 =	sadd.s32 $0x8F2B, s0  }
0xbf: {  	[sflag:s0] =	ssyncadd.remote.s32 $0x1  }
0xc0: {  	_ =	sfence.sel $0xFFFF  }
0xc1: {  	[dreg:$0x0] =	wrdreg $0xFFFFFFFF;
	(pc) =	sbr.abs _section_cstart, $3  }
0xc2: {  	[dreg:$0x1] =	wrdreg $0xFFFFFFFF  }
0xc3: {  	_ =	task.clear_ibuf [dreg:s8], $0x2FFFF;
	_ =	strace $0x9FFFFFFF  }
0xc4: {  	(tm) =	ssettm $0x7FFFFFFF  }
0xc5: {  	_ =	shalt  }
tec
execute0_lowered:
.L_overlay_start_1:
0x0: {  	(tag) =	ssettag $0x1  }
0x1: {  	s4 =	rddreg [dreg:$0x0]  }
0x2: {  	s2 =	rddreg [dreg:$0x1]  }
0x3: {  	s5 =	rddreg [dreg:$0x2];
	s3 =	srdreg.scid  }
0x4: {  	s0 =	rddreg [dreg:$0x3];
	s1 =	stileid.u32;
	s14 =	simm.s32 $0x12000  }
0x5: {  	s15 =	simm.s32 $0x3;
	s16 =	simm.s32 $0x2000;
	s17 =	simm.s32 $0x7A1400  }
0x6: {  	s18 =	simm.s32 $0x1;
	s19 =	simm.s32 $0x8000;
	s20 =	simm.s32 $0x2  }
0x7: {  	s21 =	simm.s32 $0x10000;
	s22 =	simm.s32 $0x0;
	s6 =	sand.u32 $0x1, s3  }
0x8: {  	s3 =	simm.s32 $0x0;
	s7 =	sshll.u32 s1, $0xE;
	s8 =	sshll.u32 s6, $0xD  }
0x9: {  	[smem:$0x7FF] =	sst s3;
	s6 =	ssub.s32 $0x2, s6;
	s7 =	sor.u32 s8, s7  }
0xa: {  	_ =	strace $0x80000047;
	s9 =	sshrl.u32 s6, $0x1;
	s8 =	sshrl.u32 s7, $0x3  }
0xb: {  	s13 =	ssub.s32 s6, s9;
	s4 =	sadd.s32 s4, s7;
	s12 =	sadd.s32 s8, s5  }
0xc: {  	s5 =	sadd.s32 $0x400, s4;
	s6 =	sadd.s32 $0x800, s4;
	s7 =	sadd.s32 $0xC00, s4  }
0xd: {  	s8 =	sadd.s32 $0x1000, s4;
	s9 =	sadd.s32 $0x1400, s4;
	s10 =	sadd.s32 $0x1800, s4  }
0xe: {  	s11 =	sadd.s32 $0x1C00, s4;
	s13 =	smax.u32 s13, $0x1;
	s12 =	sadd.s32 $0x1400, s12  }
.LBB2_1:
0xf: {  	[tilespmem:s14], [sflag:$0x3] =	stream.linear.gather [hbm4b:s2+s3], $0x80, $0x38;
	[tilespmem:$0x12080] =	vst v63  }
0x10: {  	_ =	swait.ge [sflag:s15], $0x80  }
0x11: {  	[sflag:s15] =	ssyncset.done $0x0  }
0x12: {  	[sflag:s15] =	ssyncadd.s32 $0xFFFFFF80  }
0x13: {  	v15 =	vld [tilespmem:$0x12000]  }
0x14: {  	v31 =	vld [tilespmem:$0x12010];
	[tilespmem:s3], [sflag:$0x1] =	stream.strided.gather [hbm4b:s4+s16], $0x8000, s17, s16, $0x38  }
0x15: {  	_ =	swait.ge [sflag:s18], $0x8000  }
0x16: {  	s23 =	sand.u32 $0x70, s3;
	s24 =	sand.u32 $0x1C00, s3;
	[sflag:s18] =	ssyncset.done $0x0  }
0x17: {  	s23 =	sor.u32 s23, s24;
	[sflag:s18] =	ssyncadd.s32 $0xFFFF8000  }
0x18: {  	[tilespmem:s19], [sflag:$0x2] =	stream.strided.gather [hbm4b:s5+s16], $0x8000, s17, s16, $0x38;
	[tilespmem:$0x12080] =	vst v63  }
0x19: {  	v3 =	vld [tilespmem:s23+$0x0]  }
0x1a: {  	v4 =	vld [tilespmem:s23+$0x80];
	_ =	sdelay $0x1  }
0x1b: {  	v5 =	vld [tilespmem:s23+$0x100]  }
0x1c: {  	v1 =	vbroadcast v15, $0x0;
	v2 =	vbroadcast v15, $0x1  }
0x1d: {  	v0 =	vbroadcast v15, $0x2;
	v6 =	vld [tilespmem:s23+$0x180]  }
0x1e: {  	v7 =	vmul.f32 v3, v1;
	v4 =	vmul.f32 v4, v2  }
0x1f: {  	v8 =	vld [tilespmem:s23+$0x200]  }
0x20: {  	v3 =	vbroadcast v15, $0x3;
	v5 =	vmul.f32 v5, v0;
	v7 =	vadd.f32 v4, v7  }
0x21: {  	v9 =	vld [tilespmem:s23+$0x280]  }
0x22: {  	v4 =	vbroadcast v15, $0x4;
	v6 =	vmul.f32 v6, v3;
	v7 =	vadd.f32 v5, v7  }
0x23: {  	v10 =	vld [tilespmem:s23+$0x300]  }
0x24: {  	v5 =	vbroadcast v15, $0x5;
	v8 =	vmul.f32 v8, v4;
	v7 =	vadd.f32 v6, v7  }
0x25: {  	v11 =	vld [tilespmem:s23+$0x380]  }
0x26: {  	v6 =	vbroadcast v15, $0x6;
	v9 =	vmul.f32 v9, v5;
	v8 =	vadd.f32 v8, v7  }
0x27: {  	v12 =	vld [tilespmem:s23+$0x2000]  }
0x28: {  	v7 =	vbroadcast v15, $0x7;
	v10 =	vmul.f32 v10, v6;
	v9 =	vadd.f32 v9, v8  }
0x29: {  	v13 =	vld [tilespmem:s23+$0x2080]  }
0x2a: {  	v8 =	vbroadcast v15, $0x8;
	v11 =	vmul.f32 v11, v7;
	v10 =	vadd.f32 v10, v9  }
0x2b: {  	v14 =	vld [tilespmem:s23+$0x2100]  }
0x2c: {  	v9 =	vbroadcast v15, $0x9;
	v12 =	vmul.f32 v12, v8;
	v11 =	vadd.f32 v11, v10  }
0x2d: {  	v16 =	vld [tilespmem:s23+$0x2180]  }
0x2e: {  	v10 =	vbroadcast v15, $0xA;
	v13 =	vmul.f32 v13, v9;
	v12 =	vadd.f32 v12, v11  }
0x2f: {  	v17 =	vld [tilespmem:s23+$0x2200]  }
0x30: {  	v11 =	vbroadcast v15, $0xB;
	v14 =	vmul.f32 v14, v10;
	v13 =	vadd.f32 v13, v12  }
0x31: {  	v18 =	vld [tilespmem:s23+$0x2280]  }
0x32: {  	v12 =	vbroadcast v15, $0xC;
	v16 =	vmul.f32 v16, v11;
	v14 =	vadd.f32 v14, v13  }
0x33: {  	v19 =	vld [tilespmem:s23+$0x2300]  }
0x34: {  	v13 =	vbroadcast v15, $0xD;
	v17 =	vmul.f32 v17, v12;
	v16 =	vadd.f32 v16, v14  }
0x35: {  	v20 =	vld [tilespmem:s23+$0x2380]  }
0x36: {  	v14 =	vbroadcast v15, $0xE;
	v16 =	vadd.f32 v17, v16;
	v17 =	vmul.f32 v18, v13  }
0x37: {  	v18 =	vld [tilespmem:s23+$0x4000]  }
0x38: {  	v15 =	vbroadcast v15, $0xF;
	v19 =	vmul.f32 v19, v14;
	v17 =	vadd.f32 v17, v16  }
0x39: {  	v21 =	vld [tilespmem:s23+$0x4080]  }
0x3a: {  	v20 =	vmul.f32 v20, v15;
	v16 =	vbroadcast v31, $0x0;
	v19 =	vadd.f32 v19, v17  }
0x3b: {  	v22 =	vld [tilespmem:s23+$0x4100]  }
0x3c: {  	v17 =	vbroadcast v31, $0x1;
	v19 =	vadd.f32 v20, v19;
	v20 =	vmul.f32 v18, v16  }
0x3d: {  	v23 =	vld [tilespmem:s23+$0x4180]  }
0x3e: {  	v18 =	vbroadcast v31, $0x2;
	v21 =	vmul.f32 v21, v17;
	v20 =	vadd.f32 v20, v19  }
0x3f: {  	v24 =	vld [tilespmem:s23+$0x4200]  }
0x40: {  	v19 =	vbroadcast v31, $0x3;
	v22 =	vmul.f32 v22, v18;
	v21 =	vadd.f32 v21, v20  }
0x41: {  	v25 =	vld [tilespmem:s23+$0x4280]  }
0x42: {  	v20 =	vbroadcast v31, $0x4;
	v23 =	vmul.f32 v23, v19;
	v22 =	vadd.f32 v22, v21  }
0x43: {  	v26 =	vld [tilespmem:s23+$0x4300]  }
0x44: {  	v21 =	vbroadcast v31, $0x5;
	v24 =	vmul.f32 v24, v20;
	v23 =	vadd.f32 v23, v22  }
0x45: {  	v27 =	vld [tilespmem:s23+$0x4380]  }
0x46: {  	v22 =	vbroadcast v31, $0x6;
	v25 =	vmul.f32 v25, v21;
	v24 =	vadd.f32 v24, v23  }
0x47: {  	v28 =	vld [tilespmem:s23+$0x6000]  }
0x48: {  	v23 =	vbroadcast v31, $0x7;
	v26 =	vmul.f32 v26, v22;
	v25 =	vadd.f32 v25, v24  }
0x49: {  	v29 =	vld [tilespmem:s23+$0x6080]  }
0x4a: {  	v24 =	vbroadcast v31, $0x8;
	v27 =	vmul.f32 v27, v23;
	v26 =	vadd.f32 v26, v25  }
0x4b: {  	v30 =	vld [tilespmem:s23+$0x6100]  }
0x4c: {  	v25 =	vbroadcast v31, $0x9;
	v28 =	vmul.f32 v28, v24;
	v27 =	vadd.f32 v27, v26  }
0x4d: {  	v32 =	vld [tilespmem:s23+$0x6180]  }
0x4e: {  	v26 =	vbroadcast v31, $0xA;
	v29 =	vmul.f32 v29, v25;
	v28 =	vadd.f32 v28, v27  }
0x4f: {  	v33 =	vld [tilespmem:s23+$0x6200]  }
0x50: {  	v27 =	vbroadcast v31, $0xB;
	v30 =	vmul.f32 v30, v26;
	v29 =	vadd.f32 v29, v28  }
0x51: {  	v34 =	vld [tilespmem:s23+$0x6280]  }
0x52: {  	v28 =	vbroadcast v31, $0xC;
	v32 =	vmul.f32 v32, v27;
	v30 =	vadd.f32 v30, v29  }
0x53: {  	v35 =	vld [tilespmem:s23+$0x6300]  }
0x54: {  	v29 =	vbroadcast v31, $0xD;
	v33 =	vmul.f32 v33, v28;
	v32 =	vadd.f32 v32, v30  }
0x55: {  	v36 =	vld [tilespmem:s23+$0x6380]  }
0x56: {  	v30 =	vbroadcast v31, $0xE;
	v61 =	vmul.f32 v34, v29;
	v32 =	vadd.f32 v33, v32;
	_ =	sdelay $0x1  }
0x57: {  	v31 =	vbroadcast v31, $0xF;
	v62 =	vmul.f32 v35, v30;
	v32 =	vadd.f32 v61, v32;
	_ =	sdelay $0x1  }
0x58: {  	v63 =	vmul.f32 v36, v31;
	v32 =	vadd.f32 v62, v32;
	_ =	sdelay $0x1  }
0x59: {  	s30 =	simm.s32 $0x10;
	s25 =	simm.s32 $0x80;
	v32 =	vadd.f32 v63, v32  }
0x5a: {  	s31 =	sand.u32 $0x1C00, s25;
	s23 =	sand.u32 $0x70, s30  }
0x5b: {  	s26 =	simm.s32 $0x20;
	s24 =	sor.u32 s23, s31;
	s23 =	simm.s32 $0x10000;
	[tilespmem:s21+$0x0] =	vst v32  }
.LBB2_2:
0x5c: {  	p0 =	sne.s32 s26, $0x3F0;
	v32 =	vld [tilespmem:s24+$0x0]  }
0x5d: {  	v33 =	vld [tilespmem:s24+$0x80];
	_ =	sdelay $0x1  }
0x5e: {  	v34 =	vld [tilespmem:s24+$0x100];
	_ =	sdelay $0x1  }
0x5f: {  	v35 =	vld [tilespmem:s24+$0x180]  }
0x60: {  	v32 =	vmul.f32 v32, v1;
	v33 =	vmul.f32 v33, v2  }
0x61: {  	v36 =	vld [tilespmem:s24+$0x200]  }
0x62: {  	v32 =	vadd.f32 v33, v32;
	v33 =	vmul.f32 v34, v0  }
0x63: {  	v34 =	vld [tilespmem:s24+$0x280]  }
0x64: {  	v32 =	vadd.f32 v33, v32;
	v33 =	vmul.f32 v35, v3  }
0x65: {  	v35 =	vld [tilespmem:s24+$0x300]  }
0x66: {  	v32 =	vadd.f32 v33, v32;
	v33 =	vmul.f32 v36, v4  }
0x67: {  	v36 =	vld [tilespmem:s24+$0x380]  }
0x68: {  	v32 =	vadd.f32 v33, v32;
	v33 =	vmul.f32 v34, v5  }
0x69: {  	v34 =	vld [tilespmem:s24+$0x2000]  }
0x6a: {  	v32 =	vadd.f32 v33, v32;
	v33 =	vmul.f32 v35, v6  }
0x6b: {  	v35 =	vld [tilespmem:s24+$0x2080]  }
0x6c: {  	v32 =	vadd.f32 v33, v32;
	v33 =	vmul.f32 v36, v7  }
0x6d: {  	v36 =	vld [tilespmem:s24+$0x2100]  }
0x6e: {  	v32 =	vadd.f32 v33, v32;
	v33 =	vmul.f32 v34, v8  }
0x6f: {  	v34 =	vld [tilespmem:s24+$0x2180]  }
0x70: {  	v32 =	vadd.f32 v33, v32;
	v33 =	vmul.f32 v35, v9  }
0x71: {  	v35 =	vld [tilespmem:s24+$0x2200]  }
0x72: {  	v32 =	vadd.f32 v33, v32;
	v33 =	vmul.f32 v36, v10  }
0x73: {  	v36 =	vld [tilespmem:s24+$0x2280]  }
0x74: {  	v32 =	vadd.f32 v33, v32;
	v33 =	vmul.f32 v34, v11  }
0x75: {  	v34 =	vld [tilespmem:s24+$0x2300]  }
0x76: {  	v32 =	vadd.f32 v33, v32;
	v33 =	vmul.f32 v35, v12  }
0x77: {  	v35 =	vld [tilespmem:s24+$0x2380]  }
0x78: {  	v32 =	vadd.f32 v33, v32;
	v33 =	vmul.f32 v36, v13  }
0x79: {  	v36 =	vld [tilespmem:s24+$0x4000]  }
0x7a: {  	v32 =	vadd.f32 v33, v32;
	v33 =	vmul.f32 v34, v14  }
0x7b: {  	v34 =	vld [tilespmem:s24+$0x4080]  }
0x7c: {  	v32 =	vadd.f32 v33, v32;
	v33 =	vmul.f32 v35, v15  }
0x7d: {  	v35 =	vld [tilespmem:s24+$0x4100]  }
0x7e: {  	v32 =	vadd.f32 v33, v32;
	v33 =	vmul.f32 v36, v16  }
0x7f: {  	v36 =	vld [tilespmem:s24+$0x4180]  }
0x80: {  	v32 =	vadd.f32 v33, v32;
	v33 =	vmul.f32 v34, v17  }
0x81: {  	v34 =	vld [tilespmem:s24+$0x4200]  }
0x82: {  	v32 =	vadd.f32 v33, v32;
	v33 =	vmul.f32 v35, v18  }
0x83: {  	v35 =	vld [tilespmem:s24+$0x4280]  }
0x84: {  	v32 =	vadd.f32 v33, v32;
	v33 =	vmul.f32 v36, v19  }
0x85: {  	v36 =	vld [tilespmem:s24+$0x4300]  }
0x86: {  	v32 =	vadd.f32 v33, v32;
	v33 =	vmul.f32 v34, v20  }
0x87: {  	v34 =	vld [tilespmem:s24+$0x4380]  }
0x88: {  	v32 =	vadd.f32 v33, v32;
	v33 =	vmul.f32 v35, v21  }
0x89: {  	v35 =	vld [tilespmem:s24+$0x6000]  }
0x8a: {  	v32 =	vadd.f32 v33, v32;
	v33 =	vmul.f32 v36, v22  }
0x8b: {  	v36 =	vld [tilespmem:s24+$0x6080]  }
0x8c: {  	v32 =	vadd.f32 v33, v32;
	v33 =	vmul.f32 v34, v23  }
0x8d: {  	v34 =	vld [tilespmem:s24+$0x6100]  }
0x8e: {  	v32 =	vadd.f32 v33, v32;
	v33 =	vmul.f32 v35, v24  }
0x8f: {  	v35 =	vld [tilespmem:s24+$0x6180]  }
0x90: {  	v32 =	vadd.f32 v33, v32;
	v33 =	vmul.f32 v36, v25  }
0x91: {  	v36 =	vld [tilespmem:s24+$0x6200]  }
0x92: {  	v32 =	vadd.f32 v33, v32;
	v33 =	vmul.f32 v34, v26  }
0x93: {  	v34 =	vld [tilespmem:s24+$0x6280]  }
0x94: {  	v32 =	vadd.f32 v33, v32;
	v33 =	vmul.f32 v35, v27  }
0x95: {  	v35 =	vld [tilespmem:s24+$0x6300]  }
0x96: {  	v32 =	vadd.f32 v33, v32;
	v33 =	vmul.f32 v36, v28  }
0x97: {  	v36 =	vld [tilespmem:s24+$0x6380]  }
0x98: {  	v32 =	vadd.f32 v33, v32;
	v33 =	vmul.f32 v34, v29;
	_ =	sdelay $0x1  }
0x99: {  	v32 =	vadd.f32 v33, v32;
	v33 =	vmul.f32 v35, v30;
	_ =	sdelay $0x1  }
.Ltmp0:
0x9a: {  	v32 =	vadd.f32 v33, v32;
	v33 =	vmul.f32 v36, v31;
	(pc) =	sbr.rel @p0 .LBB2_2-.Ltmp0, $4  }
0x9b: {  	_ = 	snop  }
0x9c: {  	s25 =	sadd.s32 $0x80, s25;
	v32 =	vadd.f32 v33, v32  }
0x9d: {  	s23 =	sadd.s32 $0x10, s23;
	s28 =	sand.u32 $0x1C00, s25;
	s24 =	sand.u32 $0x70, s26  }
0x9e: {  	s26 =	sadd.s32 $0x10, s26;
	s24 =	sor.u32 s24, s28;
	[tilespmem:s23+$0x0] =	vst v32  }
0x9f: {  	v32 =	vld [tilespmem:s24+$0x0]  }
0xa0: {  	v33 =	vld [tilespmem:s24+$0x80];
	_ =	sdelay $0x1  }
0xa1: {  	v34 =	vld [tilespmem:s24+$0x100];
	_ =	sdelay $0x1  }
0xa2: {  	v35 =	vld [tilespmem:s24+$0x180]  }
0xa3: {  	v32 =	vmul.f32 v32, v1;
	v33 =	vmul.f32 v33, v2  }
0xa4: {  	v36 =	vld [tilespmem:s24+$0x200]  }
0xa5: {  	v56 =	vmul.f32 v34, v0;
	v32 =	vadd.f32 v33, v32  }
0xa6: {  	v57 =	vld [tilespmem:s24+$0x280]  }
0xa7: {  	v58 =	vmul.f32 v35, v3;
	v32 =	vadd.f32 v56, v32  }
0xa8: {  	v59 =	vld [tilespmem:s24+$0x300]  }
0xa9: {  	v60 =	vmul.f32 v36, v4;
	v32 =	vadd.f32 v58, v32  }
0xaa: {  	v61 =	vld [tilespmem:s24+$0x380]  }
0xab: {  	v62 =	vmul.f32 v57, v5;
	v32 =	vadd.f32 v60, v32  }
0xac: {  	v63 =	vld [tilespmem:s24+$0x2000]  }
0xad: {  	v40 =	vmul.f32 v59, v6;
	v32 =	vadd.f32 v62, v32  }
0xae: {  	v41 =	vld [tilespmem:s24+$0x2080]  }
0xaf: {  	v42 =	vmul.f32 v61, v7;
	v32 =	vadd.f32 v40, v32  }
0xb0: {  	v43 =	vld [tilespmem:s24+$0x2100]  }
0xb1: {  	v44 =	vmul.f32 v63, v8;
	v32 =	vadd.f32 v42, v32  }
0xb2: {  	v45 =	vld [tilespmem:s24+$0x2180]  }
0xb3: {  	v46 =	vmul.f32 v41, v9;
	v32 =	vadd.f32 v44, v32  }
0xb4: {  	v47 =	vld [tilespmem:s24+$0x2200]  }
0xb5: {  	v48 =	vmul.f32 v43, v10;
	v32 =	vadd.f32 v46, v32  }
0xb6: {  	v49 =	vld [tilespmem:s24+$0x2280]  }
0xb7: {  	v50 =	vmul.f32 v45, v11;
	v32 =	vadd.f32 v48, v32  }
0xb8: {  	v51 =	vld [tilespmem:s24+$0x2300]  }
0xb9: {  	v52 =	vmul.f32 v47, v12;
	v32 =	vadd.f32 v50, v32  }
0xba: {  	v53 =	vld [tilespmem:s24+$0x2380]  }
0xbb: {  	v54 =	vmul.f32 v49, v13;
	v32 =	vadd.f32 v52, v32  }
0xbc: {  	v55 =	vld [tilespmem:s24+$0x4000]  }
0xbd: {  	v56 =	vmul.f32 v51, v14;
	v32 =	vadd.f32 v54, v32  }
0xbe: {  	v57 =	vld [tilespmem:s24+$0x4080]  }
0xbf: {  	v58 =	vmul.f32 v53, v15;
	v32 =	vadd.f32 v56, v32  }
0xc0: {  	v59 =	vld [tilespmem:s24+$0x4100]  }
0xc1: {  	v60 =	vmul.f32 v55, v16;
	v32 =	vadd.f32 v58, v32  }
0xc2: {  	v61 =	vld [tilespmem:s24+$0x4180]  }
0xc3: {  	v62 =	vmul.f32 v57, v17;
	v32 =	vadd.f32 v60, v32  }
0xc4: {  	v63 =	vld [tilespmem:s24+$0x4200]  }
0xc5: {  	v39 =	vmul.f32 v59, v18;
	v32 =	vadd.f32 v62, v32  }
0xc6: {  	v40 =	vld [tilespmem:s24+$0x4280]  }
0xc7: {  	v41 =	vmul.f32 v61, v19;
	v32 =	vadd.f32 v39, v32  }
0xc8: {  	v42 =	vld [tilespmem:s24+$0x4300]  }
0xc9: {  	v43 =	vmul.f32 v63, v20;
	v32 =	vadd.f32 v41, v32  }
0xca: {  	v44 =	vld [tilespmem:s24+$0x4380]  }
0xcb: {  	v45 =	vmul.f32 v40, v21;
	v32 =	vadd.f32 v43, v32  }
0xcc: {  	v46 =	vld [tilespmem:s24+$0x6000]  }
0xcd: {  	v47 =	vmul.f32 v42, v22;
	v32 =	vadd.f32 v45, v32  }
0xce: {  	v48 =	vld [tilespmem:s24+$0x6080]  }
0xcf: {  	v49 =	vmul.f32 v44, v23;
	v32 =	vadd.f32 v47, v32  }
0xd0: {  	v50 =	vld [tilespmem:s24+$0x6100]  }
0xd1: {  	v51 =	vmul.f32 v46, v24;
	v32 =	vadd.f32 v49, v32  }
0xd2: {  	v52 =	vld [tilespmem:s24+$0x6180]  }
0xd3: {  	v53 =	vmul.f32 v48, v25;
	v32 =	vadd.f32 v51, v32  }
0xd4: {  	v54 =	vld [tilespmem:s24+$0x6200]  }
0xd5: {  	v55 =	vmul.f32 v50, v26;
	v32 =	vadd.f32 v53, v32  }
0xd6: {  	v56 =	vld [tilespmem:s24+$0x6280]  }
0xd7: {  	v57 =	vmul.f32 v52, v27;
	v32 =	vadd.f32 v55, v32  }
0xd8: {  	v58 =	vld [tilespmem:s24+$0x6300]  }
0xd9: {  	v59 =	vmul.f32 v54, v28;
	v32 =	vadd.f32 v57, v32  }
0xda: {  	v60 =	vld [tilespmem:s24+$0x6380]  }
0xdb: {  	v61 =	vmul.f32 v56, v29;
	v32 =	vadd.f32 v59, v32;
	_ =	sdelay $0x1  }
0xdc: {  	v62 =	vmul.f32 v58, v30;
	v32 =	vadd.f32 v61, v32;
	_ =	sdelay $0x1  }
0xdd: {  	v63 =	vmul.f32 v60, v31;
	v32 =	vadd.f32 v62, v32;
	_ =	sdelay $0x1  }
0xde: {  	v32 =	vadd.f32 v63, v32  }
0xdf: {  	s23 =	sadd.s32 $0x10, s23  }
0xe0: {  	[tilespmem:s23+$0x0] =	vst v32  }
0xe1: {  	s26 =	simm.s32 $0x10;
	s23 =	simm.s32 $0x0;
	_ =	swait.ge [sflag:s20], $0x8000  }
0xe2: {  	s31 =	sand.u32 $0x70, s23;
	s25 =	sand.u32 $0x1C00, s23;
	[sflag:s20] =	ssyncset.done $0x0  }
0xe3: {  	s24 =	sor.u32 s31, s25;
	s25 =	simm.s32 $0x0;
	[sflag:s20] =	ssyncadd.s32 $0xFFFF8000  }
0xe4: {  	[tilespmem:s23], [sflag:$0x1] =	stream.strided.gather [hbm4b:s6+s16], $0x8000, s17, s16, $0x38;
	[tilespmem:$0x12080] =	vst v63  }
.LBB2_4:
0xe5: {  	p0 =	sne.s32 s26, $0x3F0;
	v32 =	vld [tilespmem:s24+$0x8000]  }
0xe6: {  	v33 =	vld [tilespmem:s24+$0x8080];
	_ =	sdelay $0x1  }
0xe7: {  	v34 =	vld [tilespmem:s24+$0x8100];
	_ =	sdelay $0x1  }
0xe8: {  	v35 =	vld [tilespmem:s24+$0x8180]  }
0xe9: {  	v32 =	vmul.f32 v32, v1;
	v33 =	vmul.f32 v33, v2  }
0xea: {  	v36 =	vld [tilespmem:s24+$0x8200]  }
0xeb: {  	v32 =	vadd.f32 v33, v32;
	v33 =	vmul.f32 v34, v0  }
0xec: {  	v34 =	vld [tilespmem:s24+$0x8280]  }
0xed: {  	v32 =	vadd.f32 v33, v32;
	v33 =	vmul.f32 v35, v3  }
0xee: {  	s28 =	sor.u32 s25, s23;
	v35 =	vld [tilespmem:s24+$0x8300]  }
0xef: {  	s28 =	sor.u32 $0x380, s28;
	v32 =	vadd.f32 v33, v32;
	v33 =	vmul.f32 v36, v4  }
0xf0: {  	v36 =	vld [tilespmem:s28+$0x8000]  }
0xf1: {  	v32 =	vadd.f32 v33, v32;
	v33 =	vmul.f32 v34, v5  }
0xf2: {  	v34 =	vld [tilespmem:s24+$0xA000]  }
0xf3: {  	v32 =	vadd.f32 v33, v32;
	v33 =	vmul.f32 v35, v6  }
0xf4: {  	v35 =	vld [tilespmem:s24+$0xA080]  }
0xf5: {  	v32 =	vadd.f32 v33, v32;
	v33 =	vmul.f32 v36, v7  }
0xf6: {  	v36 =	vld [tilespmem:s24+$0xA100]  }
0xf7: {  	v32 =	vadd.f32 v33, v32;
	v33 =	vmul.f32 v34, v8  }
0xf8: {  	v34 =	vld [tilespmem:s24+$0xA180]  }
0xf9: {  	v32 =	vadd.f32 v33, v32;
	v33 =	vmul.f32 v35, v9  }
0xfa: {  	v35 =	vld [tilespmem:s24+$0xA200]  }
0xfb: {  	v32 =	vadd.f32 v33, v32;
	v33 =	vmul.f32 v36, v10  }
0xfc: {  	v36 =	vld [tilespmem:s24+$0xA280]  }
0xfd: {  	v32 =	vadd.f32 v33, v32;
	v33 =	vmul.f32 v34, v11  }
0xfe: {  	v34 =	vld [tilespmem:s24+$0xA300]  }
0xff: {  	v32 =	vadd.f32 v33, v32;
	v33 =	vmul.f32 v35, v12  }
0x100: {  	v35 =	vld [tilespmem:s24+$0xA380]  }
0x101: {  	v32 =	vadd.f32 v33, v32;
	v33 =	vmul.f32 v36, v13  }
0x102: {  	v36 =	vld [tilespmem:s24+$0xC000]  }
0x103: {  	v32 =	vadd.f32 v33, v32;
	v33 =	vmul.f32 v34, v14  }
0x104: {  	v34 =	vld [tilespmem:s24+$0xC080]  }
0x105: {  	v32 =	vadd.f32 v33, v32;
	v33 =	vmul.f32 v35, v15  }
0x106: {  	v35 =	vld [tilespmem:s24+$0xC100]  }
0x107: {  	v32 =	vadd.f32 v33, v32;
	v33 =	vmul.f32 v36, v16  }
0x108: {  	v36 =	vld [tilespmem:s24+$0xC180]  }
0x109: {  	v32 =	vadd.f32 v33, v32;
	v33 =	vmul.f32 v34, v17  }
0x10a: {  	v34 =	vld [tilespmem:s24+$0xC200]  }
0x10b: {  	v32 =	vadd.f32 v33, v32;
	v33 =	vmul.f32 v35, v18  }
0x10c: {  	v35 =	vld [tilespmem:s24+$0xC280]  }
0x10d: {  	v32 =	vadd.f32 v33, v32;
	v33 =	vmul.f32 v36, v19  }
0x10e: {  	v36 =	vld [tilespmem:s24+$0xC300]  }
0x10f: {  	v32 =	vadd.f32 v33, v32;
	v33 =	vmul.f32 v34, v20  }
0x110: {  	v34 =	vld [tilespmem:s24+$0xC380]  }
0x111: {  	v32 =	vadd.f32 v33, v32;
	v33 =	vmul.f32 v35, v21  }
0x112: {  	v35 =	vld [tilespmem:s24+$0xE000]  }
0x113: {  	v32 =	vadd.f32 v33, v32;
	v33 =	vmul.f32 v36, v22  }
0x114: {  	v36 =	vld [tilespmem:s24+$0xE080]  }
0x115: {  	v32 =	vadd.f32 v33, v32;
	v33 =	vmul.f32 v34, v23  }
0x116: {  	v34 =	vld [tilespmem:s24+$0xE100]  }
0x117: {  	v32 =	vadd.f32 v33, v32;
	v33 =	vmul.f32 v35, v24  }
0x118: {  	v35 =	vld [tilespmem:s24+$0xE180]  }
0x119: {  	v32 =	vadd.f32 v33, v32;
	v33 =	vmul.f32 v36, v25  }
0x11a: {  	v36 =	vld [tilespmem:s24+$0xE200]  }
0x11b: {  	v32 =	vadd.f32 v33, v32;
	v33 =	vmul.f32 v34, v26  }
0x11c: {  	v34 =	vld [tilespmem:s24+$0xE280]  }
0x11d: {  	v32 =	vadd.f32 v33, v32;
	v33 =	vmul.f32 v35, v27  }
0x11e: {  	v35 =	vld [tilespmem:s24+$0xE300]  }
0x11f: {  	v32 =	vadd.f32 v33, v32;
	v33 =	vmul.f32 v36, v28  }
0x120: {  	v36 =	vld [tilespmem:s24+$0xE380]  }
0x121: {  	v32 =	vadd.f32 v33, v32;
	v33 =	vmul.f32 v34, v29;
	_ =	sdelay $0x1  }
0x122: {  	v32 =	vadd.f32 v33, v32;
	v33 =	vmul.f32 v35, v30;
	_ =	sdelay $0x1  }
.Ltmp1:
0x123: {  	v32 =	vadd.f32 v33, v32;
	v33 =	vmul.f32 v36, v31;
	(pc) =	sbr.rel @p0 .LBB2_4-.Ltmp1, $4  }
0x124: {  	_ = 	snop  }
0x125: {  	s25 =	sadd.s32 $0x80, s25;
	v32 =	vadd.f32 v33, v32  }
0x126: {  	s23 =	sand.u32 $0x3F0, s23;
	s28 =	sand.u32 $0x1C00, s25;
	s24 =	sand.u32 $0x70, s26  }
0x127: {  	s24 =	sor.u32 s24, s28;
	[tilespmem:s23+$0x10400] =	vst v32;
	s23 =	smov.u32 s26;
	s26 =	sadd.s32 $0x10, s26  }
0x128: {  	v32 =	vld [tilespmem:s24+$0x8000]  }
0x129: {  	v33 =	vld [tilespmem:s24+$0x8080];
	_ =	sdelay $0x1  }
0x12a: {  	v34 =	vld [tilespmem:s24+$0x8100];
	_ =	sdelay $0x1  }
0x12b: {  	v35 =	vld [tilespmem:s24+$0x8180]  }
0x12c: {  	v32 =	vmul.f32 v32, v1;
	v33 =	vmul.f32 v33, v2  }
0x12d: {  	v36 =	vld [tilespmem:s24+$0x8200]  }
0x12e: {  	v56 =	vmul.f32 v34, v0;
	v32 =	vadd.f32 v33, v32  }
0x12f: {  	v57 =	vld [tilespmem:s24+$0x8280]  }
0x130: {  	v58 =	vmul.f32 v35, v3;
	v32 =	vadd.f32 v56, v32  }
0x131: {  	v59 =	vld [tilespmem:s24+$0x8300];
	s25 =	sor.u32 s25, s23  }
0x132: {  	s25 =	sor.u32 $0x380, s25;
	v60 =	vmul.f32 v36, v4;
	v32 =	vadd.f32 v58, v32  }
0x133: {  	v61 =	vld [tilespmem:s25+$0x8000]  }
0x134: {  	v62 =	vmul.f32 v57, v5;
	v32 =	vadd.f32 v60, v32  }
0x135: {  	v63 =	vld [tilespmem:s24+$0xA000]  }
0x136: {  	v40 =	vmul.f32 v59, v6;
	v32 =	vadd.f32 v62, v32  }
0x137: {  	v41 =	vld [tilespmem:s24+$0xA080]  }
0x138: {  	v42 =	vmul.f32 v61, v7;
	v32 =	vadd.f32 v40, v32  }
0x139: {  	v43 =	vld [tilespmem:s24+$0xA100]  }
0x13a: {  	v44 =	vmul.f32 v63, v8;
	v32 =	vadd.f32 v42, v32  }
0x13b: {  	v45 =	vld [tilespmem:s24+$0xA180]  }
0x13c: {  	v46 =	vmul.f32 v41, v9;
	v32 =	vadd.f32 v44, v32  }
0x13d: {  	v47 =	vld [tilespmem:s24+$0xA200]  }
0x13e: {  	v48 =	vmul.f32 v43, v10;
	v32 =	vadd.f32 v46, v32  }
0x13f: {  	v49 =	vld [tilespmem:s24+$0xA280]  }
0x140: {  	v50 =	vmul.f32 v45, v11;
	v32 =	vadd.f32 v48, v32  }
0x141: {  	v51 =	vld [tilespmem:s24+$0xA300]  }
0x142: {  	v52 =	vmul.f32 v47, v12;
	v32 =	vadd.f32 v50, v32  }
0x143: {  	v53 =	vld [tilespmem:s24+$0xA380]  }
0x144: {  	v54 =	vmul.f32 v49, v13;
	v32 =	vadd.f32 v52, v32  }
0x145: {  	v55 =	vld [tilespmem:s24+$0xC000]  }
0x146: {  	v56 =	vmul.f32 v51, v14;
	v32 =	vadd.f32 v54, v32  }
0x147: {  	v57 =	vld [tilespmem:s24+$0xC080]  }
0x148: {  	v58 =	vmul.f32 v53, v15;
	v32 =	vadd.f32 v56, v32  }
0x149: {  	v59 =	vld [tilespmem:s24+$0xC100]  }
0x14a: {  	v60 =	vmul.f32 v55, v16;
	v32 =	vadd.f32 v58, v32  }
0x14b: {  	v61 =	vld [tilespmem:s24+$0xC180]  }
0x14c: {  	v62 =	vmul.f32 v57, v17;
	v32 =	vadd.f32 v60, v32  }
0x14d: {  	v63 =	vld [tilespmem:s24+$0xC200]  }
0x14e: {  	v39 =	vmul.f32 v59, v18;
	v32 =	vadd.f32 v62, v32  }
0x14f: {  	v40 =	vld [tilespmem:s24+$0xC280]  }
0x150: {  	v41 =	vmul.f32 v61, v19;
	v32 =	vadd.f32 v39, v32  }
0x151: {  	v42 =	vld [tilespmem:s24+$0xC300]  }
0x152: {  	v43 =	vmul.f32 v63, v20;
	v32 =	vadd.f32 v41, v32  }
0x153: {  	v44 =	vld [tilespmem:s24+$0xC380]  }
0x154: {  	v45 =	vmul.f32 v40, v21;
	v32 =	vadd.f32 v43, v32  }
0x155: {  	v46 =	vld [tilespmem:s24+$0xE000]  }
0x156: {  	v47 =	vmul.f32 v42, v22;
	v32 =	vadd.f32 v45, v32  }
0x157: {  	v48 =	vld [tilespmem:s24+$0xE080]  }
0x158: {  	v49 =	vmul.f32 v44, v23;
	v32 =	vadd.f32 v47, v32  }
0x159: {  	v50 =	vld [tilespmem:s24+$0xE100]  }
0x15a: {  	v51 =	vmul.f32 v46, v24;
	v32 =	vadd.f32 v49, v32  }
0x15b: {  	v52 =	vld [tilespmem:s24+$0xE180]  }
0x15c: {  	v53 =	vmul.f32 v48, v25;
	v32 =	vadd.f32 v51, v32  }
0x15d: {  	v54 =	vld [tilespmem:s24+$0xE200]  }
0x15e: {  	v55 =	vmul.f32 v50, v26;
	v32 =	vadd.f32 v53, v32  }
0x15f: {  	v56 =	vld [tilespmem:s24+$0xE280]  }
0x160: {  	v57 =	vmul.f32 v52, v27;
	v32 =	vadd.f32 v55, v32  }
0x161: {  	v58 =	vld [tilespmem:s24+$0xE300]  }
0x162: {  	v59 =	vmul.f32 v54, v28;
	v32 =	vadd.f32 v57, v32  }
0x163: {  	v60 =	vld [tilespmem:s24+$0xE380]  }
0x164: {  	v61 =	vmul.f32 v56, v29;
	v32 =	vadd.f32 v59, v32;
	_ =	sdelay $0x1  }
0x165: {  	v62 =	vmul.f32 v58, v30;
	v32 =	vadd.f32 v61, v32;
	_ =	sdelay $0x1  }
0x166: {  	v63 =	vmul.f32 v60, v31;
	v32 =	vadd.f32 v62, v32;
	_ =	sdelay $0x1  }
0x167: {  	v32 =	vadd.f32 v63, v32  }
0x168: {  	s29 =	sand.u32 $0x3F0, s23  }
0x169: {  	[tilespmem:s29+$0x10400] =	vst v32  }
0x16a: {  	s23 =	simm.s32 $0x0;
	s26 =	simm.s32 $0x10;
	_ =	swait.ge [sflag:s18], $0x8000  }
0x16b: {  	s30 =	sand.u32 $0x70, s23;
	s31 =	sand.u32 $0x1C00, s23;
	[sflag:s18] =	ssyncset.done $0x0  }
0x16c: {  	s25 =	simm.s32 $0x0;
	s24 =	sor.u32 s30, s31;
	[sflag:s18] =	ssyncadd.s32 $0xFFFF8000  }
0x16d: {  	[tilespmem:s19], [sflag:$0x2] =	stream.strided.gather [hbm4b:s7+s16], $0x8000, s17, s16, $0x38;
	[tilespmem:$0x12080] =	vst v63  }
.LBB2_6:
0x16e: {  	p0 =	sne.s32 s26, $0x3F0;
	v32 =	vld [tilespmem:s24+$0x0]  }
0x16f: {  	v33 =	vld [tilespmem:s24+$0x80];
	_ =	sdelay $0x1  }
0x170: {  	v34 =	vld [tilespmem:s24+$0x100];
	_ =	sdelay $0x1  }
0x171: {  	v35 =	vld [tilespmem:s24+$0x180]  }
0x172: {  	v32 =	vmul.f32 v32, v1;
	v33 =	vmul.f32 v33, v2  }
0x173: {  	v36 =	vld [tilespmem:s24+$0x200]  }
0x174: {  	v32 =	vadd.f32 v33, v32;
	v33 =	vmul.f32 v34, v0  }
0x175: {  	v34 =	vld [tilespmem:s24+$0x280]  }
0x176: {  	v32 =	vadd.f32 v33, v32;
	v33 =	vmul.f32 v35, v3  }
0x177: {  	s28 =	sor.u32 s25, s23;
	v35 =	vld [tilespmem:s24+$0x300]  }
0x178: {  	s28 =	sor.u32 $0x380, s28;
	v32 =	vadd.f32 v33, v32;
	v33 =	vmul.f32 v36, v4  }
0x179: {  	v36 =	vld [tilespmem:s28+$0x0]  }
0x17a: {  	v32 =	vadd.f32 v33, v32;
	v33 =	vmul.f32 v34, v5  }
0x17b: {  	v34 =	vld [tilespmem:s24+$0x2000]  }
0x17c: {  	v32 =	vadd.f32 v33, v32;
	v33 =	vmul.f32 v35, v6  }
0x17d: {  	v35 =	vld [tilespmem:s24+$0x2080]  }
0x17e: {  	v32 =	vadd.f32 v33, v32;
	v33 =	vmul.f32 v36, v7  }
0x17f: {  	v36 =	vld [tilespmem:s24+$0x2100]  }
0x180: {  	v32 =	vadd.f32 v33, v32;
	v33 =	vmul.f32 v34, v8  }
0x181: {  	v34 =	vld [tilespmem:s24+$0x2180]  }
0x182: {  	v32 =	vadd.f32 v33, v32;
	v33 =	vmul.f32 v35, v9  }
0x183: {  	v35 =	vld [tilespmem:s24+$0x2200]  }
0x184: {  	v32 =	vadd.f32 v33, v32;
	v33 =	vmul.f32 v36, v10  }
0x185: {  	v36 =	vld [tilespmem:s24+$0x2280]  }
0x186: {  	v32 =	vadd.f32 v33, v32;
	v33 =	vmul.f32 v34, v11  }
0x187: {  	v34 =	vld [tilespmem:s24+$0x2300]  }
0x188: {  	v32 =	vadd.f32 v33, v32;
	v33 =	vmul.f32 v35, v12  }
0x189: {  	v35 =	vld [tilespmem:s24+$0x2380]  }
0x18a: {  	v32 =	vadd.f32 v33, v32;
	v33 =	vmul.f32 v36, v13  }
0x18b: {  	v36 =	vld [tilespmem:s24+$0x4000]  }
0x18c: {  	v32 =	vadd.f32 v33, v32;
	v33 =	vmul.f32 v34, v14  }
0x18d: {  	v34 =	vld [tilespmem:s24+$0x4080]  }
0x18e: {  	v32 =	vadd.f32 v33, v32;
	v33 =	vmul.f32 v35, v15  }
0x18f: {  	v35 =	vld [tilespmem:s24+$0x4100]  }
0x190: {  	v32 =	vadd.f32 v33, v32;
	v33 =	vmul.f32 v36, v16  }
0x191: {  	v36 =	vld [tilespmem:s24+$0x4180]  }
0x192: {  	v32 =	vadd.f32 v33, v32;
	v33 =	vmul.f32 v34, v17  }
0x193: {  	v34 =	vld [tilespmem:s24+$0x4200]  }
0x194: {  	v32 =	vadd.f32 v33, v32;
	v33 =	vmul.f32 v35, v18  }
0x195: {  	v35 =	vld [tilespmem:s24+$0x4280]  }
0x196: {  	v32 =	vadd.f32 v33, v32;
	v33 =	vmul.f32 v36, v19  }
0x197: {  	v36 =	vld [tilespmem:s24+$0x4300]  }
0x198: {  	v32 =	vadd.f32 v33, v32;
	v33 =	vmul.f32 v34, v20  }
0x199: {  	v34 =	vld [tilespmem:s24+$0x4380]  }
0x19a: {  	v32 =	vadd.f32 v33, v32;
	v33 =	vmul.f32 v35, v21  }
0x19b: {  	v35 =	vld [tilespmem:s24+$0x6000]  }
0x19c: {  	v32 =	vadd.f32 v33, v32;
	v33 =	vmul.f32 v36, v22  }
0x19d: {  	v36 =	vld [tilespmem:s24+$0x6080]  }
0x19e: {  	v32 =	vadd.f32 v33, v32;
	v33 =	vmul.f32 v34, v23  }
0x19f: {  	v34 =	vld [tilespmem:s24+$0x6100]  }
0x1a0: {  	v32 =	vadd.f32 v33, v32;
	v33 =	vmul.f32 v35, v24  }
0x1a1: {  	v35 =	vld [tilespmem:s24+$0x6180]  }
0x1a2: {  	v32 =	vadd.f32 v33, v32;
	v33 =	vmul.f32 v36, v25  }
0x1a3: {  	v36 =	vld [tilespmem:s24+$0x6200]  }
0x1a4: {  	v32 =	vadd.f32 v33, v32;
	v33 =	vmul.f32 v34, v26  }
0x1a5: {  	v34 =	vld [tilespmem:s24+$0x6280]  }
0x1a6: {  	v32 =	vadd.f32 v33, v32;
	v33 =	vmul.f32 v35, v27  }
0x1a7: {  	v35 =	vld [tilespmem:s24+$0x6300]  }
0x1a8: {  	v32 =	vadd.f32 v33, v32;
	v33 =	vmul.f32 v36, v28  }
0x1a9: {  	v36 =	vld [tilespmem:s24+$0x6380]  }
0x1aa: {  	v32 =	vadd.f32 v33, v32;
	v33 =	vmul.f32 v34, v29;
	_ =	sdelay $0x1  }
0x1ab: {  	v32 =	vadd.f32 v33, v32;
	v33 =	vmul.f32 v35, v30;
	_ =	sdelay $0x1  }
.Ltmp2:
0x1ac: {  	v32 =	vadd.f32 v33, v32;
	v33 =	vmul.f32 v36, v31;
	(pc) =	sbr.rel @p0 .LBB2_6-.Ltmp2, $4  }
0x1ad: {  	_ = 	snop  }
0x1ae: {  	s25 =	sadd.s32 $0x80, s25;
	v32 =	vadd.f32 v33, v32  }
0x1af: {  	s23 =	sand.u32 $0x3F0, s23;
	s28 =	sand.u32 $0x1C00, s25;
	s24 =	sand.u32 $0x70, s26  }
0x1b0: {  	s24 =	sor.u32 s24, s28;
	[tilespmem:s23+$0x10800] =	vst v32;
	s23 =	smov.u32 s26;
	s26 =	sadd.s32 $0x10, s26  }
0x1b1: {  	v32 =	vld [tilespmem:s24+$0x0]  }
0x1b2: {  	v33 =	vld [tilespmem:s24+$0x80];
	_ =	sdelay $0x1  }
0x1b3: {  	v34 =	vld [tilespmem:s24+$0x100];
	_ =	sdelay $0x1  }
0x1b4: {  	v35 =	vld [tilespmem:s24+$0x180]  }
0x1b5: {  	v32 =	vmul.f32 v32, v1;
	v33 =	vmul.f32 v33, v2  }
0x1b6: {  	v36 =	vld [tilespmem:s24+$0x200]  }
0x1b7: {  	v56 =	vmul.f32 v34, v0;
	v32 =	vadd.f32 v33, v32  }
0x1b8: {  	v57 =	vld [tilespmem:s24+$0x280]  }
0x1b9: {  	v58 =	vmul.f32 v35, v3;
	v32 =	vadd.f32 v56, v32  }
0x1ba: {  	v59 =	vld [tilespmem:s24+$0x300];
	s25 =	sor.u32 s25, s23  }
0x1bb: {  	s25 =	sor.u32 $0x380, s25;
	v60 =	vmul.f32 v36, v4;
	v32 =	vadd.f32 v58, v32  }
0x1bc: {  	v61 =	vld [tilespmem:s25+$0x0]  }
0x1bd: {  	v62 =	vmul.f32 v57, v5;
	v32 =	vadd.f32 v60, v32  }
0x1be: {  	v63 =	vld [tilespmem:s24+$0x2000]  }
0x1bf: {  	v40 =	vmul.f32 v59, v6;
	v32 =	vadd.f32 v62, v32  }
0x1c0: {  	v41 =	vld [tilespmem:s24+$0x2080]  }
0x1c1: {  	v42 =	vmul.f32 v61, v7;
	v32 =	vadd.f32 v40, v32  }
0x1c2: {  	v43 =	vld [tilespmem:s24+$0x2100]  }
0x1c3: {  	v44 =	vmul.f32 v63, v8;
	v32 =	vadd.f32 v42, v32  }
0x1c4: {  	v45 =	vld [tilespmem:s24+$0x2180]  }
0x1c5: {  	v46 =	vmul.f32 v41, v9;
	v32 =	vadd.f32 v44, v32  }
0x1c6: {  	v47 =	vld [tilespmem:s24+$0x2200]  }
0x1c7: {  	v48 =	vmul.f32 v43, v10;
	v32 =	vadd.f32 v46, v32  }
0x1c8: {  	v49 =	vld [tilespmem:s24+$0x2280]  }
0x1c9: {  	v50 =	vmul.f32 v45, v11;
	v32 =	vadd.f32 v48, v32  }
0x1ca: {  	v51 =	vld [tilespmem:s24+$0x2300]  }
0x1cb: {  	v52 =	vmul.f32 v47, v12;
	v32 =	vadd.f32 v50, v32  }
0x1cc: {  	v53 =	vld [tilespmem:s24+$0x2380]  }
0x1cd: {  	v54 =	vmul.f32 v49, v13;
	v32 =	vadd.f32 v52, v32  }
0x1ce: {  	v55 =	vld [tilespmem:s24+$0x4000]  }
0x1cf: {  	v56 =	vmul.f32 v51, v14;
	v32 =	vadd.f32 v54, v32  }
0x1d0: {  	v57 =	vld [tilespmem:s24+$0x4080]  }
0x1d1: {  	v58 =	vmul.f32 v53, v15;
	v32 =	vadd.f32 v56, v32  }
0x1d2: {  	v59 =	vld [tilespmem:s24+$0x4100]  }
0x1d3: {  	v60 =	vmul.f32 v55, v16;
	v32 =	vadd.f32 v58, v32  }
0x1d4: {  	v61 =	vld [tilespmem:s24+$0x4180]  }
0x1d5: {  	v62 =	vmul.f32 v57, v17;
	v32 =	vadd.f32 v60, v32  }
0x1d6: {  	v63 =	vld [tilespmem:s24+$0x4200]  }
0x1d7: {  	v39 =	vmul.f32 v59, v18;
	v32 =	vadd.f32 v62, v32  }
0x1d8: {  	v40 =	vld [tilespmem:s24+$0x4280]  }
0x1d9: {  	v41 =	vmul.f32 v61, v19;
	v32 =	vadd.f32 v39, v32  }
0x1da: {  	v42 =	vld [tilespmem:s24+$0x4300]  }
0x1db: {  	v43 =	vmul.f32 v63, v20;
	v32 =	vadd.f32 v41, v32  }
0x1dc: {  	v44 =	vld [tilespmem:s24+$0x4380]  }
0x1dd: {  	v45 =	vmul.f32 v40, v21;
	v32 =	vadd.f32 v43, v32  }
0x1de: {  	v46 =	vld [tilespmem:s24+$0x6000]  }
0x1df: {  	v47 =	vmul.f32 v42, v22;
	v32 =	vadd.f32 v45, v32  }
0x1e0: {  	v48 =	vld [tilespmem:s24+$0x6080]  }
0x1e1: {  	v49 =	vmul.f32 v44, v23;
	v32 =	vadd.f32 v47, v32  }
0x1e2: {  	v50 =	vld [tilespmem:s24+$0x6100]  }
0x1e3: {  	v51 =	vmul.f32 v46, v24;
	v32 =	vadd.f32 v49, v32  }
0x1e4: {  	v52 =	vld [tilespmem:s24+$0x6180]  }
0x1e5: {  	v53 =	vmul.f32 v48, v25;
	v32 =	vadd.f32 v51, v32  }
0x1e6: {  	v54 =	vld [tilespmem:s24+$0x6200]  }
0x1e7: {  	v55 =	vmul.f32 v50, v26;
	v32 =	vadd.f32 v53, v32  }
0x1e8: {  	v56 =	vld [tilespmem:s24+$0x6280]  }
0x1e9: {  	v57 =	vmul.f32 v52, v27;
	v32 =	vadd.f32 v55, v32  }
0x1ea: {  	v58 =	vld [tilespmem:s24+$0x6300]  }
0x1eb: {  	v59 =	vmul.f32 v54, v28;
	v32 =	vadd.f32 v57, v32  }
0x1ec: {  	v60 =	vld [tilespmem:s24+$0x6380]  }
0x1ed: {  	v61 =	vmul.f32 v56, v29;
	v32 =	vadd.f32 v59, v32;
	_ =	sdelay $0x1  }
0x1ee: {  	v62 =	vmul.f32 v58, v30;
	v32 =	vadd.f32 v61, v32;
	_ =	sdelay $0x1  }
0x1ef: {  	v63 =	vmul.f32 v60, v31;
	v32 =	vadd.f32 v62, v32;
	_ =	sdelay $0x1  }
0x1f0: {  	v32 =	vadd.f32 v63, v32  }
0x1f1: {  	s29 =	sand.u32 $0x3F0, s23  }
0x1f2: {  	[tilespmem:s29+$0x10800] =	vst v32  }
0x1f3: {  	s23 =	simm.s32 $0x0;
	s26 =	simm.s32 $0x10;
	_ =	swait.ge [sflag:s20], $0x8000  }
0x1f4: {  	s30 =	sand.u32 $0x70, s23;
	s31 =	sand.u32 $0x1C00, s23;
	[sflag:s20] =	ssyncset.done $0x0  }
0x1f5: {  	s25 =	simm.s32 $0x0;
	s24 =	sor.u32 s30, s31;
	[sflag:s20] =	ssyncadd.s32 $0xFFFF8000  }
0x1f6: {  	[tilespmem:s23], [sflag:$0x1] =	stream.strided.gather [hbm4b:s8+s16], $0x8000, s17, s16, $0x38;
	[tilespmem:$0x12080] =	vst v63  }
.LBB2_8:
0x1f7: {  	p0 =	sne.s32 s26, $0x3F0;
	v32 =	vld [tilespmem:s24+$0x8000]  }
0x1f8: {  	v33 =	vld [tilespmem:s24+$0x8080];
	_ =	sdelay $0x1  }
0x1f9: {  	v34 =	vld [tilespmem:s24+$0x8100];
	_ =	sdelay $0x1  }
0x1fa: {  	v35 =	vld [tilespmem:s24+$0x8180]  }
0x1fb: {  	v32 =	vmul.f32 v32, v1;
	v33 =	vmul.f32 v33, v2  }
0x1fc: {  	v36 =	vld [tilespmem:s24+$0x8200]  }
0x1fd: {  	v32 =	vadd.f32 v33, v32;
	v33 =	vmul.f32 v34, v0  }
0x1fe: {  	v34 =	vld [tilespmem:s24+$0x8280]  }
0x1ff: {  	v32 =	vadd.f32 v33, v32;
	v33 =	vmul.f32 v35, v3  }
0x200: {  	s28 =	sor.u32 s25, s23;
	v35 =	vld [tilespmem:s24+$0x8300]  }
0x201: {  	s28 =	sor.u32 $0x380, s28;
	v32 =	vadd.f32 v33, v32;
	v33 =	vmul.f32 v36, v4  }
0x202: {  	v36 =	vld [tilespmem:s28+$0x8000]  }
0x203: {  	v32 =	vadd.f32 v33, v32;
	v33 =	vmul.f32 v34, v5  }
0x204: {  	v34 =	vld [tilespmem:s24+$0xA000]  }
0x205: {  	v32 =	vadd.f32 v33, v32;
	v33 =	vmul.f32 v35, v6  }
0x206: {  	v35 =	vld [tilespmem:s24+$0xA080]  }
0x207: {  	v32 =	vadd.f32 v33, v32;
	v33 =	vmul.f32 v36, v7  }
0x208: {  	v36 =	vld [tilespmem:s24+$0xA100]  }
0x209: {  	v32 =	vadd.f32 v33, v32;
	v33 =	vmul.f32 v34, v8  }
0x20a: {  	v34 =	vld [tilespmem:s24+$0xA180]  }
0x20b: {  	v32 =	vadd.f32 v33, v32;
	v33 =	vmul.f32 v35, v9  }
0x20c: {  	v35 =	vld [tilespmem:s24+$0xA200]  }
0x20d: {  	v32 =	vadd.f32 v33, v32;
	v33 =	vmul.f32 v36, v10  }
0x20e: {  	v36 =	vld [tilespmem:s24+$0xA280]  }
0x20f: {  	v32 =	vadd.f32 v33, v32;
	v33 =	vmul.f32 v34, v11  }
0x210: {  	v34 =	vld [tilespmem:s24+$0xA300]  }
0x211: {  	v32 =	vadd.f32 v33, v32;
	v33 =	vmul.f32 v35, v12  }
0x212: {  	v35 =	vld [tilespmem:s24+$0xA380]  }
0x213: {  	v32 =	vadd.f32 v33, v32;
	v33 =	vmul.f32 v36, v13  }
0x214: {  	v36 =	vld [tilespmem:s24+$0xC000]  }
0x215: {  	v32 =	vadd.f32 v33, v32;
	v33 =	vmul.f32 v34, v14  }
0x216: {  	v34 =	vld [tilespmem:s24+$0xC080]  }
0x217: {  	v32 =	vadd.f32 v33, v32;
	v33 =	vmul.f32 v35, v15  }
0x218: {  	v35 =	vld [tilespmem:s24+$0xC100]  }
0x219: {  	v32 =	vadd.f32 v33, v32;
	v33 =	vmul.f32 v36, v16  }
0x21a: {  	v36 =	vld [tilespmem:s24+$0xC180]  }
0x21b: {  	v32 =	vadd.f32 v33, v32;
	v33 =	vmul.f32 v34, v17  }
0x21c: {  	v34 =	vld [tilespmem:s24+$0xC200]  }
0x21d: {  	v32 =	vadd.f32 v33, v32;
	v33 =	vmul.f32 v35, v18  }
0x21e: {  	v35 =	vld [tilespmem:s24+$0xC280]  }
0x21f: {  	v32 =	vadd.f32 v33, v32;
	v33 =	vmul.f32 v36, v19  }
0x220: {  	v36 =	vld [tilespmem:s24+$0xC300]  }
0x221: {  	v32 =	vadd.f32 v33, v32;
	v33 =	vmul.f32 v34, v20  }
0x222: {  	v34 =	vld [tilespmem:s24+$0xC380]  }
0x223: {  	v32 =	vadd.f32 v33, v32;
	v33 =	vmul.f32 v35, v21  }
0x224: {  	v35 =	vld [tilespmem:s24+$0xE000]  }
0x225: {  	v32 =	vadd.f32 v33, v32;
	v33 =	vmul.f32 v36, v22  }
0x226: {  	v36 =	vld [tilespmem:s24+$0xE080]  }
0x227: {  	v32 =	vadd.f32 v33, v32;
	v33 =	vmul.f32 v34, v23  }
0x228: {  	v34 =	vld [tilespmem:s24+$0xE100]  }
0x229: {  	v32 =	vadd.f32 v33, v32;
	v33 =	vmul.f32 v35, v24  }
0x22a: {  	v35 =	vld [tilespmem:s24+$0xE180]  }
0x22b: {  	v32 =	vadd.f32 v33, v32;
	v33 =	vmul.f32 v36, v25  }
0x22c: {  	v36 =	vld [tilespmem:s24+$0xE200]  }
0x22d: {  	v32 =	vadd.f32 v33, v32;
	v33 =	vmul.f32 v34, v26  }
0x22e: {  	v34 =	vld [tilespmem:s24+$0xE280]  }
0x22f: {  	v32 =	vadd.f32 v33, v32;
	v33 =	vmul.f32 v35, v27  }
0x230: {  	v35 =	vld [tilespmem:s24+$0xE300]  }
0x231: {  	v32 =	vadd.f32 v33, v32;
	v33 =	vmul.f32 v36, v28  }
0x232: {  	v36 =	vld [tilespmem:s24+$0xE380]  }
0x233: {  	v32 =	vadd.f32 v33, v32;
	v33 =	vmul.f32 v34, v29;
	_ =	sdelay $0x1  }
0x234: {  	v32 =	vadd.f32 v33, v32;
	v33 =	vmul.f32 v35, v30;
	_ =	sdelay $0x1  }
.Ltmp3:
0x235: {  	v32 =	vadd.f32 v33, v32;
	v33 =	vmul.f32 v36, v31;
	(pc) =	sbr.rel @p0 .LBB2_8-.Ltmp3, $4  }
0x236: {  	_ = 	snop  }
0x237: {  	s25 =	sadd.s32 $0x80, s25;
	v32 =	vadd.f32 v33, v32  }
0x238: {  	s23 =	sand.u32 $0x3F0, s23;
	s28 =	sand.u32 $0x1C00, s25;
	s24 =	sand.u32 $0x70, s26  }
0x239: {  	s24 =	sor.u32 s24, s28;
	[tilespmem:s23+$0x10C00] =	vst v32;
	s23 =	smov.u32 s26;
	s26 =	sadd.s32 $0x10, s26  }
0x23a: {  	v32 =	vld [tilespmem:s24+$0x8000]  }
0x23b: {  	v33 =	vld [tilespmem:s24+$0x8080];
	_ =	sdelay $0x1  }
0x23c: {  	v34 =	vld [tilespmem:s24+$0x8100];
	_ =	sdelay $0x1  }
0x23d: {  	v35 =	vld [tilespmem:s24+$0x8180]  }
0x23e: {  	v32 =	vmul.f32 v32, v1;
	v33 =	vmul.f32 v33, v2  }
0x23f: {  	v36 =	vld [tilespmem:s24+$0x8200]  }
0x240: {  	v56 =	vmul.f32 v34, v0;
	v32 =	vadd.f32 v33, v32  }
0x241: {  	v57 =	vld [tilespmem:s24+$0x8280]  }
0x242: {  	v58 =	vmul.f32 v35, v3;
	v32 =	vadd.f32 v56, v32  }
0x243: {  	v59 =	vld [tilespmem:s24+$0x8300];
	s25 =	sor.u32 s25, s23  }
0x244: {  	s25 =	sor.u32 $0x380, s25;
	v60 =	vmul.f32 v36, v4;
	v32 =	vadd.f32 v58, v32  }
0x245: {  	v61 =	vld [tilespmem:s25+$0x8000]  }
0x246: {  	v62 =	vmul.f32 v57, v5;
	v32 =	vadd.f32 v60, v32  }
0x247: {  	v63 =	vld [tilespmem:s24+$0xA000]  }
0x248: {  	v40 =	vmul.f32 v59, v6;
	v32 =	vadd.f32 v62, v32  }
0x249: {  	v41 =	vld [tilespmem:s24+$0xA080]  }
0x24a: {  	v42 =	vmul.f32 v61, v7;
	v32 =	vadd.f32 v40, v32  }
0x24b: {  	v43 =	vld [tilespmem:s24+$0xA100]  }
0x24c: {  	v44 =	vmul.f32 v63, v8;
	v32 =	vadd.f32 v42, v32  }
0x24d: {  	v45 =	vld [tilespmem:s24+$0xA180]  }
0x24e: {  	v46 =	vmul.f32 v41, v9;
	v32 =	vadd.f32 v44, v32  }
0x24f: {  	v47 =	vld [tilespmem:s24+$0xA200]  }
0x250: {  	v48 =	vmul.f32 v43, v10;
	v32 =	vadd.f32 v46, v32  }
0x251: {  	v49 =	vld [tilespmem:s24+$0xA280]  }
0x252: {  	v50 =	vmul.f32 v45, v11;
	v32 =	vadd.f32 v48, v32  }
0x253: {  	v51 =	vld [tilespmem:s24+$0xA300]  }
0x254: {  	v52 =	vmul.f32 v47, v12;
	v32 =	vadd.f32 v50, v32  }
0x255: {  	v53 =	vld [tilespmem:s24+$0xA380]  }
0x256: {  	v54 =	vmul.f32 v49, v13;
	v32 =	vadd.f32 v52, v32  }
0x257: {  	v55 =	vld [tilespmem:s24+$0xC000]  }
0x258: {  	v56 =	vmul.f32 v51, v14;
	v32 =	vadd.f32 v54, v32  }
0x259: {  	v57 =	vld [tilespmem:s24+$0xC080]  }
0x25a: {  	v58 =	vmul.f32 v53, v15;
	v32 =	vadd.f32 v56, v32  }
0x25b: {  	v59 =	vld [tilespmem:s24+$0xC100]  }
0x25c: {  	v60 =	vmul.f32 v55, v16;
	v32 =	vadd.f32 v58, v32  }
0x25d: {  	v61 =	vld [tilespmem:s24+$0xC180]  }
0x25e: {  	v62 =	vmul.f32 v57, v17;
	v32 =	vadd.f32 v60, v32  }
0x25f: {  	v63 =	vld [tilespmem:s24+$0xC200]  }
0x260: {  	v39 =	vmul.f32 v59, v18;
	v32 =	vadd.f32 v62, v32  }
0x261: {  	v40 =	vld [tilespmem:s24+$0xC280]  }
0x262: {  	v41 =	vmul.f32 v61, v19;
	v32 =	vadd.f32 v39, v32  }
0x263: {  	v42 =	vld [tilespmem:s24+$0xC300]  }
0x264: {  	v43 =	vmul.f32 v63, v20;
	v32 =	vadd.f32 v41, v32  }
0x265: {  	v44 =	vld [tilespmem:s24+$0xC380]  }
0x266: {  	v45 =	vmul.f32 v40, v21;
	v32 =	vadd.f32 v43, v32  }
0x267: {  	v46 =	vld [tilespmem:s24+$0xE000]  }
0x268: {  	v47 =	vmul.f32 v42, v22;
	v32 =	vadd.f32 v45, v32  }
0x269: {  	v48 =	vld [tilespmem:s24+$0xE080]  }
0x26a: {  	v49 =	vmul.f32 v44, v23;
	v32 =	vadd.f32 v47, v32  }
0x26b: {  	v50 =	vld [tilespmem:s24+$0xE100]  }
0x26c: {  	v51 =	vmul.f32 v46, v24;
	v32 =	vadd.f32 v49, v32  }
0x26d: {  	v52 =	vld [tilespmem:s24+$0xE180]  }
0x26e: {  	v53 =	vmul.f32 v48, v25;
	v32 =	vadd.f32 v51, v32  }
0x26f: {  	v54 =	vld [tilespmem:s24+$0xE200]  }
0x270: {  	v55 =	vmul.f32 v50, v26;
	v32 =	vadd.f32 v53, v32  }
0x271: {  	v56 =	vld [tilespmem:s24+$0xE280]  }
0x272: {  	v57 =	vmul.f32 v52, v27;
	v32 =	vadd.f32 v55, v32  }
0x273: {  	v58 =	vld [tilespmem:s24+$0xE300]  }
0x274: {  	v59 =	vmul.f32 v54, v28;
	v32 =	vadd.f32 v57, v32  }
0x275: {  	v60 =	vld [tilespmem:s24+$0xE380]  }
0x276: {  	v61 =	vmul.f32 v56, v29;
	v32 =	vadd.f32 v59, v32;
	_ =	sdelay $0x1  }
0x277: {  	v62 =	vmul.f32 v58, v30;
	v32 =	vadd.f32 v61, v32;
	_ =	sdelay $0x1  }
0x278: {  	v63 =	vmul.f32 v60, v31;
	v32 =	vadd.f32 v62, v32;
	_ =	sdelay $0x1  }
0x279: {  	v32 =	vadd.f32 v63, v32  }
0x27a: {  	s29 =	sand.u32 $0x3F0, s23  }
0x27b: {  	[tilespmem:s29+$0x10C00] =	vst v32  }
0x27c: {  	s23 =	simm.s32 $0x0;
	s26 =	simm.s32 $0x10;
	_ =	swait.ge [sflag:s18], $0x8000  }
0x27d: {  	s30 =	sand.u32 $0x70, s23;
	s31 =	sand.u32 $0x1C00, s23;
	[sflag:s18] =	ssyncset.done $0x0  }
0x27e: {  	s25 =	simm.s32 $0x0;
	s24 =	sor.u32 s30, s31;
	[sflag:s18] =	ssyncadd.s32 $0xFFFF8000  }
0x27f: {  	[tilespmem:s19], [sflag:$0x2] =	stream.strided.gather [hbm4b:s9+s16], $0x8000, s17, s16, $0x38;
	[tilespmem:$0x12080] =	vst v63  }
.LBB2_10:
0x280: {  	p0 =	sne.s32 s26, $0x3F0;
	v32 =	vld [tilespmem:s24+$0x0]  }
0x281: {  	v33 =	vld [tilespmem:s24+$0x80];
	_ =	sdelay $0x1  }
0x282: {  	v34 =	vld [tilespmem:s24+$0x100];
	_ =	sdelay $0x1  }
0x283: {  	v35 =	vld [tilespmem:s24+$0x180]  }
0x284: {  	v32 =	vmul.f32 v32, v1;
	v33 =	vmul.f32 v33, v2  }
0x285: {  	v36 =	vld [tilespmem:s24+$0x200]  }
0x286: {  	v32 =	vadd.f32 v33, v32;
	v33 =	vmul.f32 v34, v0  }
0x287: {  	v34 =	vld [tilespmem:s24+$0x280]  }
0x288: {  	v32 =	vadd.f32 v33, v32;
	v33 =	vmul.f32 v35, v3  }
0x289: {  	s28 =	sor.u32 s25, s23;
	v35 =	vld [tilespmem:s24+$0x300]  }
0x28a: {  	s28 =	sor.u32 $0x380, s28;
	v32 =	vadd.f32 v33, v32;
	v33 =	vmul.f32 v36, v4  }
0x28b: {  	v36 =	vld [tilespmem:s28+$0x0]  }
0x28c: {  	v32 =	vadd.f32 v33, v32;
	v33 =	vmul.f32 v34, v5  }
0x28d: {  	v34 =	vld [tilespmem:s24+$0x2000]  }
0x28e: {  	v32 =	vadd.f32 v33, v32;
	v33 =	vmul.f32 v35, v6  }
0x28f: {  	v35 =	vld [tilespmem:s24+$0x2080]  }
0x290: {  	v32 =	vadd.f32 v33, v32;
	v33 =	vmul.f32 v36, v7  }
0x291: {  	v36 =	vld [tilespmem:s24+$0x2100]  }
0x292: {  	v32 =	vadd.f32 v33, v32;
	v33 =	vmul.f32 v34, v8  }
0x293: {  	v34 =	vld [tilespmem:s24+$0x2180]  }
0x294: {  	v32 =	vadd.f32 v33, v32;
	v33 =	vmul.f32 v35, v9  }
0x295: {  	v35 =	vld [tilespmem:s24+$0x2200]  }
0x296: {  	v32 =	vadd.f32 v33, v32;
	v33 =	vmul.f32 v36, v10  }
0x297: {  	v36 =	vld [tilespmem:s24+$0x2280]  }
0x298: {  	v32 =	vadd.f32 v33, v32;
	v33 =	vmul.f32 v34, v11  }
0x299: {  	v34 =	vld [tilespmem:s24+$0x2300]  }
0x29a: {  	v32 =	vadd.f32 v33, v32;
	v33 =	vmul.f32 v35, v12  }
0x29b: {  	v35 =	vld [tilespmem:s24+$0x2380]  }
0x29c: {  	v32 =	vadd.f32 v33, v32;
	v33 =	vmul.f32 v36, v13  }
0x29d: {  	v36 =	vld [tilespmem:s24+$0x4000]  }
0x29e: {  	v32 =	vadd.f32 v33, v32;
	v33 =	vmul.f32 v34, v14  }
0x29f: {  	v34 =	vld [tilespmem:s24+$0x4080]  }
0x2a0: {  	v32 =	vadd.f32 v33, v32;
	v33 =	vmul.f32 v35, v15  }
0x2a1: {  	v35 =	vld [tilespmem:s24+$0x4100]  }
0x2a2: {  	v32 =	vadd.f32 v33, v32;
	v33 =	vmul.f32 v36, v16  }
0x2a3: {  	v36 =	vld [tilespmem:s24+$0x4180]  }
0x2a4: {  	v32 =	vadd.f32 v33, v32;
	v33 =	vmul.f32 v34, v17  }
0x2a5: {  	v34 =	vld [tilespmem:s24+$0x4200]  }
0x2a6: {  	v32 =	vadd.f32 v33, v32;
	v33 =	vmul.f32 v35, v18  }
0x2a7: {  	v35 =	vld [tilespmem:s24+$0x4280]  }
0x2a8: {  	v32 =	vadd.f32 v33, v32;
	v33 =	vmul.f32 v36, v19  }
0x2a9: {  	v36 =	vld [tilespmem:s24+$0x4300]  }
0x2aa: {  	v32 =	vadd.f32 v33, v32;
	v33 =	vmul.f32 v34, v20  }
0x2ab: {  	v34 =	vld [tilespmem:s24+$0x4380]  }
0x2ac: {  	v32 =	vadd.f32 v33, v32;
	v33 =	vmul.f32 v35, v21  }
0x2ad: {  	v35 =	vld [tilespmem:s24+$0x6000]  }
0x2ae: {  	v32 =	vadd.f32 v33, v32;
	v33 =	vmul.f32 v36, v22  }
0x2af: {  	v36 =	vld [tilespmem:s24+$0x6080]  }
0x2b0: {  	v32 =	vadd.f32 v33, v32;
	v33 =	vmul.f32 v34, v23  }
0x2b1: {  	v34 =	vld [tilespmem:s24+$0x6100]  }
0x2b2: {  	v32 =	vadd.f32 v33, v32;
	v33 =	vmul.f32 v35, v24  }
0x2b3: {  	v35 =	vld [tilespmem:s24+$0x6180]  }
0x2b4: {  	v32 =	vadd.f32 v33, v32;
	v33 =	vmul.f32 v36, v25  }
0x2b5: {  	v36 =	vld [tilespmem:s24+$0x6200]  }
0x2b6: {  	v32 =	vadd.f32 v33, v32;
	v33 =	vmul.f32 v34, v26  }
0x2b7: {  	v34 =	vld [tilespmem:s24+$0x6280]  }
0x2b8: {  	v32 =	vadd.f32 v33, v32;
	v33 =	vmul.f32 v35, v27  }
0x2b9: {  	v35 =	vld [tilespmem:s24+$0x6300]  }
0x2ba: {  	v32 =	vadd.f32 v33, v32;
	v33 =	vmul.f32 v36, v28  }
0x2bb: {  	v36 =	vld [tilespmem:s24+$0x6380]  }
0x2bc: {  	v32 =	vadd.f32 v33, v32;
	v33 =	vmul.f32 v34, v29;
	_ =	sdelay $0x1  }
0x2bd: {  	v32 =	vadd.f32 v33, v32;
	v33 =	vmul.f32 v35, v30;
	_ =	sdelay $0x1  }
.Ltmp4:
0x2be: {  	v32 =	vadd.f32 v33, v32;
	v33 =	vmul.f32 v36, v31;
	(pc) =	sbr.rel @p0 .LBB2_10-.Ltmp4, $4  }
0x2bf: {  	_ = 	snop  }
0x2c0: {  	s25 =	sadd.s32 $0x80, s25;
	v32 =	vadd.f32 v33, v32  }
0x2c1: {  	s23 =	sand.u32 $0x3F0, s23;
	s28 =	sand.u32 $0x1C00, s25;
	s24 =	sand.u32 $0x70, s26  }
0x2c2: {  	s24 =	sor.u32 s24, s28;
	[tilespmem:s23+$0x11000] =	vst v32;
	s23 =	smov.u32 s26;
	s26 =	sadd.s32 $0x10, s26  }
0x2c3: {  	v32 =	vld [tilespmem:s24+$0x0]  }
0x2c4: {  	v33 =	vld [tilespmem:s24+$0x80];
	_ =	sdelay $0x1  }
0x2c5: {  	v34 =	vld [tilespmem:s24+$0x100];
	_ =	sdelay $0x1  }
0x2c6: {  	v35 =	vld [tilespmem:s24+$0x180]  }
0x2c7: {  	v32 =	vmul.f32 v32, v1;
	v33 =	vmul.f32 v33, v2  }
0x2c8: {  	v36 =	vld [tilespmem:s24+$0x200]  }
0x2c9: {  	v56 =	vmul.f32 v34, v0;
	v32 =	vadd.f32 v33, v32  }
0x2ca: {  	v57 =	vld [tilespmem:s24+$0x280]  }
0x2cb: {  	v58 =	vmul.f32 v35, v3;
	v32 =	vadd.f32 v56, v32  }
0x2cc: {  	v59 =	vld [tilespmem:s24+$0x300];
	s25 =	sor.u32 s25, s23  }
0x2cd: {  	s25 =	sor.u32 $0x380, s25;
	v60 =	vmul.f32 v36, v4;
	v32 =	vadd.f32 v58, v32  }
0x2ce: {  	v61 =	vld [tilespmem:s25+$0x0]  }
0x2cf: {  	v62 =	vmul.f32 v57, v5;
	v32 =	vadd.f32 v60, v32  }
0x2d0: {  	v63 =	vld [tilespmem:s24+$0x2000]  }
0x2d1: {  	v40 =	vmul.f32 v59, v6;
	v32 =	vadd.f32 v62, v32  }
0x2d2: {  	v41 =	vld [tilespmem:s24+$0x2080]  }
0x2d3: {  	v42 =	vmul.f32 v61, v7;
	v32 =	vadd.f32 v40, v32  }
0x2d4: {  	v43 =	vld [tilespmem:s24+$0x2100]  }
0x2d5: {  	v44 =	vmul.f32 v63, v8;
	v32 =	vadd.f32 v42, v32  }
0x2d6: {  	v45 =	vld [tilespmem:s24+$0x2180]  }
0x2d7: {  	v46 =	vmul.f32 v41, v9;
	v32 =	vadd.f32 v44, v32  }
0x2d8: {  	v47 =	vld [tilespmem:s24+$0x2200]  }
0x2d9: {  	v48 =	vmul.f32 v43, v10;
	v32 =	vadd.f32 v46, v32  }
0x2da: {  	v49 =	vld [tilespmem:s24+$0x2280]  }
0x2db: {  	v50 =	vmul.f32 v45, v11;
	v32 =	vadd.f32 v48, v32  }
0x2dc: {  	v51 =	vld [tilespmem:s24+$0x2300]  }
0x2dd: {  	v52 =	vmul.f32 v47, v12;
	v32 =	vadd.f32 v50, v32  }
0x2de: {  	v53 =	vld [tilespmem:s24+$0x2380]  }
0x2df: {  	v54 =	vmul.f32 v49, v13;
	v32 =	vadd.f32 v52, v32  }
0x2e0: {  	v55 =	vld [tilespmem:s24+$0x4000]  }
0x2e1: {  	v56 =	vmul.f32 v51, v14;
	v32 =	vadd.f32 v54, v32  }
0x2e2: {  	v57 =	vld [tilespmem:s24+$0x4080]  }
0x2e3: {  	v58 =	vmul.f32 v53, v15;
	v32 =	vadd.f32 v56, v32  }
0x2e4: {  	v59 =	vld [tilespmem:s24+$0x4100]  }
0x2e5: {  	v60 =	vmul.f32 v55, v16;
	v32 =	vadd.f32 v58, v32  }
0x2e6: {  	v61 =	vld [tilespmem:s24+$0x4180]  }
0x2e7: {  	v62 =	vmul.f32 v57, v17;
	v32 =	vadd.f32 v60, v32  }
0x2e8: {  	v63 =	vld [tilespmem:s24+$0x4200]  }
0x2e9: {  	v39 =	vmul.f32 v59, v18;
	v32 =	vadd.f32 v62, v32  }
0x2ea: {  	v40 =	vld [tilespmem:s24+$0x4280]  }
0x2eb: {  	v41 =	vmul.f32 v61, v19;
	v32 =	vadd.f32 v39, v32  }
0x2ec: {  	v42 =	vld [tilespmem:s24+$0x4300]  }
0x2ed: {  	v43 =	vmul.f32 v63, v20;
	v32 =	vadd.f32 v41, v32  }
0x2ee: {  	v44 =	vld [tilespmem:s24+$0x4380]  }
0x2ef: {  	v45 =	vmul.f32 v40, v21;
	v32 =	vadd.f32 v43, v32  }
0x2f0: {  	v46 =	vld [tilespmem:s24+$0x6000]  }
0x2f1: {  	v47 =	vmul.f32 v42, v22;
	v32 =	vadd.f32 v45, v32  }
0x2f2: {  	v48 =	vld [tilespmem:s24+$0x6080]  }
0x2f3: {  	v49 =	vmul.f32 v44, v23;
	v32 =	vadd.f32 v47, v32  }
0x2f4: {  	v50 =	vld [tilespmem:s24+$0x6100]  }
0x2f5: {  	v51 =	vmul.f32 v46, v24;
	v32 =	vadd.f32 v49, v32  }
0x2f6: {  	v52 =	vld [tilespmem:s24+$0x6180]  }
0x2f7: {  	v53 =	vmul.f32 v48, v25;
	v32 =	vadd.f32 v51, v32  }
0x2f8: {  	v54 =	vld [tilespmem:s24+$0x6200]  }
0x2f9: {  	v55 =	vmul.f32 v50, v26;
	v32 =	vadd.f32 v53, v32  }
0x2fa: {  	v56 =	vld [tilespmem:s24+$0x6280]  }
0x2fb: {  	v57 =	vmul.f32 v52, v27;
	v32 =	vadd.f32 v55, v32  }
0x2fc: {  	v58 =	vld [tilespmem:s24+$0x6300]  }
0x2fd: {  	v59 =	vmul.f32 v54, v28;
	v32 =	vadd.f32 v57, v32  }
0x2fe: {  	v60 =	vld [tilespmem:s24+$0x6380]  }
0x2ff: {  	v61 =	vmul.f32 v56, v29;
	v32 =	vadd.f32 v59, v32;
	_ =	sdelay $0x1  }
0x300: {  	v62 =	vmul.f32 v58, v30;
	v32 =	vadd.f32 v61, v32;
	_ =	sdelay $0x1  }
0x301: {  	v63 =	vmul.f32 v60, v31;
	v32 =	vadd.f32 v62, v32;
	_ =	sdelay $0x1  }
0x302: {  	v32 =	vadd.f32 v63, v32  }
0x303: {  	s29 =	sand.u32 $0x3F0, s23  }
0x304: {  	[tilespmem:s29+$0x11000] =	vst v32  }
0x305: {  	s23 =	simm.s32 $0x0;
	s26 =	simm.s32 $0x10;
	_ =	swait.ge [sflag:s20], $0x8000  }
0x306: {  	s30 =	sand.u32 $0x70, s23;
	s31 =	sand.u32 $0x1C00, s23;
	[sflag:s20] =	ssyncset.done $0x0  }
0x307: {  	s25 =	simm.s32 $0x0;
	s24 =	sor.u32 s30, s31;
	[sflag:s20] =	ssyncadd.s32 $0xFFFF8000  }
0x308: {  	[tilespmem:s23], [sflag:$0x1] =	stream.strided.gather [hbm4b:s10+s16], $0x8000, s17, s16, $0x38;
	[tilespmem:$0x12080] =	vst v63  }
.LBB2_12:
0x309: {  	p0 =	sne.s32 s26, $0x3F0;
	v32 =	vld [tilespmem:s24+$0x8000]  }
0x30a: {  	v33 =	vld [tilespmem:s24+$0x8080];
	_ =	sdelay $0x1  }
0x30b: {  	v34 =	vld [tilespmem:s24+$0x8100];
	_ =	sdelay $0x1  }
0x30c: {  	v35 =	vld [tilespmem:s24+$0x8180]  }
0x30d: {  	v32 =	vmul.f32 v32, v1;
	v33 =	vmul.f32 v33, v2  }
0x30e: {  	v36 =	vld [tilespmem:s24+$0x8200]  }
0x30f: {  	v32 =	vadd.f32 v33, v32;
	v33 =	vmul.f32 v34, v0  }
0x310: {  	v34 =	vld [tilespmem:s24+$0x8280]  }
0x311: {  	v32 =	vadd.f32 v33, v32;
	v33 =	vmul.f32 v35, v3  }
0x312: {  	s28 =	sor.u32 s25, s23;
	v35 =	vld [tilespmem:s24+$0x8300]  }
0x313: {  	s28 =	sor.u32 $0x380, s28;
	v32 =	vadd.f32 v33, v32;
	v33 =	vmul.f32 v36, v4  }
0x314: {  	v36 =	vld [tilespmem:s28+$0x8000]  }
0x315: {  	v32 =	vadd.f32 v33, v32;
	v33 =	vmul.f32 v34, v5  }
0x316: {  	v34 =	vld [tilespmem:s24+$0xA000]  }
0x317: {  	v32 =	vadd.f32 v33, v32;
	v33 =	vmul.f32 v35, v6  }
0x318: {  	v35 =	vld [tilespmem:s24+$0xA080]  }
0x319: {  	v32 =	vadd.f32 v33, v32;
	v33 =	vmul.f32 v36, v7  }
0x31a: {  	v36 =	vld [tilespmem:s24+$0xA100]  }
0x31b: {  	v32 =	vadd.f32 v33, v32;
	v33 =	vmul.f32 v34, v8  }
0x31c: {  	v34 =	vld [tilespmem:s24+$0xA180]  }
0x31d: {  	v32 =	vadd.f32 v33, v32;
	v33 =	vmul.f32 v35, v9  }
0x31e: {  	v35 =	vld [tilespmem:s24+$0xA200]  }
0x31f: {  	v32 =	vadd.f32 v33, v32;
	v33 =	vmul.f32 v36, v10  }
0x320: {  	v36 =	vld [tilespmem:s24+$0xA280]  }
0x321: {  	v32 =	vadd.f32 v33, v32;
	v33 =	vmul.f32 v34, v11  }
0x322: {  	v34 =	vld [tilespmem:s24+$0xA300]  }
0x323: {  	v32 =	vadd.f32 v33, v32;
	v33 =	vmul.f32 v35, v12  }
0x324: {  	v35 =	vld [tilespmem:s24+$0xA380]  }
0x325: {  	v32 =	vadd.f32 v33, v32;
	v33 =	vmul.f32 v36, v13  }
0x326: {  	v36 =	vld [tilespmem:s24+$0xC000]  }
0x327: {  	v32 =	vadd.f32 v33, v32;
	v33 =	vmul.f32 v34, v14  }
0x328: {  	v34 =	vld [tilespmem:s24+$0xC080]  }
0x329: {  	v32 =	vadd.f32 v33, v32;
	v33 =	vmul.f32 v35, v15  }
0x32a: {  	v35 =	vld [tilespmem:s24+$0xC100]  }
0x32b: {  	v32 =	vadd.f32 v33, v32;
	v33 =	vmul.f32 v36, v16  }
0x32c: {  	v36 =	vld [tilespmem:s24+$0xC180]  }
0x32d: {  	v32 =	vadd.f32 v33, v32;
	v33 =	vmul.f32 v34, v17  }
0x32e: {  	v34 =	vld [tilespmem:s24+$0xC200]  }
0x32f: {  	v32 =	vadd.f32 v33, v32;
	v33 =	vmul.f32 v35, v18  }
0x330: {  	v35 =	vld [tilespmem:s24+$0xC280]  }
0x331: {  	v32 =	vadd.f32 v33, v32;
	v33 =	vmul.f32 v36, v19  }
0x332: {  	v36 =	vld [tilespmem:s24+$0xC300]  }
0x333: {  	v32 =	vadd.f32 v33, v32;
	v33 =	vmul.f32 v34, v20  }
0x334: {  	v34 =	vld [tilespmem:s24+$0xC380]  }
0x335: {  	v32 =	vadd.f32 v33, v32;
	v33 =	vmul.f32 v35, v21  }
0x336: {  	v35 =	vld [tilespmem:s24+$0xE000]  }
0x337: {  	v32 =	vadd.f32 v33, v32;
	v33 =	vmul.f32 v36, v22  }
0x338: {  	v36 =	vld [tilespmem:s24+$0xE080]  }
0x339: {  	v32 =	vadd.f32 v33, v32;
	v33 =	vmul.f32 v34, v23  }
0x33a: {  	v34 =	vld [tilespmem:s24+$0xE100]  }
0x33b: {  	v32 =	vadd.f32 v33, v32;
	v33 =	vmul.f32 v35, v24  }
0x33c: {  	v35 =	vld [tilespmem:s24+$0xE180]  }
0x33d: {  	v32 =	vadd.f32 v33, v32;
	v33 =	vmul.f32 v36, v25  }
0x33e: {  	v36 =	vld [tilespmem:s24+$0xE200]  }
0x33f: {  	v32 =	vadd.f32 v33, v32;
	v33 =	vmul.f32 v34, v26  }
0x340: {  	v34 =	vld [tilespmem:s24+$0xE280]  }
0x341: {  	v32 =	vadd.f32 v33, v32;
	v33 =	vmul.f32 v35, v27  }
0x342: {  	v35 =	vld [tilespmem:s24+$0xE300]  }
0x343: {  	v32 =	vadd.f32 v33, v32;
	v33 =	vmul.f32 v36, v28  }
0x344: {  	v36 =	vld [tilespmem:s24+$0xE380]  }
0x345: {  	v32 =	vadd.f32 v33, v32;
	v33 =	vmul.f32 v34, v29;
	_ =	sdelay $0x1  }
0x346: {  	v32 =	vadd.f32 v33, v32;
	v33 =	vmul.f32 v35, v30;
	_ =	sdelay $0x1  }
.Ltmp5:
0x347: {  	v32 =	vadd.f32 v33, v32;
	v33 =	vmul.f32 v36, v31;
	(pc) =	sbr.rel @p0 .LBB2_12-.Ltmp5, $4  }
0x348: {  	_ = 	snop  }
0x349: {  	s25 =	sadd.s32 $0x80, s25;
	v32 =	vadd.f32 v33, v32  }
0x34a: {  	s23 =	sand.u32 $0x3F0, s23;
	s28 =	sand.u32 $0x1C00, s25;
	s24 =	sand.u32 $0x70, s26  }
0x34b: {  	s24 =	sor.u32 s24, s28;
	[tilespmem:s23+$0x11400] =	vst v32;
	s23 =	smov.u32 s26;
	s26 =	sadd.s32 $0x10, s26  }
0x34c: {  	v32 =	vld [tilespmem:s24+$0x8000]  }
0x34d: {  	v33 =	vld [tilespmem:s24+$0x8080];
	_ =	sdelay $0x1  }
0x34e: {  	v34 =	vld [tilespmem:s24+$0x8100];
	_ =	sdelay $0x1  }
0x34f: {  	v35 =	vld [tilespmem:s24+$0x8180]  }
0x350: {  	v32 =	vmul.f32 v32, v1;
	v33 =	vmul.f32 v33, v2  }
0x351: {  	v36 =	vld [tilespmem:s24+$0x8200]  }
0x352: {  	v56 =	vmul.f32 v34, v0;
	v32 =	vadd.f32 v33, v32  }
0x353: {  	v57 =	vld [tilespmem:s24+$0x8280]  }
0x354: {  	v58 =	vmul.f32 v35, v3;
	v32 =	vadd.f32 v56, v32  }
0x355: {  	v59 =	vld [tilespmem:s24+$0x8300];
	s25 =	sor.u32 s25, s23  }
0x356: {  	s25 =	sor.u32 $0x380, s25;
	v60 =	vmul.f32 v36, v4;
	v32 =	vadd.f32 v58, v32  }
0x357: {  	v61 =	vld [tilespmem:s25+$0x8000]  }
0x358: {  	v62 =	vmul.f32 v57, v5;
	v32 =	vadd.f32 v60, v32  }
0x359: {  	v63 =	vld [tilespmem:s24+$0xA000]  }
0x35a: {  	v40 =	vmul.f32 v59, v6;
	v32 =	vadd.f32 v62, v32  }
0x35b: {  	v41 =	vld [tilespmem:s24+$0xA080]  }
0x35c: {  	v42 =	vmul.f32 v61, v7;
	v32 =	vadd.f32 v40, v32  }
0x35d: {  	v43 =	vld [tilespmem:s24+$0xA100]  }
0x35e: {  	v44 =	vmul.f32 v63, v8;
	v32 =	vadd.f32 v42, v32  }
0x35f: {  	v45 =	vld [tilespmem:s24+$0xA180]  }
0x360: {  	v46 =	vmul.f32 v41, v9;
	v32 =	vadd.f32 v44, v32  }
0x361: {  	v47 =	vld [tilespmem:s24+$0xA200]  }
0x362: {  	v48 =	vmul.f32 v43, v10;
	v32 =	vadd.f32 v46, v32  }
0x363: {  	v49 =	vld [tilespmem:s24+$0xA280]  }
0x364: {  	v50 =	vmul.f32 v45, v11;
	v32 =	vadd.f32 v48, v32  }
0x365: {  	v51 =	vld [tilespmem:s24+$0xA300]  }
0x366: {  	v52 =	vmul.f32 v47, v12;
	v32 =	vadd.f32 v50, v32  }
0x367: {  	v53 =	vld [tilespmem:s24+$0xA380]  }
0x368: {  	v54 =	vmul.f32 v49, v13;
	v32 =	vadd.f32 v52, v32  }
0x369: {  	v55 =	vld [tilespmem:s24+$0xC000]  }
0x36a: {  	v56 =	vmul.f32 v51, v14;
	v32 =	vadd.f32 v54, v32  }
0x36b: {  	v57 =	vld [tilespmem:s24+$0xC080]  }
0x36c: {  	v58 =	vmul.f32 v53, v15;
	v32 =	vadd.f32 v56, v32  }
0x36d: {  	v59 =	vld [tilespmem:s24+$0xC100]  }
0x36e: {  	v60 =	vmul.f32 v55, v16;
	v32 =	vadd.f32 v58, v32  }
0x36f: {  	v61 =	vld [tilespmem:s24+$0xC180]  }
0x370: {  	v62 =	vmul.f32 v57, v17;
	v32 =	vadd.f32 v60, v32  }
0x371: {  	v63 =	vld [tilespmem:s24+$0xC200]  }
0x372: {  	v39 =	vmul.f32 v59, v18;
	v32 =	vadd.f32 v62, v32  }
0x373: {  	v40 =	vld [tilespmem:s24+$0xC280]  }
0x374: {  	v41 =	vmul.f32 v61, v19;
	v32 =	vadd.f32 v39, v32  }
0x375: {  	v42 =	vld [tilespmem:s24+$0xC300]  }
0x376: {  	v43 =	vmul.f32 v63, v20;
	v32 =	vadd.f32 v41, v32  }
0x377: {  	v44 =	vld [tilespmem:s24+$0xC380]  }
0x378: {  	v45 =	vmul.f32 v40, v21;
	v32 =	vadd.f32 v43, v32  }
0x379: {  	v46 =	vld [tilespmem:s24+$0xE000]  }
0x37a: {  	v47 =	vmul.f32 v42, v22;
	v32 =	vadd.f32 v45, v32  }
0x37b: {  	v48 =	vld [tilespmem:s24+$0xE080]  }
0x37c: {  	v49 =	vmul.f32 v44, v23;
	v32 =	vadd.f32 v47, v32  }
0x37d: {  	v50 =	vld [tilespmem:s24+$0xE100]  }
0x37e: {  	v51 =	vmul.f32 v46, v24;
	v32 =	vadd.f32 v49, v32  }
0x37f: {  	v52 =	vld [tilespmem:s24+$0xE180]  }
0x380: {  	v53 =	vmul.f32 v48, v25;
	v32 =	vadd.f32 v51, v32  }
0x381: {  	v54 =	vld [tilespmem:s24+$0xE200]  }
0x382: {  	v55 =	vmul.f32 v50, v26;
	v32 =	vadd.f32 v53, v32  }
0x383: {  	v56 =	vld [tilespmem:s24+$0xE280]  }
0x384: {  	v57 =	vmul.f32 v52, v27;
	v32 =	vadd.f32 v55, v32  }
0x385: {  	v58 =	vld [tilespmem:s24+$0xE300]  }
0x386: {  	v59 =	vmul.f32 v54, v28;
	v32 =	vadd.f32 v57, v32  }
0x387: {  	v60 =	vld [tilespmem:s24+$0xE380]  }
0x388: {  	v61 =	vmul.f32 v56, v29;
	v32 =	vadd.f32 v59, v32;
	_ =	sdelay $0x1  }
0x389: {  	v62 =	vmul.f32 v58, v30;
	v32 =	vadd.f32 v61, v32;
	_ =	sdelay $0x1  }
0x38a: {  	v63 =	vmul.f32 v60, v31;
	v32 =	vadd.f32 v62, v32;
	_ =	sdelay $0x1  }
0x38b: {  	v32 =	vadd.f32 v63, v32  }
0x38c: {  	s29 =	sand.u32 $0x3F0, s23  }
0x38d: {  	[tilespmem:s29+$0x11400] =	vst v32  }
0x38e: {  	s23 =	simm.s32 $0x0;
	s26 =	simm.s32 $0x10;
	_ =	swait.ge [sflag:s18], $0x8000  }
0x38f: {  	s30 =	sand.u32 $0x70, s23;
	s31 =	sand.u32 $0x1C00, s23;
	[sflag:s18] =	ssyncset.done $0x0  }
0x390: {  	s25 =	simm.s32 $0x0;
	s24 =	sor.u32 s30, s31;
	[sflag:s18] =	ssyncadd.s32 $0xFFFF8000  }
0x391: {  	[tilespmem:s19], [sflag:$0x2] =	stream.strided.gather [hbm4b:s11+s16], $0x8000, s17, s16, $0x38;
	[tilespmem:$0x12080] =	vst v63  }
.LBB2_14:
0x392: {  	p0 =	sne.s32 s26, $0x3F0;
	v32 =	vld [tilespmem:s24+$0x0]  }
0x393: {  	v33 =	vld [tilespmem:s24+$0x80];
	_ =	sdelay $0x1  }
0x394: {  	v34 =	vld [tilespmem:s24+$0x100];
	_ =	sdelay $0x1  }
0x395: {  	v35 =	vld [tilespmem:s24+$0x180]  }
0x396: {  	v32 =	vmul.f32 v32, v1;
	v33 =	vmul.f32 v33, v2  }
0x397: {  	v36 =	vld [tilespmem:s24+$0x200]  }
0x398: {  	v32 =	vadd.f32 v33, v32;
	v33 =	vmul.f32 v34, v0  }
0x399: {  	v34 =	vld [tilespmem:s24+$0x280]  }
0x39a: {  	v32 =	vadd.f32 v33, v32;
	v33 =	vmul.f32 v35, v3  }
0x39b: {  	s28 =	sor.u32 s25, s23;
	v35 =	vld [tilespmem:s24+$0x300]  }
0x39c: {  	s28 =	sor.u32 $0x380, s28;
	v32 =	vadd.f32 v33, v32;
	v33 =	vmul.f32 v36, v4  }
0x39d: {  	v36 =	vld [tilespmem:s28+$0x0]  }
0x39e: {  	v32 =	vadd.f32 v33, v32;
	v33 =	vmul.f32 v34, v5  }
0x39f: {  	v34 =	vld [tilespmem:s24+$0x2000]  }
0x3a0: {  	v32 =	vadd.f32 v33, v32;
	v33 =	vmul.f32 v35, v6  }
0x3a1: {  	v35 =	vld [tilespmem:s24+$0x2080]  }
0x3a2: {  	v32 =	vadd.f32 v33, v32;
	v33 =	vmul.f32 v36, v7  }
0x3a3: {  	v36 =	vld [tilespmem:s24+$0x2100]  }
0x3a4: {  	v32 =	vadd.f32 v33, v32;
	v33 =	vmul.f32 v34, v8  }
0x3a5: {  	v34 =	vld [tilespmem:s24+$0x2180]  }
0x3a6: {  	v32 =	vadd.f32 v33, v32;
	v33 =	vmul.f32 v35, v9  }
0x3a7: {  	v35 =	vld [tilespmem:s24+$0x2200]  }
0x3a8: {  	v32 =	vadd.f32 v33, v32;
	v33 =	vmul.f32 v36, v10  }
0x3a9: {  	v36 =	vld [tilespmem:s24+$0x2280]  }
0x3aa: {  	v32 =	vadd.f32 v33, v32;
	v33 =	vmul.f32 v34, v11  }
0x3ab: {  	v34 =	vld [tilespmem:s24+$0x2300]  }
0x3ac: {  	v32 =	vadd.f32 v33, v32;
	v33 =	vmul.f32 v35, v12  }
0x3ad: {  	v35 =	vld [tilespmem:s24+$0x2380]  }
0x3ae: {  	v32 =	vadd.f32 v33, v32;
	v33 =	vmul.f32 v36, v13  }
0x3af: {  	v36 =	vld [tilespmem:s24+$0x4000]  }
0x3b0: {  	v32 =	vadd.f32 v33, v32;
	v33 =	vmul.f32 v34, v14  }
0x3b1: {  	v34 =	vld [tilespmem:s24+$0x4080]  }
0x3b2: {  	v32 =	vadd.f32 v33, v32;
	v33 =	vmul.f32 v35, v15  }
0x3b3: {  	v35 =	vld [tilespmem:s24+$0x4100]  }
0x3b4: {  	v32 =	vadd.f32 v33, v32;
	v33 =	vmul.f32 v36, v16  }
0x3b5: {  	v36 =	vld [tilespmem:s24+$0x4180]  }
0x3b6: {  	v32 =	vadd.f32 v33, v32;
	v33 =	vmul.f32 v34, v17  }
0x3b7: {  	v34 =	vld [tilespmem:s24+$0x4200]  }
0x3b8: {  	v32 =	vadd.f32 v33, v32;
	v33 =	vmul.f32 v35, v18  }
0x3b9: {  	v35 =	vld [tilespmem:s24+$0x4280]  }
0x3ba: {  	v32 =	vadd.f32 v33, v32;
	v33 =	vmul.f32 v36, v19  }
0x3bb: {  	v36 =	vld [tilespmem:s24+$0x4300]  }
0x3bc: {  	v32 =	vadd.f32 v33, v32;
	v33 =	vmul.f32 v34, v20  }
0x3bd: {  	v34 =	vld [tilespmem:s24+$0x4380]  }
0x3be: {  	v32 =	vadd.f32 v33, v32;
	v33 =	vmul.f32 v35, v21  }
0x3bf: {  	v35 =	vld [tilespmem:s24+$0x6000]  }
0x3c0: {  	v32 =	vadd.f32 v33, v32;
	v33 =	vmul.f32 v36, v22  }
0x3c1: {  	v36 =	vld [tilespmem:s24+$0x6080]  }
0x3c2: {  	v32 =	vadd.f32 v33, v32;
	v33 =	vmul.f32 v34, v23  }
0x3c3: {  	v34 =	vld [tilespmem:s24+$0x6100]  }
0x3c4: {  	v32 =	vadd.f32 v33, v32;
	v33 =	vmul.f32 v35, v24  }
0x3c5: {  	v35 =	vld [tilespmem:s24+$0x6180]  }
0x3c6: {  	v32 =	vadd.f32 v33, v32;
	v33 =	vmul.f32 v36, v25  }
0x3c7: {  	v36 =	vld [tilespmem:s24+$0x6200]  }
0x3c8: {  	v32 =	vadd.f32 v33, v32;
	v33 =	vmul.f32 v34, v26  }
0x3c9: {  	v34 =	vld [tilespmem:s24+$0x6280]  }
0x3ca: {  	v32 =	vadd.f32 v33, v32;
	v33 =	vmul.f32 v35, v27  }
0x3cb: {  	v35 =	vld [tilespmem:s24+$0x6300]  }
0x3cc: {  	v32 =	vadd.f32 v33, v32;
	v33 =	vmul.f32 v36, v28  }
0x3cd: {  	v36 =	vld [tilespmem:s24+$0x6380]  }
0x3ce: {  	v32 =	vadd.f32 v33, v32;
	v33 =	vmul.f32 v34, v29;
	_ =	sdelay $0x1  }
0x3cf: {  	v32 =	vadd.f32 v33, v32;
	v33 =	vmul.f32 v35, v30;
	_ =	sdelay $0x1  }
.Ltmp6:
0x3d0: {  	v32 =	vadd.f32 v33, v32;
	v33 =	vmul.f32 v36, v31;
	(pc) =	sbr.rel @p0 .LBB2_14-.Ltmp6, $4  }
0x3d1: {  	_ = 	snop  }
0x3d2: {  	s25 =	sadd.s32 $0x80, s25;
	v32 =	vadd.f32 v33, v32  }
0x3d3: {  	s23 =	sand.u32 $0x3F0, s23;
	s28 =	sand.u32 $0x1C00, s25;
	s24 =	sand.u32 $0x70, s26  }
0x3d4: {  	s24 =	sor.u32 s24, s28;
	[tilespmem:s23+$0x11800] =	vst v32;
	s23 =	smov.u32 s26;
	s26 =	sadd.s32 $0x10, s26  }
0x3d5: {  	v32 =	vld [tilespmem:s24+$0x0]  }
0x3d6: {  	v33 =	vld [tilespmem:s24+$0x80];
	_ =	sdelay $0x1  }
0x3d7: {  	v34 =	vld [tilespmem:s24+$0x100];
	_ =	sdelay $0x1  }
0x3d8: {  	v35 =	vld [tilespmem:s24+$0x180]  }
0x3d9: {  	v32 =	vmul.f32 v32, v1;
	v33 =	vmul.f32 v33, v2  }
0x3da: {  	v36 =	vld [tilespmem:s24+$0x200]  }
0x3db: {  	v56 =	vmul.f32 v34, v0;
	v32 =	vadd.f32 v33, v32  }
0x3dc: {  	v57 =	vld [tilespmem:s24+$0x280]  }
0x3dd: {  	v58 =	vmul.f32 v35, v3;
	v32 =	vadd.f32 v56, v32  }
0x3de: {  	v59 =	vld [tilespmem:s24+$0x300];
	s25 =	sor.u32 s25, s23  }
0x3df: {  	s25 =	sor.u32 $0x380, s25;
	v60 =	vmul.f32 v36, v4;
	v32 =	vadd.f32 v58, v32  }
0x3e0: {  	v61 =	vld [tilespmem:s25+$0x0]  }
0x3e1: {  	v62 =	vmul.f32 v57, v5;
	v32 =	vadd.f32 v60, v32  }
0x3e2: {  	v63 =	vld [tilespmem:s24+$0x2000]  }
0x3e3: {  	v40 =	vmul.f32 v59, v6;
	v32 =	vadd.f32 v62, v32  }
0x3e4: {  	v41 =	vld [tilespmem:s24+$0x2080]  }
0x3e5: {  	v42 =	vmul.f32 v61, v7;
	v32 =	vadd.f32 v40, v32  }
0x3e6: {  	v43 =	vld [tilespmem:s24+$0x2100]  }
0x3e7: {  	v44 =	vmul.f32 v63, v8;
	v32 =	vadd.f32 v42, v32  }
0x3e8: {  	v45 =	vld [tilespmem:s24+$0x2180]  }
0x3e9: {  	v46 =	vmul.f32 v41, v9;
	v32 =	vadd.f32 v44, v32  }
0x3ea: {  	v47 =	vld [tilespmem:s24+$0x2200]  }
0x3eb: {  	v48 =	vmul.f32 v43, v10;
	v32 =	vadd.f32 v46, v32  }
0x3ec: {  	v49 =	vld [tilespmem:s24+$0x2280]  }
0x3ed: {  	v50 =	vmul.f32 v45, v11;
	v32 =	vadd.f32 v48, v32  }
0x3ee: {  	v51 =	vld [tilespmem:s24+$0x2300]  }
0x3ef: {  	v52 =	vmul.f32 v47, v12;
	v32 =	vadd.f32 v50, v32  }
0x3f0: {  	v53 =	vld [tilespmem:s24+$0x2380]  }
0x3f1: {  	v54 =	vmul.f32 v49, v13;
	v32 =	vadd.f32 v52, v32  }
0x3f2: {  	v55 =	vld [tilespmem:s24+$0x4000]  }
0x3f3: {  	v56 =	vmul.f32 v51, v14;
	v32 =	vadd.f32 v54, v32  }
0x3f4: {  	v57 =	vld [tilespmem:s24+$0x4080]  }
0x3f5: {  	v58 =	vmul.f32 v53, v15;
	v32 =	vadd.f32 v56, v32  }
0x3f6: {  	v59 =	vld [tilespmem:s24+$0x4100]  }
0x3f7: {  	v60 =	vmul.f32 v55, v16;
	v32 =	vadd.f32 v58, v32  }
0x3f8: {  	v61 =	vld [tilespmem:s24+$0x4180]  }
0x3f9: {  	v62 =	vmul.f32 v57, v17;
	v32 =	vadd.f32 v60, v32  }
0x3fa: {  	v63 =	vld [tilespmem:s24+$0x4200]  }
0x3fb: {  	v39 =	vmul.f32 v59, v18;
	v32 =	vadd.f32 v62, v32  }
0x3fc: {  	v40 =	vld [tilespmem:s24+$0x4280]  }
0x3fd: {  	v41 =	vmul.f32 v61, v19;
	v32 =	vadd.f32 v39, v32  }
0x3fe: {  	v42 =	vld [tilespmem:s24+$0x4300]  }
0x3ff: {  	v43 =	vmul.f32 v63, v20;
	v32 =	vadd.f32 v41, v32  }
0x400: {  	v44 =	vld [tilespmem:s24+$0x4380]  }
0x401: {  	v45 =	vmul.f32 v40, v21;
	v32 =	vadd.f32 v43, v32  }
0x402: {  	v46 =	vld [tilespmem:s24+$0x6000]  }
0x403: {  	v47 =	vmul.f32 v42, v22;
	v32 =	vadd.f32 v45, v32  }
0x404: {  	v48 =	vld [tilespmem:s24+$0x6080]  }
0x405: {  	v49 =	vmul.f32 v44, v23;
	v32 =	vadd.f32 v47, v32  }
0x406: {  	v50 =	vld [tilespmem:s24+$0x6100]  }
0x407: {  	v51 =	vmul.f32 v46, v24;
	v32 =	vadd.f32 v49, v32  }
0x408: {  	v52 =	vld [tilespmem:s24+$0x6180]  }
0x409: {  	v53 =	vmul.f32 v48, v25;
	v32 =	vadd.f32 v51, v32  }
0x40a: {  	v54 =	vld [tilespmem:s24+$0x6200]  }
0x40b: {  	v55 =	vmul.f32 v50, v26;
	v32 =	vadd.f32 v53, v32  }
0x40c: {  	v56 =	vld [tilespmem:s24+$0x6280]  }
0x40d: {  	v57 =	vmul.f32 v52, v27;
	v32 =	vadd.f32 v55, v32  }
0x40e: {  	v58 =	vld [tilespmem:s24+$0x6300]  }
0x40f: {  	v59 =	vmul.f32 v54, v28;
	v32 =	vadd.f32 v57, v32  }
0x410: {  	v60 =	vld [tilespmem:s24+$0x6380]  }
0x411: {  	v61 =	vmul.f32 v56, v29;
	v32 =	vadd.f32 v59, v32;
	_ =	sdelay $0x1  }
0x412: {  	v62 =	vmul.f32 v58, v30;
	v32 =	vadd.f32 v61, v32;
	_ =	sdelay $0x1  }
0x413: {  	v63 =	vmul.f32 v60, v31;
	v32 =	vadd.f32 v62, v32;
	_ =	sdelay $0x1  }
0x414: {  	v32 =	vadd.f32 v63, v32  }
0x415: {  	s29 =	sand.u32 $0x3F0, s23  }
0x416: {  	[tilespmem:s29+$0x11800] =	vst v32  }
0x417: {  	s23 =	simm.s32 $0x0;
	s26 =	simm.s32 $0x10;
	_ =	swait.ge [sflag:s20], $0x8000  }
0x418: {  	s30 =	sand.u32 $0x70, s23;
	s31 =	sand.u32 $0x1C00, s23;
	[sflag:s20] =	ssyncset.done $0x0  }
0x419: {  	s25 =	simm.s32 $0x0;
	s24 =	sor.u32 s30, s31;
	[sflag:s20] =	ssyncadd.s32 $0xFFFF8000  }
.LBB2_16:
0x41a: {  	p0 =	sne.s32 s26, $0x3F0;
	v32 =	vld [tilespmem:s24+$0x8000]  }
0x41b: {  	v33 =	vld [tilespmem:s24+$0x8080];
	_ =	sdelay $0x1  }
0x41c: {  	v34 =	vld [tilespmem:s24+$0x8100];
	_ =	sdelay $0x1  }
0x41d: {  	v35 =	vld [tilespmem:s24+$0x8180]  }
0x41e: {  	v32 =	vmul.f32 v32, v1;
	v33 =	vmul.f32 v33, v2  }
0x41f: {  	v36 =	vld [tilespmem:s24+$0x8200]  }
0x420: {  	v32 =	vadd.f32 v33, v32;
	v33 =	vmul.f32 v34, v0  }
0x421: {  	v34 =	vld [tilespmem:s24+$0x8280]  }
0x422: {  	v32 =	vadd.f32 v33, v32;
	v33 =	vmul.f32 v35, v3  }
0x423: {  	s28 =	sor.u32 s25, s23;
	v35 =	vld [tilespmem:s24+$0x8300]  }
0x424: {  	s28 =	sor.u32 $0x380, s28;
	v32 =	vadd.f32 v33, v32;
	v33 =	vmul.f32 v36, v4  }
0x425: {  	v36 =	vld [tilespmem:s28+$0x8000]  }
0x426: {  	v32 =	vadd.f32 v33, v32;
	v33 =	vmul.f32 v34, v5  }
0x427: {  	v34 =	vld [tilespmem:s24+$0xA000]  }
0x428: {  	v32 =	vadd.f32 v33, v32;
	v33 =	vmul.f32 v35, v6  }
0x429: {  	v35 =	vld [tilespmem:s24+$0xA080]  }
0x42a: {  	v32 =	vadd.f32 v33, v32;
	v33 =	vmul.f32 v36, v7  }
0x42b: {  	v36 =	vld [tilespmem:s24+$0xA100]  }
0x42c: {  	v32 =	vadd.f32 v33, v32;
	v33 =	vmul.f32 v34, v8  }
0x42d: {  	v34 =	vld [tilespmem:s24+$0xA180]  }
0x42e: {  	v32 =	vadd.f32 v33, v32;
	v33 =	vmul.f32 v35, v9  }
0x42f: {  	v35 =	vld [tilespmem:s24+$0xA200]  }
0x430: {  	v32 =	vadd.f32 v33, v32;
	v33 =	vmul.f32 v36, v10  }
0x431: {  	v36 =	vld [tilespmem:s24+$0xA280]  }
0x432: {  	v32 =	vadd.f32 v33, v32;
	v33 =	vmul.f32 v34, v11  }
0x433: {  	v34 =	vld [tilespmem:s24+$0xA300]  }
0x434: {  	v32 =	vadd.f32 v33, v32;
	v33 =	vmul.f32 v35, v12  }
0x435: {  	v35 =	vld [tilespmem:s24+$0xA380]  }
0x436: {  	v32 =	vadd.f32 v33, v32;
	v33 =	vmul.f32 v36, v13  }
0x437: {  	v36 =	vld [tilespmem:s24+$0xC000]  }
0x438: {  	v32 =	vadd.f32 v33, v32;
	v33 =	vmul.f32 v34, v14  }
0x439: {  	v34 =	vld [tilespmem:s24+$0xC080]  }
0x43a: {  	v32 =	vadd.f32 v33, v32;
	v33 =	vmul.f32 v35, v15  }
0x43b: {  	v35 =	vld [tilespmem:s24+$0xC100]  }
0x43c: {  	v32 =	vadd.f32 v33, v32;
	v33 =	vmul.f32 v36, v16  }
0x43d: {  	v36 =	vld [tilespmem:s24+$0xC180]  }
0x43e: {  	v32 =	vadd.f32 v33, v32;
	v33 =	vmul.f32 v34, v17  }
0x43f: {  	v34 =	vld [tilespmem:s24+$0xC200]  }
0x440: {  	v32 =	vadd.f32 v33, v32;
	v33 =	vmul.f32 v35, v18  }
0x441: {  	v35 =	vld [tilespmem:s24+$0xC280]  }
0x442: {  	v32 =	vadd.f32 v33, v32;
	v33 =	vmul.f32 v36, v19  }
0x443: {  	v36 =	vld [tilespmem:s24+$0xC300]  }
0x444: {  	v32 =	vadd.f32 v33, v32;
	v33 =	vmul.f32 v34, v20  }
0x445: {  	v34 =	vld [tilespmem:s24+$0xC380]  }
0x446: {  	v32 =	vadd.f32 v33, v32;
	v33 =	vmul.f32 v35, v21  }
0x447: {  	v35 =	vld [tilespmem:s24+$0xE000]  }
0x448: {  	v32 =	vadd.f32 v33, v32;
	v33 =	vmul.f32 v36, v22  }
0x449: {  	v36 =	vld [tilespmem:s24+$0xE080]  }
0x44a: {  	v32 =	vadd.f32 v33, v32;
	v33 =	vmul.f32 v34, v23  }
0x44b: {  	v34 =	vld [tilespmem:s24+$0xE100]  }
0x44c: {  	v32 =	vadd.f32 v33, v32;
	v33 =	vmul.f32 v35, v24  }
0x44d: {  	v35 =	vld [tilespmem:s24+$0xE180]  }
0x44e: {  	v32 =	vadd.f32 v33, v32;
	v33 =	vmul.f32 v36, v25  }
0x44f: {  	v36 =	vld [tilespmem:s24+$0xE200]  }
0x450: {  	v32 =	vadd.f32 v33, v32;
	v33 =	vmul.f32 v34, v26  }
0x451: {  	v34 =	vld [tilespmem:s24+$0xE280]  }
0x452: {  	v32 =	vadd.f32 v33, v32;
	v33 =	vmul.f32 v35, v27  }
0x453: {  	v35 =	vld [tilespmem:s24+$0xE300]  }
0x454: {  	v32 =	vadd.f32 v33, v32;
	v33 =	vmul.f32 v36, v28  }
0x455: {  	v36 =	vld [tilespmem:s24+$0xE380]  }
0x456: {  	v32 =	vadd.f32 v33, v32;
	v33 =	vmul.f32 v34, v29;
	_ =	sdelay $0x1  }
0x457: {  	v32 =	vadd.f32 v33, v32;
	v33 =	vmul.f32 v35, v30;
	_ =	sdelay $0x1  }
.Ltmp7:
0x458: {  	v32 =	vadd.f32 v33, v32;
	v33 =	vmul.f32 v36, v31;
	(pc) =	sbr.rel @p0 .LBB2_16-.Ltmp7, $4  }
0x459: {  	_ = 	snop  }
0x45a: {  	s25 =	sadd.s32 $0x80, s25;
	v32 =	vadd.f32 v33, v32  }
0x45b: {  	s23 =	sand.u32 $0x3F0, s23;
	s28 =	sand.u32 $0x1C00, s25;
	s24 =	sand.u32 $0x70, s26  }
0x45c: {  	s24 =	sor.u32 s24, s28;
	[tilespmem:s23+$0x11C00] =	vst v32;
	s23 =	smov.u32 s26;
	s26 =	sadd.s32 $0x10, s26  }
0x45d: {  	v32 =	vld [tilespmem:s24+$0x8000]  }
0x45e: {  	v33 =	vld [tilespmem:s24+$0x8080];
	_ =	sdelay $0x1  }
0x45f: {  	v34 =	vld [tilespmem:s24+$0x8100];
	_ =	sdelay $0x1  }
0x460: {  	v35 =	vld [tilespmem:s24+$0x8180]  }
0x461: {  	v1 =	vmul.f32 v32, v1;
	v2 =	vmul.f32 v33, v2  }
0x462: {  	v46 =	vld [tilespmem:s24+$0x8200]  }
0x463: {  	v0 =	vmul.f32 v34, v0;
	v1 =	vadd.f32 v2, v1  }
0x464: {  	v47 =	vld [tilespmem:s24+$0x8280]  }
0x465: {  	v48 =	vmul.f32 v35, v3;
	v0 =	vadd.f32 v0, v1  }
0x466: {  	v49 =	vld [tilespmem:s24+$0x8300];
	s25 =	sor.u32 s25, s23  }
0x467: {  	s25 =	sor.u32 $0x380, s25;
	v50 =	vmul.f32 v46, v4;
	v0 =	vadd.f32 v48, v0  }
0x468: {  	v51 =	vld [tilespmem:s25+$0x8000]  }
0x469: {  	v52 =	vmul.f32 v47, v5;
	v0 =	vadd.f32 v50, v0  }
0x46a: {  	v53 =	vld [tilespmem:s24+$0xA000]  }
0x46b: {  	v54 =	vmul.f32 v49, v6;
	v0 =	vadd.f32 v52, v0  }
0x46c: {  	v55 =	vld [tilespmem:s24+$0xA080]  }
0x46d: {  	v56 =	vmul.f32 v51, v7;
	v0 =	vadd.f32 v54, v0  }
0x46e: {  	v57 =	vld [tilespmem:s24+$0xA100]  }
0x46f: {  	v58 =	vmul.f32 v53, v8;
	v0 =	vadd.f32 v56, v0  }
0x470: {  	v59 =	vld [tilespmem:s24+$0xA180]  }
0x471: {  	v60 =	vmul.f32 v55, v9;
	v0 =	vadd.f32 v58, v0  }
0x472: {  	v61 =	vld [tilespmem:s24+$0xA200]  }
0x473: {  	v62 =	vmul.f32 v57, v10;
	v0 =	vadd.f32 v60, v0  }
0x474: {  	v63 =	vld [tilespmem:s24+$0xA280]  }
0x475: {  	v8 =	vmul.f32 v59, v11;
	v0 =	vadd.f32 v62, v0  }
0x476: {  	v9 =	vld [tilespmem:s24+$0xA300]  }
0x477: {  	v10 =	vmul.f32 v61, v12;
	v0 =	vadd.f32 v8, v0  }
0x478: {  	v11 =	vld [tilespmem:s24+$0xA380]  }
0x479: {  	v12 =	vmul.f32 v63, v13;
	v0 =	vadd.f32 v10, v0  }
0x47a: {  	v13 =	vld [tilespmem:s24+$0xC000]  }
0x47b: {  	v14 =	vmul.f32 v9, v14;
	v0 =	vadd.f32 v12, v0  }
0x47c: {  	v32 =	vld [tilespmem:s24+$0xC080]  }
0x47d: {  	v33 =	vmul.f32 v11, v15;
	v0 =	vadd.f32 v14, v0  }
0x47e: {  	v34 =	vld [tilespmem:s24+$0xC100]  }
0x47f: {  	v35 =	vmul.f32 v13, v16;
	v0 =	vadd.f32 v33, v0  }
0x480: {  	v36 =	vld [tilespmem:s24+$0xC180]  }
0x481: {  	v37 =	vmul.f32 v32, v17;
	v0 =	vadd.f32 v35, v0  }
0x482: {  	v38 =	vld [tilespmem:s24+$0xC200]  }
0x483: {  	v39 =	vmul.f32 v34, v18;
	v0 =	vadd.f32 v37, v0  }
0x484: {  	v40 =	vld [tilespmem:s24+$0xC280]  }
0x485: {  	v41 =	vmul.f32 v36, v19;
	v0 =	vadd.f32 v39, v0  }
0x486: {  	v42 =	vld [tilespmem:s24+$0xC300]  }
0x487: {  	v43 =	vmul.f32 v38, v20;
	v0 =	vadd.f32 v41, v0  }
0x488: {  	v44 =	vld [tilespmem:s24+$0xC380]  }
0x489: {  	v45 =	vmul.f32 v40, v21;
	v0 =	vadd.f32 v43, v0  }
0x48a: {  	v46 =	vld [tilespmem:s24+$0xE000]  }
0x48b: {  	v47 =	vmul.f32 v42, v22;
	v0 =	vadd.f32 v45, v0  }
0x48c: {  	v48 =	vld [tilespmem:s24+$0xE080]  }
0x48d: {  	v49 =	vmul.f32 v44, v23;
	v0 =	vadd.f32 v47, v0  }
0x48e: {  	v50 =	vld [tilespmem:s24+$0xE100]  }
0x48f: {  	v51 =	vmul.f32 v46, v24;
	v0 =	vadd.f32 v49, v0  }
0x490: {  	v52 =	vld [tilespmem:s24+$0xE180]  }
0x491: {  	v53 =	vmul.f32 v48, v25;
	v0 =	vadd.f32 v51, v0  }
0x492: {  	v54 =	vld [tilespmem:s24+$0xE200]  }
0x493: {  	v55 =	vmul.f32 v50, v26;
	v0 =	vadd.f32 v53, v0  }
0x494: {  	v56 =	vld [tilespmem:s24+$0xE280]  }
0x495: {  	v57 =	vmul.f32 v52, v27;
	v0 =	vadd.f32 v55, v0  }
0x496: {  	v58 =	vld [tilespmem:s24+$0xE300]  }
0x497: {  	v59 =	vmul.f32 v54, v28;
	v0 =	vadd.f32 v57, v0  }
0x498: {  	v60 =	vld [tilespmem:s24+$0xE380]  }
0x499: {  	v61 =	vmul.f32 v56, v29;
	v0 =	vadd.f32 v59, v0;
	_ =	sdelay $0x1  }
0x49a: {  	v62 =	vmul.f32 v58, v30;
	v0 =	vadd.f32 v61, v0;
	_ =	sdelay $0x1  }
0x49b: {  	v63 =	vmul.f32 v60, v31;
	v0 =	vadd.f32 v62, v0;
	_ =	sdelay $0x1  }
0x49c: {  	s22 =	sadd.s32 $0x1, s22;
	v0 =	vadd.f32 v63, v0  }
0x49d: {  	s31 =	sand.u32 $0x3F0, s23;
	p0 =	sne.s32 s22, s13  }
.Ltmp8:
0x49e: {  	[tilespmem:s31+$0x11C00] =	vst v0;
	(pc) =	sbr.rel @p0 .LBB2_1-.Ltmp8, $4  }
0x49f: {  	[hbm4b:s12+s3] =	stream.linear.scatter [tilespmem:s21], [sflag:$0x3], $0x2000, $0x38;
	[tilespmem:$0x12080] =	vst v63  }
0x4a0: {  	_ =	swait.ge [sflag:s15], $0x2000  }
0x4a1: {  	[sflag:s15] =	ssyncset.done $0x0  }
0x4a2: {  	[sflag:s15] =	ssyncadd.s32 $0xFFFFE000  }
0x4a3: {  	_ =	sfence.sel $0x180000  }
0x4a4: {  	[bflag:$0x0] =	sbarrier.arrive $0xFFFF  }
0x4a5: {  	p0 =	sne.s32 s1, $0x0;
	_ =	strace $0x90000047  }
0x4a6: {  	s0 =	sadd.s32 @!p0 $0x100000, s0;
	[bflag:$0x2] =	sbarrier.arrive $0xFFFF  }
0x4a7: {  	[sflag:s0] =	ssyncadd.tile.s32 @!p0 $0x1;
	_ =	shalt  }
.Lfunc_end2:
_tile_overlayer_lowered:
.L_overlay_start_2:
0x4a8: {  	(tag) =	ssettag $0x2  }
0x4a9: {  	s0 =	rddreg [dreg:$0x0];
	s2 =	stileid.u32  }
0x4aa: {  	s1 =	rddreg [dreg:$0x1];
	p0 =	sne.s32 s2, $0x0  }
0x4ab: {  	s3 =	rddreg [dreg:$0x2];
	[bflag:$0x3] =	sbarrier.arrive $0xFFFF;
	s2 =	simm.s32 @!p0 $0x1C03  }
0x4ac: {  	[timem:s3], [sflag:s2] =	dma.local @!p0 [hbm:s0], s1  }
0x4ad: {  	s0 =	simm.s32 @!p0 $0x3  }
0x4ae: {  	_ =	swait.ge @!p0 [sflag:s0], s1  }
0x4af: {  	s1 =	ssub.s32 @!p0 $0x0, s1;
	[sflag:s0] =	ssyncset.done @!p0 $0x0  }
0x4b0: {  	[sflag:s0] =	ssyncadd.s32 @!p0 s1  }
0x4b1: {  	[bflag:$0x3] =	sbarrier.arrive $0xFFFF  }
0x4b2: {  	_ =	shalt  }

// kernel: kernel.8.cloned.1.call-start
scs
__scs_entry_jumppad:
0x0: {  	(pc) =	sbr.rel $0x88, $3  }
0x1: {  	(tag) =	ssettag $0x0;
	lr =	simm.s32 $0x1  }
0x2: {  	[smem:$0x3F9C] =	sst lr;
	_ =	strace $0xD0000000  }
0x3: {  	_ = 	snop  }
0x4: {  	_ = 	snop  }
0x5: {  	_ = 	snop  }
0x6: {  	_ = 	snop  }
0x7: {  	_ = 	snop  }
__scs_overlays_trampoline_lowered:
0x8: {  	[smem:$0x3FAB] =	sst s0  }
0x9: {  	[smem:$0x3FAC] =	sst s1  }
0xa: {  	[smem:$0x3FAD] =	sst s2  }
0xb: {  	[smem:$0x3FAE] =	sst s3  }
0xc: {  	[smem:$0x3FAF] =	sst s4  }
0xd: {  	[smem:$0x3FB0] =	sst s5  }
0xe: {  	[smem:$0x3FB1] =	sst s6  }
0xf: {  	[smem:$0x3FB2] =	sst s7  }
0x10: {  	[smem:$0x3FB3] =	sst s8  }
0x11: {  	[smem:$0x3FB4] =	sst s9;
	s0 =	simm.s32 @!p0 $0x0  }
0x12: {  	s1 =	sld [smem:$0x3F9A];
	s0 =	simm.s32 @p0 $0x1  }
0x13: {  	[smem:$0x3FB5] =	sst s0;
	s0 =	simm.s32 @!p1 $0x0  }
0x14: {  	s2 =	sld [smem:$0x3F99];
	s0 =	simm.s32 @p1 $0x1  }
0x15: {  	[smem:$0x3FB6] =	sst s0;
	s0 =	simm.s32 @!p2 $0x0  }
0x16: {  	s3 =	sld [smem:$0x3FDB];
	s0 =	simm.s32 @p2 $0x1  }
0x17: {  	s4 =	simm.s32 $0x1BF5;
	[smem:$0x3FB8] =	sst s0  }
0x18: {  	s0 =	sld [smem:$0x3F9B];
	_ =	swait.ge [sflag:s4], $0x0  }
0x19: {  	s7 =	sld [smem:$0x3F9C]  }
0x1a: {  	s8 =	sadd.s32 $0xFFFFE003, lr  }
0x1b: {  	s9 =	sadd.s32 $0xFFFFFEF7, lr;
	s5 =	simm.s32 $0xFFFFFFFF;
	p2 =	slt.u32 s8, $0xFFFFF086  }
0x1c: {  	p1 =	slt.u32 s9, $0xF7A;
	s5 =	simm.s32 @!p2 $0x0  }
0x1d: {  	s5 =	simm.s32 @p1 $0x1;
	p0 =	seq.s32 s7, s2  }
0x1e: {  	s7 =	smul.u32 @!p0 $0xF7A, s2;
	p2 =	seq.s32 @!p0 s5, $0x0  }
0x1f: {  	s9 =	smul.u32 $0xF7A, s1;
	s8 =	simm.s32 @!p0 $0x1BF5;
	p2 =	por !p2, p0  }
0x20: {  	[sflag:s8] =	ssyncset.s32 @!p0 $0xFFFFF086;
	s6 =	sadd.s32 @!p0 s3, s7;
	s7 =	simm.s32 @!p0 $0x108  }
0x21: {  	s3 =	sadd.s32 s3, s9;
	s6 =	sadd.s32 @!p0 $0x88, s6;
	s7 =	simm.s32 @p2 $0x1082  }
0x22: {  	[simem:s7], [sflag:s8] =	dma.local @!p0 [hbm:s6], $0xF7A  }
0x23: {  	s9 =	sor.u32 $0xD0000000, s2;
	s6 =	simm.s32 $0x108;
	_ =	swait.ge @!p0 [sflag:s8], $0x0  }
0x24: {  	s3 =	sadd.s32 $0x88, s3;
	s6 =	simm.s32 @!p1 $0x1082;
	[sflag:s4] =	ssyncset.s32 $0xFFFFF086  }
0x25: {  	[simem:s6], [sflag:s4] =	dma.local [hbm:s3], $0xF7A  }
0x26: {  	[smem:$0x3F9C] =	sst s1;
	(tag) =	ssettag s2;
	_ =	strace s9  }
0x27: {  	s1 =	sld [smem:$0x3FAC]  }
0x28: {  	s2 =	sld [smem:$0x3FAD]  }
0x29: {  	s4 =	sld [smem:$0x3FAF]  }
0x2a: {  	p0 =	seq.s32 s5, $0x0;
	s5 =	sld [smem:$0x3FB0]  }
0x2b: {  	s6 =	sld [smem:$0x3FB1]  }
0x2c: {  	s7 =	sld [smem:$0x3FB2]  }
0x2d: {  	s3 =	simm.s32 $0x108;
	s8 =	sld [smem:$0x3FB3]  }
0x2e: {  	s3 =	simm.s32 @!p0 $0x1082;
	s9 =	sld [smem:$0x3FB4]  }
0x2f: {  	lr =	sadd.s32 s0, s3;
	s0 =	sld [smem:$0x3FAB]  }
0x30: {  	s3 =	sld [smem:$0x3FAE]  }
0x31: {  	[smem:$0x3FB7] =	sst s10  }
0x32: {  	s10 =	sld [smem:$0x3FB5];
	_ =	sdelay $0x3  }
0x33: {  	p0 =	seq.s32 s10, $0x1;
	s10 =	sld [smem:$0x3FB7];
	_ =	sdelay $0x3  }
0x34: {  	[smem:$0x3FB7] =	sst s10  }
0x35: {  	s10 =	sld [smem:$0x3FB6];
	_ =	sdelay $0x3  }
0x36: {  	p1 =	seq.s32 s10, $0x1;
	s10 =	sld [smem:$0x3FB7];
	_ =	sdelay $0x3  }
0x37: {  	[smem:$0x3FB7] =	sst s10  }
0x38: {  	s10 =	sld [smem:$0x3FB8]  }
0x39: {  	_ = 	snop;
	(pc) =	sbr.ind lr, $3  }
0x3a: {  	_ = 	snop  }
0x3b: {  	_ = 	snop  }
0x3c: {  	p2 =	seq.s32 s10, $0x1;
	s10 =	sld [smem:$0x3FB7]  }
0x3d: {  	_ =	shalt  }
0x3e: {  	_ =	shalt  }
0x3f: {  	_ =	shalt  }
0x40: {  	_ =	shalt  }
0x41: {  	_ =	shalt  }
0x42: {  	_ =	shalt  }
0x43: {  	_ =	shalt  }
0x44: {  	_ =	shalt  }
0x45: {  	_ =	shalt  }
0x46: {  	_ =	shalt  }
0x47: {  	_ =	shalt  }
0x48: {  	_ =	shalt  }
0x49: {  	_ =	shalt  }
0x4a: {  	_ =	shalt  }
0x4b: {  	_ =	shalt  }
0x4c: {  	_ =	shalt  }
0x4d: {  	_ =	shalt  }
0x4e: {  	_ =	shalt  }
0x4f: {  	_ =	shalt  }
0x50: {  	_ =	shalt  }
0x51: {  	_ =	shalt  }
0x52: {  	_ =	shalt  }
0x53: {  	_ =	shalt  }
0x54: {  	_ =	shalt  }
0x55: {  	_ =	shalt  }
0x56: {  	_ =	shalt  }
0x57: {  	_ =	shalt  }
0x58: {  	_ =	shalt  }
0x59: {  	_ =	shalt  }
0x5a: {  	_ =	shalt  }
0x5b: {  	_ =	shalt  }
0x5c: {  	_ =	shalt  }
0x5d: {  	_ =	shalt  }
0x5e: {  	_ =	shalt  }
0x5f: {  	_ =	shalt  }
0x60: {  	_ =	shalt  }
0x61: {  	_ =	shalt  }
0x62: {  	_ =	shalt  }
0x63: {  	_ =	shalt  }
0x64: {  	_ =	shalt  }
0x65: {  	_ =	shalt  }
0x66: {  	_ =	shalt  }
0x67: {  	_ =	shalt  }
0x68: {  	_ =	shalt  }
0x69: {  	_ =	shalt  }
0x6a: {  	_ =	shalt  }
0x6b: {  	_ =	shalt  }
0x6c: {  	_ =	shalt  }
0x6d: {  	_ =	shalt  }
0x6e: {  	_ =	shalt  }
0x6f: {  	_ =	shalt  }
0x70: {  	_ =	shalt  }
0x71: {  	_ =	shalt  }
0x72: {  	_ =	shalt  }
0x73: {  	_ =	shalt  }
0x74: {  	_ =	shalt  }
0x75: {  	_ =	shalt  }
0x76: {  	_ =	shalt  }
0x77: {  	_ =	shalt  }
0x78: {  	_ =	shalt  }
0x79: {  	_ =	shalt  }
0x7a: {  	_ =	shalt  }
0x7b: {  	_ =	shalt  }
0x7c: {  	_ =	shalt  }
0x7d: {  	_ =	shalt  }
0x7e: {  	_ =	shalt  }
0x7f: {  	_ =	shalt  }
0x80: {  	_ =	shalt  }
0x81: {  	_ =	shalt  }
0x82: {  	_ =	shalt  }
0x83: {  	_ =	shalt  }
0x84: {  	_ =	shalt  }
0x85: {  	_ =	shalt  }
0x86: {  	_ =	shalt  }
0x87: {  	_ =	shalt  }
.Lfunc_end0:
.L_simem_size_0:
called_computation.1_lowered:
.L_overlay_start_0:
0x88: {  	s2 =	sld [smem:$0x3FD9]  }
0x89: {  	s3 =	sld [smem:$0x3FFE];
	_ =	sdelay $0x1  }
0x8a: {  	s1 =	srdreg.scid  }
0x8b: {  	s0 =	sand.u32 $0x1, s1  }
0x8c: {  	s17 =	sshll.u32 s0, $0xA;
	s2 =	sadd.s32 s3, s2  }
0x8d: {  	s2 =	sadd.s32 s2, s17  }
0x8e: {  	[smem:$0x3FC3] =	sst s2  }
0x8f: {  	_ = 	snop  }
0x90: {  	s2 =	sld [smem:$0x3FC9]  }
0x91: {  	s18 =	sld [smem:$0x3FD0];
	(tm) =	ssettm $0x1  }
0x92: {  	s4 =	sld [smem:$0x3FFB];
	_ =	sdelay $0x3  }
0x93: {  	_ =	strace s4  }
0x94: {  	s4 =	sld [smem:$0x3FFC];
	_ =	sdelay $0x3  }
0x95: {  	_ =	strace s4  }
0x96: {  	s4 =	sld [smem:$0x3FFD];
	_ =	sdelay $0x3  }
0x97: {  	_ =	strace s4  }
0x98: {  	_ =	strace $0x8FFFFFFF  }
0x99: {  	s19 =	sld [smem:$0x3FDB];
	_ =	sdelay $0x1  }
0x9a: {  	s5 =	simm.s32 $_scs_section_size  }
0x9b: {  	s6 =	simm.s32 $_size__tile_overlayer_lowered;
	s7 =	simm.s32 $_tile_overlayer_lowered  }
0x9c: {  	s22 =	simm.s32 $0x1BFF;
	s21 =	sshll.u32 s7, $0x1;
	s4 =	sadd.s32 s5, s19  }
0x9d: {  	s8 =	simm.s32 $0x0;
	s20 =	sshll.u32 s6, $0x1;
	s6 =	sadd.s32 s21, s4  }
0x9e: {  	[timem:s8], [sflag:s22] =	dma.local [hbm:s6], s20  }
0x9f: {  	_ =	swait.ge [sflag:s22], s20  }
0xa0: {  	s5 =	ssub.s32 $0x0, s20;
	[sflag:s22] =	ssyncset.done $0x0  }
0xa1: {  	[sflag:s22] =	ssyncadd.s32 s5;
	_ =	sdelay $0x1  }
0xa2: {  	s23 =	simm.s32 $0x1B8B  }
0xa3: {  	_ =	swait.ge [sflag:s23], $0x1  }
0xa4: {  	[sflag:s23] =	ssyncset.done $0x0  }
0xa5: {  	s25 =	simm.s32 $0x1B8E;
	s24 =	sld [smem:$0x3FFE];
	[sflag:s23] =	ssyncadd.s32 $0xFFFFFFFF  }
0xa6: {  	s26 =	simm.s32 $execute0_lowered;
	[smem:$0x3FD2] =	sst s25  }
0xa7: {  	s6 =	sshll.u32 s26, $0x1;
	_ =	strace $0x80000049;
	[dreg:$0x1] =	wrdreg $0xFFFFFFFF  }
0xa8: {  	s28 =	simm.s32 $_size_execute0_lowered;
	s4 =	sadd.s32 s4, s6;
	[dreg:$0x0] =	wrdreg $0x0  }
0xa9: {  	s6 =	sshll.u32 s28, $0x1;
	[dreg:$0x2] =	wrdreg s4  }
0xaa: {  	[dreg:$0x3] =	wrdreg s6  }
0xab: {  	[dreg:$0x4] =	wrdreg $0xC0  }
0xac: {  	_ =	task [dreg:s8], $0x5FFFF  }
0xad: {  	[dreg:$0x1] =	wrdreg $0xFFFFFFFF  }
0xae: {  	[dreg:$0x0] =	wrdreg $0x60  }
0xaf: {  	[dreg:$0x2] =	wrdreg s2  }
0xb0: {  	[dreg:$0x3] =	wrdreg s24  }
0xb1: {  	[dreg:$0x4] =	wrdreg s18  }
0xb2: {  	[dreg:$0x5] =	wrdreg $0x9  }
0xb3: {  	_ =	task.clear_ibuf [dreg:s8], $0x6FFFF;
	_ =	strace $0x90000049  }
0xb4: {  	s29 =	simm.s32 $0x9;
	_ =	strace $0x8000004B  }
0xb5: {  	_ =	swait.ge [sflag:s29], $0x1  }
0xb6: {  	[sflag:s29] =	ssyncadd.s32 $0xFFFFFFFF  }
0xb7: {  	_ =	strace $0x9000004B  }
0xb8: {  	_ =	sfence  }
0xb9: {  	s30 =	sld [smem:$0x0];
	_ =	sdelay $0x2  }
0xba: {  	s31 =	sshll.u32 s1, $0xD;
	s1 =	sshrl.u32 s1, $0x2  }
0xbb: {  	s3 =	sand.u32 $0x4000, s31;
	s1 =	sadd.s32 s1, s30  }
0xbc: {  	s0 =	sor.u32 s3, s0;
	s1 =	sshll.u32 s1, $0x11  }
0xbd: {  	s0 =	sor.u32 s1, s0  }
0xbe: {  	s0 =	sadd.s32 $0x8F2B, s0  }
0xbf: {  	[sflag:s0] =	ssyncadd.remote.s32 $0x1  }
0xc0: {  	_ =	sfence.sel $0xFFFF  }
0xc1: {  	[dreg:$0x0] =	wrdreg $0xFFFFFFFF;
	(pc) =	sbr.abs _section_cstart, $3  }
0xc2: {  	[dreg:$0x1] =	wrdreg $0xFFFFFFFF  }
0xc3: {  	_ =	task.clear_ibuf [dreg:s8], $0x2FFFF;
	_ =	strace $0x9FFFFFFF  }
0xc4: {  	(tm) =	ssettm $0x7FFFFFFF  }
0xc5: {  	_ =	shalt  }
tec
execute0_lowered:
.L_overlay_start_1:
0x0: {  	(tag) =	ssettag $0x1  }
0x1: {  	s5 =	rddreg [dreg:$0x0]  }
0x2: {  	s6 =	rddreg [dreg:$0x1]  }
0x3: {  	s7 =	rddreg [dreg:$0x2]  }
0x4: {  	s0 =	rddreg [dreg:$0x3];
	s2 =	simm.s32 $0x0;
	s3 =	srdreg.scid  }
0x5: {  	s1 =	stileid.u32;
	s11 =	simm.s32 $0x600;
	s12 =	simm.s32 $0x400  }
0x6: {  	s13 =	simm.s32 $0x800;
	s14 =	simm.s32 $0xA00;
	s15 =	simm.s32 $0x1  }
0x7: {  	s16 =	simm.s32 $0x2;
	s17 =	simm.s32 $0xC00;
	s18 =	simm.s32 $0x0  }
0x8: {  	[smem:$0x7FF] =	sst s2;
	s4 =	sand.u32 $0x1, s3;
	s8 =	sshll.u32 s1, $0x7  }
0x9: {  	s3 =	sadd.s32 $0x1400, s6;
	s9 =	sshll.u32 s4, $0x6;
	s31 =	ssub.s32 $0x2, s4  }
0xa: {  	_ =	strace $0x8000004A;
	s8 =	sor.u32 s9, s8;
	s10 =	sshrl.u32 s31, $0x1  }
0xb: {  	s4 =	sadd.s32 $0x9400, s6;
	s6 =	sadd.s32 s8, s6;
	s9 =	ssub.s32 s31, s10  }
0xc: {  	s5 =	sadd.s32 s5, s8;
	s7 =	sadd.s32 s7, s8;
	s10 =	simm.s32 $0x200  }
0xd: {  	s6 =	sadd.s32 $0x1FE00, s6;
	s8 =	smax.u32 s9, $0x1;
	s9 =	simm.s32 $0x3  }
.LBB2_1:
0xe: {  	[tilespmem:s2], [sflag:$0x3] =	stream.linear.gather [hbm4b:s5+s2], $0x200, $0x38;
	[tilespmem:$0xE00] =	vst v63  }
0xf: {  	_ =	swait.ge [sflag:s9], $0x200  }
0x10: {  	[sflag:s9] =	ssyncset.done $0x0  }
0x11: {  	s19 =	simm.s32 $0x0;
	[sflag:s9] =	ssyncadd.s32 $0xFFFFFE00  }
0x12: {  	v0 =	vld [tilespmem:s19+$0x0]  }
0x13: {  	s20 =	simm.s32 $0x40  }
.LBB2_2:
0x14: {  	_ = 	snop  }
0x15: {  	p0 =	sne.s32 s20, $0x7C0  }
.Ltmp0:
0x16: {  	_ = 	snop;
	(pc) =	sbr.rel @p0 .LBB2_2-.Ltmp0, $4  }
0x17: {  	v1 =	vand.u32 $0x3FFFF, v0;
	vm0 =	vgt.s32 v0, $0x3FFFF;
	v2 =	vadd.s32 $0xFFFC0000, v0;
	v3 =	vmovc v0  }
0x18: {  	s21 =	sshra.s32 s20, $0x2;
	vm1 =	vlt.s32 v3, $0x40000;
	v2 =	vsel vm0, v2, v1  }
0x19: {  	v0 =	vld [tilespmem:s21+$0x0];
	v1 =	vsel vm1, v3, v1;
	[tilespmem:s19+$0x400] =	vst v2  }
0x1a: {  	s20 =	sadd.s32 $0x40, s20;
	[tilespmem:s19+$0x200] =	vst v1;
	s19 =	smov.u32 s21  }
0x1b: {  	_ =	sdelay $0x2  }
0x1c: {  	v1 =	vand.u32 $0x3FFFF, v0;
	vm0 =	vgt.s32 v0, $0x3FFFF;
	v2 =	vadd.s32 $0xFFFC0000, v0  }
0x1d: {  	vm1 =	vlt.s32 v0, $0x40000;
	v2 =	vsel vm0, v2, v1  }
0x1e: {  	v0 =	vsel vm1, v0, v1;
	[tilespmem:s19+$0x400] =	vst v2  }
0x1f: {  	[tilespmem:s19+$0x200] =	vst v0  }
0x20: {  	[tilespmem:s11], [sflag:$0x1] =	stream.indirect.gather [hbm4b:s3+s10], $0x1, s10, s10, $0xb8;
	[tilespmem:$0xE00] =	vst v63  }
0x21: {  	_ = 	snop  }
0x22: {  	[tilespmem:s13], [sflag:$0x2] =	stream.indirect.gather [hbm4b:s4+s10], $0x1, s12, s10, $0xb8;
	[tilespmem:$0xE00] =	vst v63  }
0x23: {  	s31 =	simm.s32 $0x0  }
0x24: {  	[tilespmem:s14], [sflag:$0x3] =	stream.linear.gather [hbm4b:s6+s31], $0x200, $0x38;
	[tilespmem:$0xE00] =	vst v63  }
0x25: {  	_ =	swait.ge [sflag:s9], $0x200  }
0x26: {  	[sflag:s9] =	ssyncset.done $0x0  }
0x27: {  	[sflag:s9] =	ssyncadd.s32 $0xFFFFFE00  }
0x28: {  	_ =	swait.ge [sflag:s15], $0x200  }
0x29: {  	[sflag:s15] =	ssyncset.done $0x0  }
0x2a: {  	[sflag:s15] =	ssyncadd.s32 $0xFFFFFE00  }
0x2b: {  	_ =	swait.ge [sflag:s16], $0x200  }
0x2c: {  	[sflag:s16] =	ssyncset.done $0x0  }
0x2d: {  	s19 =	simm.s32 $0x0;
	[sflag:s16] =	ssyncadd.s32 $0xFFFFFE00  }
0x2e: {  	v0 =	vld [tilespmem:s19+$0x600]  }
0x2f: {  	v1 =	vld [tilespmem:s19+$0x0]  }
0x30: {  	v2 =	vld [tilespmem:s19+$0x800]  }
0x31: {  	v3 =	vld [tilespmem:s19+$0xA00]  }
0x32: {  	s20 =	simm.s32 $0x40  }
.LBB2_4:
0x33: {  	s21 =	sshra.s32 s20, $0x2;
	v4 =	vmov v0;
	p0 =	sne.s32 s20, $0x7C0  }
.Ltmp1:
0x34: {  	s20 =	sadd.s32 $0x40, s20;
	v0 =	vld [tilespmem:s21+$0x600];
	vm0 =	vlt.s32 v1, $0x40000;
	(pc) =	sbr.rel @p0 .LBB2_4-.Ltmp1, $4  }
0x35: {  	v1 =	vld [tilespmem:s21+$0x0];
	v4 =	vsel vm0, v4, v2  }
0x36: {  	v2 =	vld [tilespmem:s21+$0x800];
	v4 =	vadd.f32 v3, v4  }
0x37: {  	v3 =	vld [tilespmem:s21+$0xA00]  }
0x38: {  	[tilespmem:s19+$0xC00] =	vst v4;
	s19 =	smov.u32 s21  }
0x39: {  	_ = 	snop  }
0x3a: {  	vm0 =	vlt.s32 v1, $0x40000  }
0x3b: {  	v0 =	vsel vm0, v0, v2  }
0x3c: {  	s18 =	sadd.s32 $0x1, s18;
	v0 =	vadd.f32 v3, v0  }
0x3d: {  	p0 =	sne.s32 s18, s8  }
.Ltmp2:
0x3e: {  	[tilespmem:s19+$0xC00] =	vst v0;
	(pc) =	sbr.rel @p0 .LBB2_1-.Ltmp2, $4  }
0x3f: {  	[hbm4b:s7+s2] =	stream.linear.scatter [tilespmem:s17], [sflag:$0x3], $0x200, $0x38;
	[tilespmem:$0xE00] =	vst v63  }
0x40: {  	_ =	swait.ge [sflag:s9], $0x200  }
0x41: {  	[sflag:s9] =	ssyncset.done $0x0  }
0x42: {  	[sflag:s9] =	ssyncadd.s32 $0xFFFFFE00  }
0x43: {  	_ =	sfence.sel $0x180000  }
0x44: {  	[bflag:$0x0] =	sbarrier.arrive $0xFFFF  }
0x45: {  	p0 =	sne.s32 s1, $0x0;
	_ =	strace $0x9000004A  }
0x46: {  	s0 =	sadd.s32 @!p0 $0x100000, s0;
	[bflag:$0x2] =	sbarrier.arrive $0xFFFF  }
0x47: {  	[sflag:s0] =	ssyncadd.tile.s32 @!p0 $0x1;
	_ =	shalt  }
.Lfunc_end2:
_tile_overlayer_lowered:
.L_overlay_start_2:
0x48: {  	(tag) =	ssettag $0x2  }
0x49: {  	s0 =	rddreg [dreg:$0x0];
	s2 =	stileid.u32  }
0x4a: {  	s1 =	rddreg [dreg:$0x1];
	p0 =	sne.s32 s2, $0x0  }
0x4b: {  	s3 =	rddreg [dreg:$0x2];
	[bflag:$0x3] =	sbarrier.arrive $0xFFFF;
	s2 =	simm.s32 @!p0 $0x1C03  }
0x4c: {  	[timem:s3], [sflag:s2] =	dma.local @!p0 [hbm:s0], s1  }
0x4d: {  	s0 =	simm.s32 @!p0 $0x3  }
0x4e: {  	_ =	swait.ge @!p0 [sflag:s0], s1  }
0x4f: {  	s1 =	ssub.s32 @!p0 $0x0, s1;
	[sflag:s0] =	ssyncset.done @!p0 $0x0  }
0x50: {  	[sflag:s0] =	ssyncadd.s32 @!p0 s1  }
0x51: {  	[bflag:$0x3] =	sbarrier.arrive $0xFFFF  }
0x52: {  	_ =	shalt  }

</sc_bundles>
